<compile_context>
chip_gen: v7x
topology: tpu7x:2x2x1
jax: 0.10.2.dev20260603
libtpu: 0.0.44.dev20260713+nightly
codegen_flags: <defaults>
</compile_context>

<pallas_src>
import functools

import jax
import jax.numpy as jnp
from jax import lax
from jax.experimental import pallas as pl
from jax.experimental.pallas import tpu as pltpu
from jax.experimental.pallas import tpu_sc as plsc

_N_NODES = 10000
_N_EDGES = 320000
_D = 128
_NC = 2
_NS = 16
_LANES = 16
_DH = _D // _NC
_EPT = _N_EDGES // _NS
_CHUNK = 80
_NCHUNK = 250
_EPAD = _NCHUNK * _CHUNK - _EPT
_NPAD = 10240
_RPT = _NPAD // _NS
_NG = 5

_mesh = plsc.VectorSubcoreMesh(
    core_axis_name="c", subcore_axis_name="s", num_cores=_NC, num_subcores=_NS
)


@functools.partial(
    pl.kernel,
    out_type=jax.ShapeDtypeStruct((_NC, _NPAD, _DH), jnp.float32),
    mesh=_mesh,
    scratch_types=[
        pltpu.VMEM((_NCHUNK, _CHUNK), jnp.int32),
        pltpu.VMEM((_NCHUNK, _CHUNK), jnp.int32),
        pltpu.VMEM((_NCHUNK, _CHUNK), jnp.float32),
        pltpu.VMEM((_CHUNK, _DH), jnp.float32),
        pltpu.VMEM((_CHUNK, _DH), jnp.float32),
        pltpu.VMEM((_CHUNK, _DH), jnp.float32),
        pltpu.VMEM((_CHUNK, _DH), jnp.float32),
        pltpu.VMEM((_CHUNK, _DH), jnp.float32),
        pltpu.VMEM_SHARED((_NPAD, _DH), jnp.float32),
        pltpu.SemaphoreType.DMA,
        pltpu.SemaphoreType.DMA,
        pltpu.SemaphoreType.DMA,
        pltpu.SemaphoreType.DMA,
        pltpu.SemaphoreType.DMA,
        pltpu.SemaphoreType.DMA,
        pltpu.SemaphoreType.DMA,
        pltpu.SemaphoreType.DMA,
        pltpu.SemaphoreType.DMA,
        pltpu.SemaphoreType.DMA,
    ],
    compiler_params=pltpu.CompilerParams(
        needs_layout_passes=False, use_tc_tiling_on_sc=False
    ),
)
def _gsum_sc(x_cat, erow3, ecol3a, ecol3b, ev3, out, ridx, cidx, val,
             rows0, rows1, rows2, rows3, rows4,
             acc, sg0, sg1, sg2, sg3, sg4, ss0, ss1, ss2, ss3, ss4):
    c = lax.axis_index("c")
    s = lax.axis_index("s")
    rows = (rows0, rows1, rows2, rows3, rows4)
    semg = (sg0, sg1, sg2, sg3, sg4)
    sems = (ss0, ss1, ss2, ss3, ss4)

    pltpu.async_copy(erow3.at[s], ridx, sg0)

    @pl.when(c == 0)
    def _():
        pltpu.async_copy(ecol3a.at[s], cidx, sg1)

    @pl.when(c == 1)
    def _():
        pltpu.async_copy(ecol3b.at[s], cidx, sg1)

    pltpu.async_copy(ev3.at[s], val, sg2)

    zeros16 = jnp.zeros((_LANES,), jnp.float32)

    def _zero_row(i, carry):
        for j in range(_DH // _LANES):
            rows0[i, pl.ds(j * _LANES, _LANES)] = zeros16
        return carry

    lax.fori_loop(0, _CHUNK, _zero_row, 0)
    for k in range(_RPT // _CHUNK):
        pltpu.sync_copy(rows0, acc.at[pl.ds(s * _RPT + k * _CHUNK, _CHUNK)])

    pltpu.make_async_copy(erow3.at[s], ridx, sg0).wait()
    pltpu.make_async_copy(ecol3a.at[s], cidx, sg1).wait()
    pltpu.make_async_copy(ev3.at[s], val, sg2).wait()
    plsc.subcore_barrier()

    def _issue_gather(ck, g):
        pltpu.async_copy(x_cat.at[cidx.at[ck]], rows[g], semg[g])

    def _wait_gather(g):
        pltpu.make_async_copy(x_cat.at[cidx.at[0]], rows[g], semg[g]).wait()

    def _issue_scatter(ck, g):
        pltpu.async_copy(rows[g], acc.at[ridx.at[ck]], sems[g], add=True)

    def _wait_scatter(g):
        pltpu.make_async_copy(rows[g], acc.at[ridx.at[0]], sems[g]).wait()

    def _scale(ck, g):
        rbuf = rows[g]
        i0 = jnp.full((_LANES,), ck, jnp.int32)

        def _grp(eb, carry):
            for k in range(8):
                e = eb * 8 + k
                vb = plsc.load_gather(val, [i0, jnp.full((_LANES,), e, jnp.int32)])
                for j in range(_DH // _LANES):
                    sl = pl.ds(j * _LANES, _LANES)
                    rbuf[e, sl] = rbuf[e, sl] * vb
            return carry

        lax.fori_loop(0, _CHUNK // 8, _grp, 0)

    _issue_gather(0, 0)
    _issue_gather(1, 1)
    _issue_gather(2, 2)

    def _quint(t, carry):
        for j in range(5):
            ck = t * 5 + j
            w = (j + 3) % _NG

            @pl.when(ck >= 2)
            def _():
                _wait_scatter(w)

            @pl.when(ck + 3 < _NCHUNK)
            def _():
                _issue_gather(ck + 3, w)

            _wait_gather(j)
            _scale(ck, j)
            _issue_scatter(ck, j)
        return carry

    lax.fori_loop(0, _NCHUNK // 5, _quint, 0)

    _wait_scatter(3)
    _wait_scatter(4)
    plsc.subcore_barrier()

    pltpu.sync_copy(acc.at[pl.ds(s * _RPT, _RPT)], out.at[c, pl.ds(s * _RPT, _RPT)])


def kernel(x, edge_index, edge_values):
    x_cat = jnp.concatenate([x[:, :_DH], x[:, _DH:]], axis=0)
    pad = ((0, 0), (0, _EPAD))
    erow3 = jnp.pad(
        edge_index[0].reshape(_NS, _EPT), pad, constant_values=_NPAD - 1
    ).reshape(_NS, _NCHUNK, _CHUNK)
    ecol3a = jnp.pad(
        edge_index[1].reshape(_NS, _EPT), pad, constant_values=0
    ).reshape(_NS, _NCHUNK, _CHUNK)
    ecol3b = ecol3a + _N_NODES
    ev3 = jnp.pad(
        edge_values.reshape(_NS, _EPT), pad, constant_values=0.0
    ).reshape(_NS, _NCHUNK, _CHUNK)
    out = _gsum_sc(x_cat, erow3, ecol3a, ecol3b, ev3)
    return jnp.concatenate([out[0, :_N_NODES], out[1, :_N_NODES]], axis=1)

# --- scband reference (transcript-rebuilt; emitter-appended) ---
"""Pipeline reference for scband-gsum-layer-19172734010021 (READ-ONLY COPY).

The authoritative reference and input builder live on the scoring server;
editing this copy changes nothing except your own understanding.
"""

import jax, jax.numpy as jnp
import numpy as np

N_NODES = 10000
N_EDGES = 320000
D_FEAT = 128


def setup_inputs(seed: int = 0) -> dict:
    key = jax.random.key(seed)
    k1, k2, k3 = jax.random.split(key, 3)
    x = jax.random.normal(k1, (N_NODES, D_FEAT), dtype=jnp.float32)
    edge_index = jax.random.randint(k2, (2, N_EDGES), 0, N_NODES, dtype=jnp.int32)
    edge_values = jax.random.uniform(k3, (N_EDGES,), dtype=jnp.float32)
    return {"x": x, "edge_index": edge_index, "edge_values": edge_values}


def reference(x, edge_index, edge_values):
    # GsumLayer: y = A @ x where A is a sparse adjacency matrix given in COO form.
    # edge_index[0] = row (destination / output node), edge_index[1] = col (source node).
    # y[i] = sum over edges e with row[e]==i of edge_values[e] * x[col[e]]
    row = edge_index[0]
    col = edge_index[1]
    gathered = jnp.take(x, col, axis=0) * edge_values[:, None]
    y = jax.ops.segment_sum(gathered, row, num_segments=N_NODES)
    return y

if __name__ == "__main__":
    import jax
    _d = setup_inputs()
    print(jax.jit(kernel)(*tuple(_d.values())))

</pallas_src>

<mosaic_0001>
#map = affine_map<(d0, d1) -> (0, 0)>
#map1 = affine_map<(d0, d1) -> (0, 0, 0)>
module attributes {stable_mosaic.version = 14 : i64} {
  func.func @_gsum_sc(%arg0: i32, %arg1: i32, %arg2: memref<20000x64xf32, #tpu.memory_space<hbm>>, %arg3: memref<16x250x80xi32, #tpu.memory_space<hbm>>, %arg4: memref<16x250x80xi32, #tpu.memory_space<hbm>>, %arg5: memref<16x250x80xi32, #tpu.memory_space<hbm>>, %arg6: memref<16x250x80xf32, #tpu.memory_space<hbm>>, %arg7: memref<2x10240x64xf32, #tpu.memory_space<hbm>>, %arg8: memref<250x80xi32, #tpu.memory_space<vmem>>, %arg9: memref<250x80xi32, #tpu.memory_space<vmem>>, %arg10: memref<250x80xf32, #tpu.memory_space<vmem>>, %arg11: memref<80x64xf32, #tpu.memory_space<vmem>>, %arg12: memref<80x64xf32, #tpu.memory_space<vmem>>, %arg13: memref<80x64xf32, #tpu.memory_space<vmem>>, %arg14: memref<80x64xf32, #tpu.memory_space<vmem>>, %arg15: memref<80x64xf32, #tpu.memory_space<vmem>>, %arg16: memref<10240x64xf32, #tpu.memory_space<vmem_shared>>, %arg17: memref<!tpu.dma_semaphore, #tpu.memory_space<semaphore_mem>>, %arg18: memref<!tpu.dma_semaphore, #tpu.memory_space<semaphore_mem>>, %arg19: memref<!tpu.dma_semaphore, #tpu.memory_space<semaphore_mem>>, %arg20: memref<!tpu.dma_semaphore, #tpu.memory_space<semaphore_mem>>, %arg21: memref<!tpu.dma_semaphore, #tpu.memory_space<semaphore_mem>>, %arg22: memref<!tpu.dma_semaphore, #tpu.memory_space<semaphore_mem>>, %arg23: memref<!tpu.dma_semaphore, #tpu.memory_space<semaphore_mem>>, %arg24: memref<!tpu.dma_semaphore, #tpu.memory_space<semaphore_mem>>, %arg25: memref<!tpu.dma_semaphore, #tpu.memory_space<semaphore_mem>>, %arg26: memref<!tpu.dma_semaphore, #tpu.memory_space<semaphore_mem>>) attributes {dimension_semantics = [#tpu.dimension_semantics<core_parallel>, #tpu.dimension_semantics<subcore_parallel>], iteration_bounds = array<i64: 2, 16>, scalar_prefetch = 0 : i64, scratch_operands = 19 : i64, tpu.core_type = #tpu.core_type<sc_vector_subcore>, window_params = [{transform_indices = #map}, {transform_indices = #map1}, {transform_indices = #map1}, {transform_indices = #map1}, {transform_indices = #map1}, {transform_indices = #map1}]} {
    %dma_start3A = arith.constant 0 : i32
    %dma_start3A_0 = arith.constant 0 : i32
    %dma_start3A_1 = tpu.memref_slice %arg3[%arg1, %dma_start3A, %dma_start3A_0] : memref<16x250x80xi32, #tpu.memory_space<hbm>> -> memref<1x250x80xi32, #tpu.memory_space<hbm>>
    %dma_start3A_2 = tpu.memref_squeeze %dma_start3A_1 : memref<1x250x80xi32, #tpu.memory_space<hbm>> -> memref<250x80xi32, #tpu.memory_space<hbm>>
    %dma_start3A_3 = arith.constant 0 : i32
    %dma_start3A_4 = arith.constant 0 : i32
    %dma_start3A_5 = tpu.memref_slice %arg3[%arg1, %dma_start3A_3, %dma_start3A_4] : memref<16x250x80xi32, #tpu.memory_space<hbm>> -> memref<1x250x80xi32, #tpu.memory_space<hbm>>
    %dma_start3A_6 = tpu.memref_squeeze %dma_start3A_5 : memref<1x250x80xi32, #tpu.memory_space<hbm>> -> memref<250x80xi32, #tpu.memory_space<hbm>>
    tpu.enqueue_dma source(%dma_start3A_6 : memref<250x80xi32, #tpu.memory_space<hbm>>) target(%arg8 : memref<250x80xi32, #tpu.memory_space<vmem>>) target_semaphore(%arg17 : memref<!tpu.dma_semaphore, #tpu.memory_space<semaphore_mem>>)
    %eq3A = arith.constant 0 : i32
    %eq3A_7 = arith.cmpi eq, %arg0, %eq3A : i32
    %convert_element_type3A = arith.extui %eq3A_7 : i1 to i32
    %cond3A = arith.constant 0 : i32
    %cond3A_8 = arith.cmpi ne, %convert_element_type3A, %cond3A : i32
    scf.if %cond3A_8 {
      %dma_start3A_127 = arith.constant 0 : i32
      %dma_start3A_128 = arith.constant 0 : i32
      %dma_start3A_129 = tpu.memref_slice %arg4[%arg1, %dma_start3A_127, %dma_start3A_128] : memref<16x250x80xi32, #tpu.memory_space<hbm>> -> memref<1x250x80xi32, #tpu.memory_space<hbm>>
      %dma_start3A_130 = tpu.memref_squeeze %dma_start3A_129 : memref<1x250x80xi32, #tpu.memory_space<hbm>> -> memref<250x80xi32, #tpu.memory_space<hbm>>
      %dma_start3A_131 = arith.constant 0 : i32
      %dma_start3A_132 = arith.constant 0 : i32
      %dma_start3A_133 = tpu.memref_slice %arg4[%arg1, %dma_start3A_131, %dma_start3A_132] : memref<16x250x80xi32, #tpu.memory_space<hbm>> -> memref<1x250x80xi32, #tpu.memory_space<hbm>>
      %dma_start3A_134 = tpu.memref_squeeze %dma_start3A_133 : memref<1x250x80xi32, #tpu.memory_space<hbm>> -> memref<250x80xi32, #tpu.memory_space<hbm>>
      tpu.enqueue_dma source(%dma_start3A_134 : memref<250x80xi32, #tpu.memory_space<hbm>>) target(%arg9 : memref<250x80xi32, #tpu.memory_space<vmem>>) target_semaphore(%arg18 : memref<!tpu.dma_semaphore, #tpu.memory_space<semaphore_mem>>)
    } else {
    }
    %eq3A_9 = arith.constant 1 : i32
    %eq3A_10 = arith.cmpi eq, %arg0, %eq3A_9 : i32
    %convert_element_type3A_11 = arith.extui %eq3A_10 : i1 to i32
    %cond3A_12 = arith.constant 0 : i32
    %cond3A_13 = arith.cmpi ne, %convert_element_type3A_11, %cond3A_12 : i32
    scf.if %cond3A_13 {
      %dma_start3A_127 = arith.constant 0 : i32
      %dma_start3A_128 = arith.constant 0 : i32
      %dma_start3A_129 = tpu.memref_slice %arg5[%arg1, %dma_start3A_127, %dma_start3A_128] : memref<16x250x80xi32, #tpu.memory_space<hbm>> -> memref<1x250x80xi32, #tpu.memory_space<hbm>>
      %dma_start3A_130 = tpu.memref_squeeze %dma_start3A_129 : memref<1x250x80xi32, #tpu.memory_space<hbm>> -> memref<250x80xi32, #tpu.memory_space<hbm>>
      %dma_start3A_131 = arith.constant 0 : i32
      %dma_start3A_132 = arith.constant 0 : i32
      %dma_start3A_133 = tpu.memref_slice %arg5[%arg1, %dma_start3A_131, %dma_start3A_132] : memref<16x250x80xi32, #tpu.memory_space<hbm>> -> memref<1x250x80xi32, #tpu.memory_space<hbm>>
      %dma_start3A_134 = tpu.memref_squeeze %dma_start3A_133 : memref<1x250x80xi32, #tpu.memory_space<hbm>> -> memref<250x80xi32, #tpu.memory_space<hbm>>
      tpu.enqueue_dma source(%dma_start3A_134 : memref<250x80xi32, #tpu.memory_space<hbm>>) target(%arg9 : memref<250x80xi32, #tpu.memory_space<vmem>>) target_semaphore(%arg18 : memref<!tpu.dma_semaphore, #tpu.memory_space<semaphore_mem>>)
    } else {
    }
    %dma_start3A_14 = arith.constant 0 : i32
    %dma_start3A_15 = arith.constant 0 : i32
    %dma_start3A_16 = tpu.memref_slice %arg6[%arg1, %dma_start3A_14, %dma_start3A_15] : memref<16x250x80xf32, #tpu.memory_space<hbm>> -> memref<1x250x80xf32, #tpu.memory_space<hbm>>
    %dma_start3A_17 = tpu.memref_squeeze %dma_start3A_16 : memref<1x250x80xf32, #tpu.memory_space<hbm>> -> memref<250x80xf32, #tpu.memory_space<hbm>>
    %dma_start3A_18 = arith.constant 0 : i32
    %dma_start3A_19 = arith.constant 0 : i32
    %dma_start3A_20 = tpu.memref_slice %arg6[%arg1, %dma_start3A_18, %dma_start3A_19] : memref<16x250x80xf32, #tpu.memory_space<hbm>> -> memref<1x250x80xf32, #tpu.memory_space<hbm>>
    %dma_start3A_21 = tpu.memref_squeeze %dma_start3A_20 : memref<1x250x80xf32, #tpu.memory_space<hbm>> -> memref<250x80xf32, #tpu.memory_space<hbm>>
    tpu.enqueue_dma source(%dma_start3A_21 : memref<250x80xf32, #tpu.memory_space<hbm>>) target(%arg10 : memref<250x80xf32, #tpu.memory_space<vmem>>) target_semaphore(%arg19 : memref<!tpu.dma_semaphore, #tpu.memory_space<semaphore_mem>>)
    %broadcast_in_dim3A = arith.constant 0.000000e+00 : f32
    %broadcast_in_dim3A_22 = vector.broadcast %broadcast_in_dim3A : f32 to vector<16xf32>
    %scan3A = arith.constant 0 : i32
    %scan3A_23 = arith.constant 0 : i32
    %scan3A_24 = arith.constant 80 : i32
    %scan3A_25 = arith.addi %scan3A_23, %scan3A_24 : i32
    %scan3A_26 = arith.constant 1 : i32
    scf.for %scan3A_127 = %scan3A_23 to %scan3A_25 step %scan3A_26  : i32 {
      %swap3A = arith.index_cast %scan3A_127 : i32 to index
      %swap3A_128 = arith.constant 0 : index
      %swap3A_129 = tpu.vector_load %arg11[%swap3A, %swap3A_128] {strides = array<i32>} : memref<80x64xf32, #tpu.memory_space<vmem>>, vector<16xf32>,
      tpu.vector_store %arg11[%swap3A, %swap3A_128], %broadcast_in_dim3A_22 {strides = array<i32>} : memref<80x64xf32, #tpu.memory_space<vmem>>, vector<16xf32>,
      %swap3A_130 = arith.index_cast %scan3A_127 : i32 to index
      %swap3A_131 = arith.constant 16 : index
      %swap3A_132 = tpu.vector_load %arg11[%swap3A_130, %swap3A_131] {strides = array<i32>} : memref<80x64xf32, #tpu.memory_space<vmem>>, vector<16xf32>,
      tpu.vector_store %arg11[%swap3A_130, %swap3A_131], %broadcast_in_dim3A_22 {strides = array<i32>} : memref<80x64xf32, #tpu.memory_space<vmem>>, vector<16xf32>,
      %swap3A_133 = arith.index_cast %scan3A_127 : i32 to index
      %swap3A_134 = arith.constant 32 : index
      %swap3A_135 = tpu.vector_load %arg11[%swap3A_133, %swap3A_134] {strides = array<i32>} : memref<80x64xf32, #tpu.memory_space<vmem>>, vector<16xf32>,
      tpu.vector_store %arg11[%swap3A_133, %swap3A_134], %broadcast_in_dim3A_22 {strides = array<i32>} : memref<80x64xf32, #tpu.memory_space<vmem>>, vector<16xf32>,
      %swap3A_136 = arith.index_cast %scan3A_127 : i32 to index
      %swap3A_137 = arith.constant 48 : index
      %swap3A_138 = tpu.vector_load %arg11[%swap3A_136, %swap3A_137] {strides = array<i32>} : memref<80x64xf32, #tpu.memory_space<vmem>>, vector<16xf32>,
      tpu.vector_store %arg11[%swap3A_136, %swap3A_137], %broadcast_in_dim3A_22 {strides = array<i32>} : memref<80x64xf32, #tpu.memory_space<vmem>>, vector<16xf32>,
    }
    %scan3A_27 = arith.constant 80 : i32
    %mul3A = arith.constant 640 : i32
    %mul3A_28 = arith.muli %arg1, %mul3A : i32
    %add3A = arith.constant 0 : i32
    %add3A_29 = arith.addi %mul3A_28, %add3A : i32
    "tpu.region"() ({
      %run_scoped3A = tpu.sem_alloc : memref<!tpu.dma_semaphore, #tpu.memory_space<semaphore_mem>>
      %dma_start3A_127 = arith.constant 0 : i32
      %dma_start3A_128 = tpu.memref_slice %arg16[%add3A_29, %dma_start3A_127] : memref<10240x64xf32, #tpu.memory_space<vmem_shared>> -> memref<80x64xf32, #tpu.memory_space<vmem_shared>>
      %dma_start3A_129 = arith.constant 0 : i32
      %dma_start3A_130 = tpu.memref_slice %arg16[%add3A_29, %dma_start3A_129] : memref<10240x64xf32, #tpu.memory_space<vmem_shared>> -> memref<80x64xf32, #tpu.memory_space<vmem_shared>>
      tpu.enqueue_dma source(%arg11 : memref<80x64xf32, #tpu.memory_space<vmem>>) target(%dma_start3A_130 : memref<80x64xf32, #tpu.memory_space<vmem_shared>>) target_semaphore(%run_scoped3A : memref<!tpu.dma_semaphore, #tpu.memory_space<semaphore_mem>>)
      %dma_wait3A_131 = arith.constant 0 : i32
      %dma_wait3A_132 = tpu.memref_slice %arg16[%add3A_29, %dma_wait3A_131] : memref<10240x64xf32, #tpu.memory_space<vmem_shared>> -> memref<80x64xf32, #tpu.memory_space<vmem_shared>>
      %dma_wait3A_133 = arith.constant 0 : i32
      %dma_wait3A_134 = tpu.memref_slice %arg16[%add3A_29, %dma_wait3A_133] : memref<10240x64xf32, #tpu.memory_space<vmem_shared>> -> memref<80x64xf32, #tpu.memory_space<vmem_shared>>
      tpu.wait_dma2 semaphore(%run_scoped3A : memref<!tpu.dma_semaphore, #tpu.memory_space<semaphore_mem>>) src(%arg11 : memref<80x64xf32, #tpu.memory_space<vmem>>) dst(%dma_wait3A_134 : memref<80x64xf32, #tpu.memory_space<vmem_shared>>)
      tpu.yield
    }) : () -> ()
    %mul3A_30 = arith.constant 640 : i32
    %mul3A_31 = arith.muli %arg1, %mul3A_30 : i32
    %add3A_32 = arith.constant 80 : i32
    %add3A_33 = arith.addi %mul3A_31, %add3A_32 : i32
    "tpu.region"() ({
      %run_scoped3A = tpu.sem_alloc : memref<!tpu.dma_semaphore, #tpu.memory_space<semaphore_mem>>
      %dma_start3A_127 = arith.constant 0 : i32
      %dma_start3A_128 = tpu.memref_slice %arg16[%add3A_33, %dma_start3A_127] : memref<10240x64xf32, #tpu.memory_space<vmem_shared>> -> memref<80x64xf32, #tpu.memory_space<vmem_shared>>
      %dma_start3A_129 = arith.constant 0 : i32
      %dma_start3A_130 = tpu.memref_slice %arg16[%add3A_33, %dma_start3A_129] : memref<10240x64xf32, #tpu.memory_space<vmem_shared>> -> memref<80x64xf32, #tpu.memory_space<vmem_shared>>
      tpu.enqueue_dma source(%arg11 : memref<80x64xf32, #tpu.memory_space<vmem>>) target(%dma_start3A_130 : memref<80x64xf32, #tpu.memory_space<vmem_shared>>) target_semaphore(%run_scoped3A : memref<!tpu.dma_semaphore, #tpu.memory_space<semaphore_mem>>)
      %dma_wait3A_131 = arith.constant 0 : i32
      %dma_wait3A_132 = tpu.memref_slice %arg16[%add3A_33, %dma_wait3A_131] : memref<10240x64xf32, #tpu.memory_space<vmem_shared>> -> memref<80x64xf32, #tpu.memory_space<vmem_shared>>
      %dma_wait3A_133 = arith.constant 0 : i32
      %dma_wait3A_134 = tpu.memref_slice %arg16[%add3A_33, %dma_wait3A_133] : memref<10240x64xf32, #tpu.memory_space<vmem_shared>> -> memref<80x64xf32, #tpu.memory_space<vmem_shared>>
      tpu.wait_dma2 semaphore(%run_scoped3A : memref<!tpu.dma_semaphore, #tpu.memory_space<semaphore_mem>>) src(%arg11 : memref<80x64xf32, #tpu.memory_space<vmem>>) dst(%dma_wait3A_134 : memref<80x64xf32, #tpu.memory_space<vmem_shared>>)
      tpu.yield
    }) : () -> ()
    %mul3A_34 = arith.constant 640 : i32
    %mul3A_35 = arith.muli %arg1, %mul3A_34 : i32
    %add3A_36 = arith.constant 160 : i32
    %add3A_37 = arith.addi %mul3A_35, %add3A_36 : i32
    "tpu.region"() ({
      %run_scoped3A = tpu.sem_alloc : memref<!tpu.dma_semaphore, #tpu.memory_space<semaphore_mem>>
      %dma_start3A_127 = arith.constant 0 : i32
      %dma_start3A_128 = tpu.memref_slice %arg16[%add3A_37, %dma_start3A_127] : memref<10240x64xf32, #tpu.memory_space<vmem_shared>> -> memref<80x64xf32, #tpu.memory_space<vmem_shared>>
      %dma_start3A_129 = arith.constant 0 : i32
      %dma_start3A_130 = tpu.memref_slice %arg16[%add3A_37, %dma_start3A_129] : memref<10240x64xf32, #tpu.memory_space<vmem_shared>> -> memref<80x64xf32, #tpu.memory_space<vmem_shared>>
      tpu.enqueue_dma source(%arg11 : memref<80x64xf32, #tpu.memory_space<vmem>>) target(%dma_start3A_130 : memref<80x64xf32, #tpu.memory_space<vmem_shared>>) target_semaphore(%run_scoped3A : memref<!tpu.dma_semaphore, #tpu.memory_space<semaphore_mem>>)
      %dma_wait3A_131 = arith.constant 0 : i32
      %dma_wait3A_132 = tpu.memref_slice %arg16[%add3A_37, %dma_wait3A_131] : memref<10240x64xf32, #tpu.memory_space<vmem_shared>> -> memref<80x64xf32, #tpu.memory_space<vmem_shared>>
      %dma_wait3A_133 = arith.constant 0 : i32
      %dma_wait3A_134 = tpu.memref_slice %arg16[%add3A_37, %dma_wait3A_133] : memref<10240x64xf32, #tpu.memory_space<vmem_shared>> -> memref<80x64xf32, #tpu.memory_space<vmem_shared>>
      tpu.wait_dma2 semaphore(%run_scoped3A : memref<!tpu.dma_semaphore, #tpu.memory_space<semaphore_mem>>) src(%arg11 : memref<80x64xf32, #tpu.memory_space<vmem>>) dst(%dma_wait3A_134 : memref<80x64xf32, #tpu.memory_space<vmem_shared>>)
      tpu.yield
    }) : () -> ()
    %mul3A_38 = arith.constant 640 : i32
    %mul3A_39 = arith.muli %arg1, %mul3A_38 : i32
    %add3A_40 = arith.constant 240 : i32
    %add3A_41 = arith.addi %mul3A_39, %add3A_40 : i32
    "tpu.region"() ({
      %run_scoped3A = tpu.sem_alloc : memref<!tpu.dma_semaphore, #tpu.memory_space<semaphore_mem>>
      %dma_start3A_127 = arith.constant 0 : i32
      %dma_start3A_128 = tpu.memref_slice %arg16[%add3A_41, %dma_start3A_127] : memref<10240x64xf32, #tpu.memory_space<vmem_shared>> -> memref<80x64xf32, #tpu.memory_space<vmem_shared>>
      %dma_start3A_129 = arith.constant 0 : i32
      %dma_start3A_130 = tpu.memref_slice %arg16[%add3A_41, %dma_start3A_129] : memref<10240x64xf32, #tpu.memory_space<vmem_shared>> -> memref<80x64xf32, #tpu.memory_space<vmem_shared>>
      tpu.enqueue_dma source(%arg11 : memref<80x64xf32, #tpu.memory_space<vmem>>) target(%dma_start3A_130 : memref<80x64xf32, #tpu.memory_space<vmem_shared>>) target_semaphore(%run_scoped3A : memref<!tpu.dma_semaphore, #tpu.memory_space<semaphore_mem>>)
      %dma_wait3A_131 = arith.constant 0 : i32
      %dma_wait3A_132 = tpu.memref_slice %arg16[%add3A_41, %dma_wait3A_131] : memref<10240x64xf32, #tpu.memory_space<vmem_shared>> -> memref<80x64xf32, #tpu.memory_space<vmem_shared>>
      %dma_wait3A_133 = arith.constant 0 : i32
      %dma_wait3A_134 = tpu.memref_slice %arg16[%add3A_41, %dma_wait3A_133] : memref<10240x64xf32, #tpu.memory_space<vmem_shared>> -> memref<80x64xf32, #tpu.memory_space<vmem_shared>>
      tpu.wait_dma2 semaphore(%run_scoped3A : memref<!tpu.dma_semaphore, #tpu.memory_space<semaphore_mem>>) src(%arg11 : memref<80x64xf32, #tpu.memory_space<vmem>>) dst(%dma_wait3A_134 : memref<80x64xf32, #tpu.memory_space<vmem_shared>>)
      tpu.yield
    }) : () -> ()
    %mul3A_42 = arith.constant 640 : i32
    %mul3A_43 = arith.muli %arg1, %mul3A_42 : i32
    %add3A_44 = arith.constant 320 : i32
    %add3A_45 = arith.addi %mul3A_43, %add3A_44 : i32
    "tpu.region"() ({
      %run_scoped3A = tpu.sem_alloc : memref<!tpu.dma_semaphore, #tpu.memory_space<semaphore_mem>>
      %dma_start3A_127 = arith.constant 0 : i32
      %dma_start3A_128 = tpu.memref_slice %arg16[%add3A_45, %dma_start3A_127] : memref<10240x64xf32, #tpu.memory_space<vmem_shared>> -> memref<80x64xf32, #tpu.memory_space<vmem_shared>>
      %dma_start3A_129 = arith.constant 0 : i32
      %dma_start3A_130 = tpu.memref_slice %arg16[%add3A_45, %dma_start3A_129] : memref<10240x64xf32, #tpu.memory_space<vmem_shared>> -> memref<80x64xf32, #tpu.memory_space<vmem_shared>>
      tpu.enqueue_dma source(%arg11 : memref<80x64xf32, #tpu.memory_space<vmem>>) target(%dma_start3A_130 : memref<80x64xf32, #tpu.memory_space<vmem_shared>>) target_semaphore(%run_scoped3A : memref<!tpu.dma_semaphore, #tpu.memory_space<semaphore_mem>>)
      %dma_wait3A_131 = arith.constant 0 : i32
      %dma_wait3A_132 = tpu.memref_slice %arg16[%add3A_45, %dma_wait3A_131] : memref<10240x64xf32, #tpu.memory_space<vmem_shared>> -> memref<80x64xf32, #tpu.memory_space<vmem_shared>>
      %dma_wait3A_133 = arith.constant 0 : i32
      %dma_wait3A_134 = tpu.memref_slice %arg16[%add3A_45, %dma_wait3A_133] : memref<10240x64xf32, #tpu.memory_space<vmem_shared>> -> memref<80x64xf32, #tpu.memory_space<vmem_shared>>
      tpu.wait_dma2 semaphore(%run_scoped3A : memref<!tpu.dma_semaphore, #tpu.memory_space<semaphore_mem>>) src(%arg11 : memref<80x64xf32, #tpu.memory_space<vmem>>) dst(%dma_wait3A_134 : memref<80x64xf32, #tpu.memory_space<vmem_shared>>)
      tpu.yield
    }) : () -> ()
    %mul3A_46 = arith.constant 640 : i32
    %mul3A_47 = arith.muli %arg1, %mul3A_46 : i32
    %add3A_48 = arith.constant 400 : i32
    %add3A_49 = arith.addi %mul3A_47, %add3A_48 : i32
    "tpu.region"() ({
      %run_scoped3A = tpu.sem_alloc : memref<!tpu.dma_semaphore, #tpu.memory_space<semaphore_mem>>
      %dma_start3A_127 = arith.constant 0 : i32
      %dma_start3A_128 = tpu.memref_slice %arg16[%add3A_49, %dma_start3A_127] : memref<10240x64xf32, #tpu.memory_space<vmem_shared>> -> memref<80x64xf32, #tpu.memory_space<vmem_shared>>
      %dma_start3A_129 = arith.constant 0 : i32
      %dma_start3A_130 = tpu.memref_slice %arg16[%add3A_49, %dma_start3A_129] : memref<10240x64xf32, #tpu.memory_space<vmem_shared>> -> memref<80x64xf32, #tpu.memory_space<vmem_shared>>
      tpu.enqueue_dma source(%arg11 : memref<80x64xf32, #tpu.memory_space<vmem>>) target(%dma_start3A_130 : memref<80x64xf32, #tpu.memory_space<vmem_shared>>) target_semaphore(%run_scoped3A : memref<!tpu.dma_semaphore, #tpu.memory_space<semaphore_mem>>)
      %dma_wait3A_131 = arith.constant 0 : i32
      %dma_wait3A_132 = tpu.memref_slice %arg16[%add3A_49, %dma_wait3A_131] : memref<10240x64xf32, #tpu.memory_space<vmem_shared>> -> memref<80x64xf32, #tpu.memory_space<vmem_shared>>
      %dma_wait3A_133 = arith.constant 0 : i32
      %dma_wait3A_134 = tpu.memref_slice %arg16[%add3A_49, %dma_wait3A_133] : memref<10240x64xf32, #tpu.memory_space<vmem_shared>> -> memref<80x64xf32, #tpu.memory_space<vmem_shared>>
      tpu.wait_dma2 semaphore(%run_scoped3A : memref<!tpu.dma_semaphore, #tpu.memory_space<semaphore_mem>>) src(%arg11 : memref<80x64xf32, #tpu.memory_space<vmem>>) dst(%dma_wait3A_134 : memref<80x64xf32, #tpu.memory_space<vmem_shared>>)
      tpu.yield
    }) : () -> ()
    %mul3A_50 = arith.constant 640 : i32
    %mul3A_51 = arith.muli %arg1, %mul3A_50 : i32
    %add3A_52 = arith.constant 480 : i32
    %add3A_53 = arith.addi %mul3A_51, %add3A_52 : i32
    "tpu.region"() ({
      %run_scoped3A = tpu.sem_alloc : memref<!tpu.dma_semaphore, #tpu.memory_space<semaphore_mem>>
      %dma_start3A_127 = arith.constant 0 : i32
      %dma_start3A_128 = tpu.memref_slice %arg16[%add3A_53, %dma_start3A_127] : memref<10240x64xf32, #tpu.memory_space<vmem_shared>> -> memref<80x64xf32, #tpu.memory_space<vmem_shared>>
      %dma_start3A_129 = arith.constant 0 : i32
      %dma_start3A_130 = tpu.memref_slice %arg16[%add3A_53, %dma_start3A_129] : memref<10240x64xf32, #tpu.memory_space<vmem_shared>> -> memref<80x64xf32, #tpu.memory_space<vmem_shared>>
      tpu.enqueue_dma source(%arg11 : memref<80x64xf32, #tpu.memory_space<vmem>>) target(%dma_start3A_130 : memref<80x64xf32, #tpu.memory_space<vmem_shared>>) target_semaphore(%run_scoped3A : memref<!tpu.dma_semaphore, #tpu.memory_space<semaphore_mem>>)
      %dma_wait3A_131 = arith.constant 0 : i32
      %dma_wait3A_132 = tpu.memref_slice %arg16[%add3A_53, %dma_wait3A_131] : memref<10240x64xf32, #tpu.memory_space<vmem_shared>> -> memref<80x64xf32, #tpu.memory_space<vmem_shared>>
      %dma_wait3A_133 = arith.constant 0 : i32
      %dma_wait3A_134 = tpu.memref_slice %arg16[%add3A_53, %dma_wait3A_133] : memref<10240x64xf32, #tpu.memory_space<vmem_shared>> -> memref<80x64xf32, #tpu.memory_space<vmem_shared>>
      tpu.wait_dma2 semaphore(%run_scoped3A : memref<!tpu.dma_semaphore, #tpu.memory_space<semaphore_mem>>) src(%arg11 : memref<80x64xf32, #tpu.memory_space<vmem>>) dst(%dma_wait3A_134 : memref<80x64xf32, #tpu.memory_space<vmem_shared>>)
      tpu.yield
    }) : () -> ()
    %mul3A_54 = arith.constant 640 : i32
    %mul3A_55 = arith.muli %arg1, %mul3A_54 : i32
    %add3A_56 = arith.constant 560 : i32
    %add3A_57 = arith.addi %mul3A_55, %add3A_56 : i32
    "tpu.region"() ({
      %run_scoped3A = tpu.sem_alloc : memref<!tpu.dma_semaphore, #tpu.memory_space<semaphore_mem>>
      %dma_start3A_127 = arith.constant 0 : i32
      %dma_start3A_128 = tpu.memref_slice %arg16[%add3A_57, %dma_start3A_127] : memref<10240x64xf32, #tpu.memory_space<vmem_shared>> -> memref<80x64xf32, #tpu.memory_space<vmem_shared>>
      %dma_start3A_129 = arith.constant 0 : i32
      %dma_start3A_130 = tpu.memref_slice %arg16[%add3A_57, %dma_start3A_129] : memref<10240x64xf32, #tpu.memory_space<vmem_shared>> -> memref<80x64xf32, #tpu.memory_space<vmem_shared>>
      tpu.enqueue_dma source(%arg11 : memref<80x64xf32, #tpu.memory_space<vmem>>) target(%dma_start3A_130 : memref<80x64xf32, #tpu.memory_space<vmem_shared>>) target_semaphore(%run_scoped3A : memref<!tpu.dma_semaphore, #tpu.memory_space<semaphore_mem>>)
      %dma_wait3A_131 = arith.constant 0 : i32
      %dma_wait3A_132 = tpu.memref_slice %arg16[%add3A_57, %dma_wait3A_131] : memref<10240x64xf32, #tpu.memory_space<vmem_shared>> -> memref<80x64xf32, #tpu.memory_space<vmem_shared>>
      %dma_wait3A_133 = arith.constant 0 : i32
      %dma_wait3A_134 = tpu.memref_slice %arg16[%add3A_57, %dma_wait3A_133] : memref<10240x64xf32, #tpu.memory_space<vmem_shared>> -> memref<80x64xf32, #tpu.memory_space<vmem_shared>>
      tpu.wait_dma2 semaphore(%run_scoped3A : memref<!tpu.dma_semaphore, #tpu.memory_space<semaphore_mem>>) src(%arg11 : memref<80x64xf32, #tpu.memory_space<vmem>>) dst(%dma_wait3A_134 : memref<80x64xf32, #tpu.memory_space<vmem_shared>>)
      tpu.yield
    }) : () -> ()
    %dma_wait3A = arith.constant 0 : i32
    %dma_wait3A_58 = arith.constant 0 : i32
    %dma_wait3A_59 = tpu.memref_slice %arg3[%arg1, %dma_wait3A, %dma_wait3A_58] : memref<16x250x80xi32, #tpu.memory_space<hbm>> -> memref<1x250x80xi32, #tpu.memory_space<hbm>>
    %dma_wait3A_60 = tpu.memref_squeeze %dma_wait3A_59 : memref<1x250x80xi32, #tpu.memory_space<hbm>> -> memref<250x80xi32, #tpu.memory_space<hbm>>
    %dma_wait3A_61 = arith.constant 0 : i32
    %dma_wait3A_62 = arith.constant 0 : i32
    %dma_wait3A_63 = tpu.memref_slice %arg3[%arg1, %dma_wait3A_61, %dma_wait3A_62] : memref<16x250x80xi32, #tpu.memory_space<hbm>> -> memref<1x250x80xi32, #tpu.memory_space<hbm>>
    %dma_wait3A_64 = tpu.memref_squeeze %dma_wait3A_63 : memref<1x250x80xi32, #tpu.memory_space<hbm>> -> memref<250x80xi32, #tpu.memory_space<hbm>>
    tpu.wait_dma2 semaphore(%arg17 : memref<!tpu.dma_semaphore, #tpu.memory_space<semaphore_mem>>) src(%dma_wait3A_64 : memref<250x80xi32, #tpu.memory_space<hbm>>) dst(%arg8 : memref<250x80xi32, #tpu.memory_space<vmem>>)
    %dma_wait3A_65 = arith.constant 0 : i32
    %dma_wait3A_66 = arith.constant 0 : i32
    %dma_wait3A_67 = tpu.memref_slice %arg4[%arg1, %dma_wait3A_65, %dma_wait3A_66] : memref<16x250x80xi32, #tpu.memory_space<hbm>> -> memref<1x250x80xi32, #tpu.memory_space<hbm>>
    %dma_wait3A_68 = tpu.memref_squeeze %dma_wait3A_67 : memref<1x250x80xi32, #tpu.memory_space<hbm>> -> memref<250x80xi32, #tpu.memory_space<hbm>>
    %dma_wait3A_69 = arith.constant 0 : i32
    %dma_wait3A_70 = arith.constant 0 : i32
    %dma_wait3A_71 = tpu.memref_slice %arg4[%arg1, %dma_wait3A_69, %dma_wait3A_70] : memref<16x250x80xi32, #tpu.memory_space<hbm>> -> memref<1x250x80xi32, #tpu.memory_space<hbm>>
    %dma_wait3A_72 = tpu.memref_squeeze %dma_wait3A_71 : memref<1x250x80xi32, #tpu.memory_space<hbm>> -> memref<250x80xi32, #tpu.memory_space<hbm>>
    tpu.wait_dma2 semaphore(%arg18 : memref<!tpu.dma_semaphore, #tpu.memory_space<semaphore_mem>>) src(%dma_wait3A_72 : memref<250x80xi32, #tpu.memory_space<hbm>>) dst(%arg9 : memref<250x80xi32, #tpu.memory_space<vmem>>)
    %dma_wait3A_73 = arith.constant 0 : i32
    %dma_wait3A_74 = arith.constant 0 : i32
    %dma_wait3A_75 = tpu.memref_slice %arg6[%arg1, %dma_wait3A_73, %dma_wait3A_74] : memref<16x250x80xf32, #tpu.memory_space<hbm>> -> memref<1x250x80xf32, #tpu.memory_space<hbm>>
    %dma_wait3A_76 = tpu.memref_squeeze %dma_wait3A_75 : memref<1x250x80xf32, #tpu.memory_space<hbm>> -> memref<250x80xf32, #tpu.memory_space<hbm>>
    %dma_wait3A_77 = arith.constant 0 : i32
    %dma_wait3A_78 = arith.constant 0 : i32
    %dma_wait3A_79 = tpu.memref_slice %arg6[%arg1, %dma_wait3A_77, %dma_wait3A_78] : memref<16x250x80xf32, #tpu.memory_space<hbm>> -> memref<1x250x80xf32, #tpu.memory_space<hbm>>
    %dma_wait3A_80 = tpu.memref_squeeze %dma_wait3A_79 : memref<1x250x80xf32, #tpu.memory_space<hbm>> -> memref<250x80xf32, #tpu.memory_space<hbm>>
    tpu.wait_dma2 semaphore(%arg19 : memref<!tpu.dma_semaphore, #tpu.memory_space<semaphore_mem>>) src(%dma_wait3A_80 : memref<250x80xf32, #tpu.memory_space<hbm>>) dst(%arg10 : memref<250x80xf32, #tpu.memory_space<vmem>>)
    %barrier3A = arith.constant 0 : index
    tpu.barrier barrier_id(%barrier3A)
    %dma_start3A_81 = arith.constant 0 : i32
    %dma_start3A_82 = arith.constant 0 : i32
    %dma_start3A_83 = tpu.memref_slice %arg9[%dma_start3A_81, %dma_start3A_82] : memref<250x80xi32, #tpu.memory_space<vmem>> -> memref<1x80xi32, #tpu.memory_space<vmem>>
    %dma_start3A_84 = tpu.memref_squeeze %dma_start3A_83 : memref<1x80xi32, #tpu.memory_space<vmem>> -> memref<80xi32, #tpu.memory_space<vmem>>
    %dma_start3A_85 = arith.constant 0 : i32
    %dma_start3A_86 = arith.constant 0 : i32
    %dma_start3A_87 = tpu.memref_slice %arg2[%dma_start3A_85, %dma_start3A_86] : memref<20000x64xf32, #tpu.memory_space<hbm>> -> memref<20000x64xf32, #tpu.memory_space<hbm>>
    tpu.enqueue_indirect_dma source(%dma_start3A_87 : memref<20000x64xf32, #tpu.memory_space<hbm>>) target(%arg11 : memref<80x64xf32, #tpu.memory_space<vmem>>) offsets(%dma_start3A_84 : memref<80xi32, #tpu.memory_space<vmem>>) semaphore(%arg17 : memref<!tpu.dma_semaphore, #tpu.memory_space<semaphore_mem>>)
    %dma_start3A_88 = arith.constant 1 : i32
    %dma_start3A_89 = arith.constant 0 : i32
    %dma_start3A_90 = tpu.memref_slice %arg9[%dma_start3A_88, %dma_start3A_89] : memref<250x80xi32, #tpu.memory_space<vmem>> -> memref<1x80xi32, #tpu.memory_space<vmem>>
    %dma_start3A_91 = tpu.memref_squeeze %dma_start3A_90 : memref<1x80xi32, #tpu.memory_space<vmem>> -> memref<80xi32, #tpu.memory_space<vmem>>
    %dma_start3A_92 = arith.constant 0 : i32
    %dma_start3A_93 = arith.constant 0 : i32
    %dma_start3A_94 = tpu.memref_slice %arg2[%dma_start3A_92, %dma_start3A_93] : memref<20000x64xf32, #tpu.memory_space<hbm>> -> memref<20000x64xf32, #tpu.memory_space<hbm>>
    tpu.enqueue_indirect_dma source(%dma_start3A_94 : memref<20000x64xf32, #tpu.memory_space<hbm>>) target(%arg12 : memref<80x64xf32, #tpu.memory_space<vmem>>) offsets(%dma_start3A_91 : memref<80xi32, #tpu.memory_space<vmem>>) semaphore(%arg18 : memref<!tpu.dma_semaphore, #tpu.memory_space<semaphore_mem>>)
    %dma_start3A_95 = arith.constant 2 : i32
    %dma_start3A_96 = arith.constant 0 : i32
    %dma_start3A_97 = tpu.memref_slice %arg9[%dma_start3A_95, %dma_start3A_96] : memref<250x80xi32, #tpu.memory_space<vmem>> -> memref<1x80xi32, #tpu.memory_space<vmem>>
    %dma_start3A_98 = tpu.memref_squeeze %dma_start3A_97 : memref<1x80xi32, #tpu.memory_space<vmem>> -> memref<80xi32, #tpu.memory_space<vmem>>
    %dma_start3A_99 = arith.constant 0 : i32
    %dma_start3A_100 = arith.constant 0 : i32
    %dma_start3A_101 = tpu.memref_slice %arg2[%dma_start3A_99, %dma_start3A_100] : memref<20000x64xf32, #tpu.memory_space<hbm>> -> memref<20000x64xf32, #tpu.memory_space<hbm>>
    tpu.enqueue_indirect_dma source(%dma_start3A_101 : memref<20000x64xf32, #tpu.memory_space<hbm>>) target(%arg13 : memref<80x64xf32, #tpu.memory_space<vmem>>) offsets(%dma_start3A_98 : memref<80xi32, #tpu.memory_space<vmem>>) semaphore(%arg19 : memref<!tpu.dma_semaphore, #tpu.memory_space<semaphore_mem>>)
    %scan3A_102 = arith.constant 0 : i32
    %scan3A_103 = arith.constant 0 : i32
    %scan3A_104 = arith.constant 50 : i32
    %scan3A_105 = arith.addi %scan3A_103, %scan3A_104 : i32
    %scan3A_106 = arith.constant 1 : i32
    scf.for %scan3A_127 = %scan3A_103 to %scan3A_105 step %scan3A_106  : i32 {
      %mul3A_128 = arith.constant 5 : i32
      %mul3A_129 = arith.muli %scan3A_127, %mul3A_128 : i32
      %add3A_130 = arith.constant 0 : i32
      %add3A_131 = arith.addi %mul3A_129, %add3A_130 : i32
      %ge3A = arith.constant 2 : i32
      %ge3A_132 = arith.cmpi sge, %add3A_131, %ge3A : i32
      %convert_element_type3A_133 = arith.extui %ge3A_132 : i1 to i32
      %cond3A_134 = arith.constant 0 : i32
      %cond3A_135 = arith.cmpi ne, %convert_element_type3A_133, %cond3A_134 : i32
      scf.if %cond3A_135 {
        %dma_wait3A_306 = arith.constant 0 : i32
        %dma_wait3A_307 = arith.constant 0 : i32
        %dma_wait3A_308 = tpu.memref_slice %arg8[%dma_wait3A_306, %dma_wait3A_307] : memref<250x80xi32, #tpu.memory_space<vmem>> -> memref<1x80xi32, #tpu.memory_space<vmem>>
        %dma_wait3A_309 = tpu.memref_squeeze %dma_wait3A_308 : memref<1x80xi32, #tpu.memory_space<vmem>> -> memref<80xi32, #tpu.memory_space<vmem>>
        %dma_wait3A_310 = arith.constant 0 : i32
        %dma_wait3A_311 = arith.constant 0 : i32
        %dma_wait3A_312 = tpu.memref_slice %arg16[%dma_wait3A_310, %dma_wait3A_311] : memref<10240x64xf32, #tpu.memory_space<vmem_shared>> -> memref<10240x64xf32, #tpu.memory_space<vmem_shared>>
        tpu.wait_indirect_dma semaphore(%arg25 : memref<!tpu.dma_semaphore, #tpu.memory_space<semaphore_mem>>) src(%arg14 : memref<80x64xf32, #tpu.memory_space<vmem>>) dst(%dma_wait3A_312 : memref<10240x64xf32, #tpu.memory_space<vmem_shared>>)
      } else {
      }
      %add3A_136 = arith.constant 3 : i32
      %add3A_137 = arith.addi %add3A_131, %add3A_136 : i32
      %lt3A = arith.constant 250 : i32
      %lt3A_138 = arith.cmpi slt, %add3A_137, %lt3A : i32
      %convert_element_type3A_139 = arith.extui %lt3A_138 : i1 to i32
      %cond3A_140 = arith.constant 0 : i32
      %cond3A_141 = arith.cmpi ne, %convert_element_type3A_139, %cond3A_140 : i32
      scf.if %cond3A_141 {
        %add3A_306 = arith.constant 3 : i32
        %add3A_307 = arith.addi %add3A_131, %add3A_306 : i32
        %dma_start3A_308 = arith.constant 0 : i32
        %dma_start3A_309 = tpu.memref_slice %arg9[%add3A_307, %dma_start3A_308] : memref<250x80xi32, #tpu.memory_space<vmem>> -> memref<1x80xi32, #tpu.memory_space<vmem>>
        %dma_start3A_310 = tpu.memref_squeeze %dma_start3A_309 : memref<1x80xi32, #tpu.memory_space<vmem>> -> memref<80xi32, #tpu.memory_space<vmem>>
        %dma_start3A_311 = arith.constant 0 : i32
        %dma_start3A_312 = arith.constant 0 : i32
        %dma_start3A_313 = tpu.memref_slice %arg2[%dma_start3A_311, %dma_start3A_312] : memref<20000x64xf32, #tpu.memory_space<hbm>> -> memref<20000x64xf32, #tpu.memory_space<hbm>>
        tpu.enqueue_indirect_dma source(%dma_start3A_313 : memref<20000x64xf32, #tpu.memory_space<hbm>>) target(%arg14 : memref<80x64xf32, #tpu.memory_space<vmem>>) offsets(%dma_start3A_310 : memref<80xi32, #tpu.memory_space<vmem>>) semaphore(%arg20 : memref<!tpu.dma_semaphore, #tpu.memory_space<semaphore_mem>>)
      } else {
      }
      %dma_wait3A_142 = arith.constant 0 : i32
      %dma_wait3A_143 = arith.constant 0 : i32
      %dma_wait3A_144 = tpu.memref_slice %arg9[%dma_wait3A_142, %dma_wait3A_143] : memref<250x80xi32, #tpu.memory_space<vmem>> -> memref<1x80xi32, #tpu.memory_space<vmem>>
      %dma_wait3A_145 = tpu.memref_squeeze %dma_wait3A_144 : memref<1x80xi32, #tpu.memory_space<vmem>> -> memref<80xi32, #tpu.memory_space<vmem>>
      %dma_wait3A_146 = arith.constant 0 : i32
      %dma_wait3A_147 = arith.constant 0 : i32
      %dma_wait3A_148 = tpu.memref_slice %arg2[%dma_wait3A_146, %dma_wait3A_147] : memref<20000x64xf32, #tpu.memory_space<hbm>> -> memref<20000x64xf32, #tpu.memory_space<hbm>>
      tpu.wait_indirect_dma semaphore(%arg17 : memref<!tpu.dma_semaphore, #tpu.memory_space<semaphore_mem>>) src(%dma_wait3A_148 : memref<20000x64xf32, #tpu.memory_space<hbm>>) dst(%arg11 : memref<80x64xf32, #tpu.memory_space<vmem>>)
      %broadcast_in_dim3A_149 = vector.broadcast %add3A_131 : i32 to vector<16xi32>
      %scan3A_150 = arith.constant 0 : i32
      %scan3A_151 = arith.constant 0 : i32
      %scan3A_152 = arith.constant 10 : i32
      %scan3A_153 = arith.addi %scan3A_151, %scan3A_152 : i32
      %scan3A_154 = arith.constant 1 : i32
      scf.for %scan3A_306 = %scan3A_151 to %scan3A_153 step %scan3A_154  : i32 {
        %mul3A_307 = arith.constant 8 : i32
        %mul3A_308 = arith.muli %scan3A_306, %mul3A_307 : i32
        %add3A_309 = arith.constant 0 : i32
        %add3A_310 = arith.addi %mul3A_308, %add3A_309 : i32
        %broadcast_in_dim3A_311 = vector.broadcast %add3A_310 : i32 to vector<16xi32>
        %gather3A = tpu.vector_load_idx %arg10[%broadcast_in_dim3A_149, %broadcast_in_dim3A_311] : memref<250x80xf32, #tpu.memory_space<vmem>>[vector<16xi32>, vector<16xi32>], vector<16xf32>,
        %get3A = arith.index_cast %add3A_310 : i32 to index
        %get3A_312 = arith.constant 0 : index
        %get3A_313 = tpu.vector_load %arg11[%get3A, %get3A_312] {strides = array<i32>} : memref<80x64xf32, #tpu.memory_space<vmem>>, vector<16xf32>,
        %mul3A_314 = arith.mulf %get3A_313, %gather3A : vector<16xf32>
        %swap3A = arith.index_cast %add3A_310 : i32 to index
        %swap3A_315 = arith.constant 0 : index
        %swap3A_316 = tpu.vector_load %arg11[%swap3A, %swap3A_315] {strides = array<i32>} : memref<80x64xf32, #tpu.memory_space<vmem>>, vector<16xf32>,
        tpu.vector_store %arg11[%swap3A, %swap3A_315], %mul3A_314 {strides = array<i32>} : memref<80x64xf32, #tpu.memory_space<vmem>>, vector<16xf32>,
        %get3A_317 = arith.index_cast %add3A_310 : i32 to index
        %get3A_318 = arith.constant 16 : index
        %get3A_319 = tpu.vector_load %arg11[%get3A_317, %get3A_318] {strides = array<i32>} : memref<80x64xf32, #tpu.memory_space<vmem>>, vector<16xf32>,
        %mul3A_320 = arith.mulf %get3A_319, %gather3A : vector<16xf32>
        %swap3A_321 = arith.index_cast %add3A_310 : i32 to index
        %swap3A_322 = arith.constant 16 : index
        %swap3A_323 = tpu.vector_load %arg11[%swap3A_321, %swap3A_322] {strides = array<i32>} : memref<80x64xf32, #tpu.memory_space<vmem>>, vector<16xf32>,
        tpu.vector_store %arg11[%swap3A_321, %swap3A_322], %mul3A_320 {strides = array<i32>} : memref<80x64xf32, #tpu.memory_space<vmem>>, vector<16xf32>,
        %get3A_324 = arith.index_cast %add3A_310 : i32 to index
        %get3A_325 = arith.constant 32 : index
        %get3A_326 = tpu.vector_load %arg11[%get3A_324, %get3A_325] {strides = array<i32>} : memref<80x64xf32, #tpu.memory_space<vmem>>, vector<16xf32>,
        %mul3A_327 = arith.mulf %get3A_326, %gather3A : vector<16xf32>
        %swap3A_328 = arith.index_cast %add3A_310 : i32 to index
        %swap3A_329 = arith.constant 32 : index
        %swap3A_330 = tpu.vector_load %arg11[%swap3A_328, %swap3A_329] {strides = array<i32>} : memref<80x64xf32, #tpu.memory_space<vmem>>, vector<16xf32>,
        tpu.vector_store %arg11[%swap3A_328, %swap3A_329], %mul3A_327 {strides = array<i32>} : memref<80x64xf32, #tpu.memory_space<vmem>>, vector<16xf32>,
        %get3A_331 = arith.index_cast %add3A_310 : i32 to index
        %get3A_332 = arith.constant 48 : index
        %get3A_333 = tpu.vector_load %arg11[%get3A_331, %get3A_332] {strides = array<i32>} : memref<80x64xf32, #tpu.memory_space<vmem>>, vector<16xf32>,
        %mul3A_334 = arith.mulf %get3A_333, %gather3A : vector<16xf32>
        %swap3A_335 = arith.index_cast %add3A_310 : i32 to index
        %swap3A_336 = arith.constant 48 : index
        %swap3A_337 = tpu.vector_load %arg11[%swap3A_335, %swap3A_336] {strides = array<i32>} : memref<80x64xf32, #tpu.memory_space<vmem>>, vector<16xf32>,
        tpu.vector_store %arg11[%swap3A_335, %swap3A_336], %mul3A_334 {strides = array<i32>} : memref<80x64xf32, #tpu.memory_space<vmem>>, vector<16xf32>,
        %mul3A_338 = arith.constant 8 : i32
        %mul3A_339 = arith.muli %scan3A_306, %mul3A_338 : i32
        %add3A_340 = arith.constant 1 : i32
        %add3A_341 = arith.addi %mul3A_339, %add3A_340 : i32
        %broadcast_in_dim3A_342 = vector.broadcast %add3A_341 : i32 to vector<16xi32>
        %gather3A_343 = tpu.vector_load_idx %arg10[%broadcast_in_dim3A_149, %broadcast_in_dim3A_342] : memref<250x80xf32, #tpu.memory_space<vmem>>[vector<16xi32>, vector<16xi32>], vector<16xf32>,
        %get3A_344 = arith.index_cast %add3A_341 : i32 to index
        %get3A_345 = arith.constant 0 : index
        %get3A_346 = tpu.vector_load %arg11[%get3A_344, %get3A_345] {strides = array<i32>} : memref<80x64xf32, #tpu.memory_space<vmem>>, vector<16xf32>,
        %mul3A_347 = arith.mulf %get3A_346, %gather3A_343 : vector<16xf32>
        %swap3A_348 = arith.index_cast %add3A_341 : i32 to index
        %swap3A_349 = arith.constant 0 : index
        %swap3A_350 = tpu.vector_load %arg11[%swap3A_348, %swap3A_349] {strides = array<i32>} : memref<80x64xf32, #tpu.memory_space<vmem>>, vector<16xf32>,
        tpu.vector_store %arg11[%swap3A_348, %swap3A_349], %mul3A_347 {strides = array<i32>} : memref<80x64xf32, #tpu.memory_space<vmem>>, vector<16xf32>,
        %get3A_351 = arith.index_cast %add3A_341 : i32 to index
        %get3A_352 = arith.constant 16 : index
        %get3A_353 = tpu.vector_load %arg11[%get3A_351, %get3A_352] {strides = array<i32>} : memref<80x64xf32, #tpu.memory_space<vmem>>, vector<16xf32>,
        %mul3A_354 = arith.mulf %get3A_353, %gather3A_343 : vector<16xf32>
        %swap3A_355 = arith.index_cast %add3A_341 : i32 to index
        %swap3A_356 = arith.constant 16 : index
        %swap3A_357 = tpu.vector_load %arg11[%swap3A_355, %swap3A_356] {strides = array<i32>} : memref<80x64xf32, #tpu.memory_space<vmem>>, vector<16xf32>,
        tpu.vector_store %arg11[%swap3A_355, %swap3A_356], %mul3A_354 {strides = array<i32>} : memref<80x64xf32, #tpu.memory_space<vmem>>, vector<16xf32>,
        %get3A_358 = arith.index_cast %add3A_341 : i32 to index
        %get3A_359 = arith.constant 32 : index
        %get3A_360 = tpu.vector_load %arg11[%get3A_358, %get3A_359] {strides = array<i32>} : memref<80x64xf32, #tpu.memory_space<vmem>>, vector<16xf32>,
        %mul3A_361 = arith.mulf %get3A_360, %gather3A_343 : vector<16xf32>
        %swap3A_362 = arith.index_cast %add3A_341 : i32 to index
        %swap3A_363 = arith.constant 32 : index
        %swap3A_364 = tpu.vector_load %arg11[%swap3A_362, %swap3A_363] {strides = array<i32>} : memref<80x64xf32, #tpu.memory_space<vmem>>, vector<16xf32>,
        tpu.vector_store %arg11[%swap3A_362, %swap3A_363], %mul3A_361 {strides = array<i32>} : memref<80x64xf32, #tpu.memory_space<vmem>>, vector<16xf32>,
        %get3A_365 = arith.index_cast %add3A_341 : i32 to index
        %get3A_366 = arith.constant 48 : index
        %get3A_367 = tpu.vector_load %arg11[%get3A_365, %get3A_366] {strides = array<i32>} : memref<80x64xf32, #tpu.memory_space<vmem>>, vector<16xf32>,
        %mul3A_368 = arith.mulf %get3A_367, %gather3A_343 : vector<16xf32>
        %swap3A_369 = arith.index_cast %add3A_341 : i32 to index
        %swap3A_370 = arith.constant 48 : index
        %swap3A_371 = tpu.vector_load %arg11[%swap3A_369, %swap3A_370] {strides = array<i32>} : memref<80x64xf32, #tpu.memory_space<vmem>>, vector<16xf32>,
        tpu.vector_store %arg11[%swap3A_369, %swap3A_370], %mul3A_368 {strides = array<i32>} : memref<80x64xf32, #tpu.memory_space<vmem>>, vector<16xf32>,
        %mul3A_372 = arith.constant 8 : i32
        %mul3A_373 = arith.muli %scan3A_306, %mul3A_372 : i32
        %add3A_374 = arith.constant 2 : i32
        %add3A_375 = arith.addi %mul3A_373, %add3A_374 : i32
        %broadcast_in_dim3A_376 = vector.broadcast %add3A_375 : i32 to vector<16xi32>
        %gather3A_377 = tpu.vector_load_idx %arg10[%broadcast_in_dim3A_149, %broadcast_in_dim3A_376] : memref<250x80xf32, #tpu.memory_space<vmem>>[vector<16xi32>, vector<16xi32>], vector<16xf32>,
        %get3A_378 = arith.index_cast %add3A_375 : i32 to index
        %get3A_379 = arith.constant 0 : index
        %get3A_380 = tpu.vector_load %arg11[%get3A_378, %get3A_379] {strides = array<i32>} : memref<80x64xf32, #tpu.memory_space<vmem>>, vector<16xf32>,
        %mul3A_381 = arith.mulf %get3A_380, %gather3A_377 : vector<16xf32>
        %swap3A_382 = arith.index_cast %add3A_375 : i32 to index
        %swap3A_383 = arith.constant 0 : index
        %swap3A_384 = tpu.vector_load %arg11[%swap3A_382, %swap3A_383] {strides = array<i32>} : memref<80x64xf32, #tpu.memory_space<vmem>>, vector<16xf32>,
        tpu.vector_store %arg11[%swap3A_382, %swap3A_383], %mul3A_381 {strides = array<i32>} : memref<80x64xf32, #tpu.memory_space<vmem>>, vector<16xf32>,
        %get3A_385 = arith.index_cast %add3A_375 : i32 to index
        %get3A_386 = arith.constant 16 : index
        %get3A_387 = tpu.vector_load %arg11[%get3A_385, %get3A_386] {strides = array<i32>} : memref<80x64xf32, #tpu.memory_space<vmem>>, vector<16xf32>,
        %mul3A_388 = arith.mulf %get3A_387, %gather3A_377 : vector<16xf32>
        %swap3A_389 = arith.index_cast %add3A_375 : i32 to index
        %swap3A_390 = arith.constant 16 : index
        %swap3A_391 = tpu.vector_load %arg11[%swap3A_389, %swap3A_390] {strides = array<i32>} : memref<80x64xf32, #tpu.memory_space<vmem>>, vector<16xf32>,
        tpu.vector_store %arg11[%swap3A_389, %swap3A_390], %mul3A_388 {strides = array<i32>} : memref<80x64xf32, #tpu.memory_space<vmem>>, vector<16xf32>,
        %get3A_392 = arith.index_cast %add3A_375 : i32 to index
        %get3A_393 = arith.constant 32 : index
        %get3A_394 = tpu.vector_load %arg11[%get3A_392, %get3A_393] {strides = array<i32>} : memref<80x64xf32, #tpu.memory_space<vmem>>, vector<16xf32>,
        %mul3A_395 = arith.mulf %get3A_394, %gather3A_377 : vector<16xf32>
        %swap3A_396 = arith.index_cast %add3A_375 : i32 to index
        %swap3A_397 = arith.constant 32 : index
        %swap3A_398 = tpu.vector_load %arg11[%swap3A_396, %swap3A_397] {strides = array<i32>} : memref<80x64xf32, #tpu.memory_space<vmem>>, vector<16xf32>,
        tpu.vector_store %arg11[%swap3A_396, %swap3A_397], %mul3A_395 {strides = array<i32>} : memref<80x64xf32, #tpu.memory_space<vmem>>, vector<16xf32>,
        %get3A_399 = arith.index_cast %add3A_375 : i32 to index
        %get3A_400 = arith.constant 48 : index
        %get3A_401 = tpu.vector_load %arg11[%get3A_399, %get3A_400] {strides = array<i32>} : memref<80x64xf32, #tpu.memory_space<vmem>>, vector<16xf32>,
        %mul3A_402 = arith.mulf %get3A_401, %gather3A_377 : vector<16xf32>
        %swap3A_403 = arith.index_cast %add3A_375 : i32 to index
        %swap3A_404 = arith.constant 48 : index
        %swap3A_405 = tpu.vector_load %arg11[%swap3A_403, %swap3A_404] {strides = array<i32>} : memref<80x64xf32, #tpu.memory_space<vmem>>, vector<16xf32>,
        tpu.vector_store %arg11[%swap3A_403, %swap3A_404], %mul3A_402 {strides = array<i32>} : memref<80x64xf32, #tpu.memory_space<vmem>>, vector<16xf32>,
        %mul3A_406 = arith.constant 8 : i32
        %mul3A_407 = arith.muli %scan3A_306, %mul3A_406 : i32
        %add3A_408 = arith.constant 3 : i32
        %add3A_409 = arith.addi %mul3A_407, %add3A_408 : i32
        %broadcast_in_dim3A_410 = vector.broadcast %add3A_409 : i32 to vector<16xi32>
        %gather3A_411 = tpu.vector_load_idx %arg10[%broadcast_in_dim3A_149, %broadcast_in_dim3A_410] : memref<250x80xf32, #tpu.memory_space<vmem>>[vector<16xi32>, vector<16xi32>], vector<16xf32>,
        %get3A_412 = arith.index_cast %add3A_409 : i32 to index
        %get3A_413 = arith.constant 0 : index
        %get3A_414 = tpu.vector_load %arg11[%get3A_412, %get3A_413] {strides = array<i32>} : memref<80x64xf32, #tpu.memory_space<vmem>>, vector<16xf32>,
        %mul3A_415 = arith.mulf %get3A_414, %gather3A_411 : vector<16xf32>
        %swap3A_416 = arith.index_cast %add3A_409 : i32 to index
        %swap3A_417 = arith.constant 0 : index
        %swap3A_418 = tpu.vector_load %arg11[%swap3A_416, %swap3A_417] {strides = array<i32>} : memref<80x64xf32, #tpu.memory_space<vmem>>, vector<16xf32>,
        tpu.vector_store %arg11[%swap3A_416, %swap3A_417], %mul3A_415 {strides = array<i32>} : memref<80x64xf32, #tpu.memory_space<vmem>>, vector<16xf32>,
        %get3A_419 = arith.index_cast %add3A_409 : i32 to index
        %get3A_420 = arith.constant 16 : index
        %get3A_421 = tpu.vector_load %arg11[%get3A_419, %get3A_420] {strides = array<i32>} : memref<80x64xf32, #tpu.memory_space<vmem>>, vector<16xf32>,
        %mul3A_422 = arith.mulf %get3A_421, %gather3A_411 : vector<16xf32>
        %swap3A_423 = arith.index_cast %add3A_409 : i32 to index
        %swap3A_424 = arith.constant 16 : index
        %swap3A_425 = tpu.vector_load %arg11[%swap3A_423, %swap3A_424] {strides = array<i32>} : memref<80x64xf32, #tpu.memory_space<vmem>>, vector<16xf32>,
        tpu.vector_store %arg11[%swap3A_423, %swap3A_424], %mul3A_422 {strides = array<i32>} : memref<80x64xf32, #tpu.memory_space<vmem>>, vector<16xf32>,
        %get3A_426 = arith.index_cast %add3A_409 : i32 to index
        %get3A_427 = arith.constant 32 : index
        %get3A_428 = tpu.vector_load %arg11[%get3A_426, %get3A_427] {strides = array<i32>} : memref<80x64xf32, #tpu.memory_space<vmem>>, vector<16xf32>,
        %mul3A_429 = arith.mulf %get3A_428, %gather3A_411 : vector<16xf32>
        %swap3A_430 = arith.index_cast %add3A_409 : i32 to index
        %swap3A_431 = arith.constant 32 : index
        %swap3A_432 = tpu.vector_load %arg11[%swap3A_430, %swap3A_431] {strides = array<i32>} : memref<80x64xf32, #tpu.memory_space<vmem>>, vector<16xf32>,
        tpu.vector_store %arg11[%swap3A_430, %swap3A_431], %mul3A_429 {strides = array<i32>} : memref<80x64xf32, #tpu.memory_space<vmem>>, vector<16xf32>,
        %get3A_433 = arith.index_cast %add3A_409 : i32 to index
        %get3A_434 = arith.constant 48 : index
        %get3A_435 = tpu.vector_load %arg11[%get3A_433, %get3A_434] {strides = array<i32>} : memref<80x64xf32, #tpu.memory_space<vmem>>, vector<16xf32>,
        %mul3A_436 = arith.mulf %get3A_435, %gather3A_411 : vector<16xf32>
        %swap3A_437 = arith.index_cast %add3A_409 : i32 to index
        %swap3A_438 = arith.constant 48 : index
        %swap3A_439 = tpu.vector_load %arg11[%swap3A_437, %swap3A_438] {strides = array<i32>} : memref<80x64xf32, #tpu.memory_space<vmem>>, vector<16xf32>,
        tpu.vector_store %arg11[%swap3A_437, %swap3A_438], %mul3A_436 {strides = array<i32>} : memref<80x64xf32, #tpu.memory_space<vmem>>, vector<16xf32>,
        %mul3A_440 = arith.constant 8 : i32
        %mul3A_441 = arith.muli %scan3A_306, %mul3A_440 : i32
        %add3A_442 = arith.constant 4 : i32
        %add3A_443 = arith.addi %mul3A_441, %add3A_442 : i32
        %broadcast_in_dim3A_444 = vector.broadcast %add3A_443 : i32 to vector<16xi32>
        %gather3A_445 = tpu.vector_load_idx %arg10[%broadcast_in_dim3A_149, %broadcast_in_dim3A_444] : memref<250x80xf32, #tpu.memory_space<vmem>>[vector<16xi32>, vector<16xi32>], vector<16xf32>,
        %get3A_446 = arith.index_cast %add3A_443 : i32 to index
        %get3A_447 = arith.constant 0 : index
        %get3A_448 = tpu.vector_load %arg11[%get3A_446, %get3A_447] {strides = array<i32>} : memref<80x64xf32, #tpu.memory_space<vmem>>, vector<16xf32>,
        %mul3A_449 = arith.mulf %get3A_448, %gather3A_445 : vector<16xf32>
        %swap3A_450 = arith.index_cast %add3A_443 : i32 to index
        %swap3A_451 = arith.constant 0 : index
        %swap3A_452 = tpu.vector_load %arg11[%swap3A_450, %swap3A_451] {strides = array<i32>} : memref<80x64xf32, #tpu.memory_space<vmem>>, vector<16xf32>,
        tpu.vector_store %arg11[%swap3A_450, %swap3A_451], %mul3A_449 {strides = array<i32>} : memref<80x64xf32, #tpu.memory_space<vmem>>, vector<16xf32>,
        %get3A_453 = arith.index_cast %add3A_443 : i32 to index
        %get3A_454 = arith.constant 16 : index
        %get3A_455 = tpu.vector_load %arg11[%get3A_453, %get3A_454] {strides = array<i32>} : memref<80x64xf32, #tpu.memory_space<vmem>>, vector<16xf32>,
        %mul3A_456 = arith.mulf %get3A_455, %gather3A_445 : vector<16xf32>
        %swap3A_457 = arith.index_cast %add3A_443 : i32 to index
        %swap3A_458 = arith.constant 16 : index
        %swap3A_459 = tpu.vector_load %arg11[%swap3A_457, %swap3A_458] {strides = array<i32>} : memref<80x64xf32, #tpu.memory_space<vmem>>, vector<16xf32>,
        tpu.vector_store %arg11[%swap3A_457, %swap3A_458], %mul3A_456 {strides = array<i32>} : memref<80x64xf32, #tpu.memory_space<vmem>>, vector<16xf32>,
        %get3A_460 = arith.index_cast %add3A_443 : i32 to index
        %get3A_461 = arith.constant 32 : index
        %get3A_462 = tpu.vector_load %arg11[%get3A_460, %get3A_461] {strides = array<i32>} : memref<80x64xf32, #tpu.memory_space<vmem>>, vector<16xf32>,
        %mul3A_463 = arith.mulf %get3A_462, %gather3A_445 : vector<16xf32>
        %swap3A_464 = arith.index_cast %add3A_443 : i32 to index
        %swap3A_465 = arith.constant 32 : index
        %swap3A_466 = tpu.vector_load %arg11[%swap3A_464, %swap3A_465] {strides = array<i32>} : memref<80x64xf32, #tpu.memory_space<vmem>>, vector<16xf32>,
        tpu.vector_store %arg11[%swap3A_464, %swap3A_465], %mul3A_463 {strides = array<i32>} : memref<80x64xf32, #tpu.memory_space<vmem>>, vector<16xf32>,
        %get3A_467 = arith.index_cast %add3A_443 : i32 to index
        %get3A_468 = arith.constant 48 : index
        %get3A_469 = tpu.vector_load %arg11[%get3A_467, %get3A_468] {strides = array<i32>} : memref<80x64xf32, #tpu.memory_space<vmem>>, vector<16xf32>,
        %mul3A_470 = arith.mulf %get3A_469, %gather3A_445 : vector<16xf32>
        %swap3A_471 = arith.index_cast %add3A_443 : i32 to index
        %swap3A_472 = arith.constant 48 : index
        %swap3A_473 = tpu.vector_load %arg11[%swap3A_471, %swap3A_472] {strides = array<i32>} : memref<80x64xf32, #tpu.memory_space<vmem>>, vector<16xf32>,
        tpu.vector_store %arg11[%swap3A_471, %swap3A_472], %mul3A_470 {strides = array<i32>} : memref<80x64xf32, #tpu.memory_space<vmem>>, vector<16xf32>,
        %mul3A_474 = arith.constant 8 : i32
        %mul3A_475 = arith.muli %scan3A_306, %mul3A_474 : i32
        %add3A_476 = arith.constant 5 : i32
        %add3A_477 = arith.addi %mul3A_475, %add3A_476 : i32
        %broadcast_in_dim3A_478 = vector.broadcast %add3A_477 : i32 to vector<16xi32>
        %gather3A_479 = tpu.vector_load_idx %arg10[%broadcast_in_dim3A_149, %broadcast_in_dim3A_478] : memref<250x80xf32, #tpu.memory_space<vmem>>[vector<16xi32>, vector<16xi32>], vector<16xf32>,
        %get3A_480 = arith.index_cast %add3A_477 : i32 to index
        %get3A_481 = arith.constant 0 : index
        %get3A_482 = tpu.vector_load %arg11[%get3A_480, %get3A_481] {strides = array<i32>} : memref<80x64xf32, #tpu.memory_space<vmem>>, vector<16xf32>,
        %mul3A_483 = arith.mulf %get3A_482, %gather3A_479 : vector<16xf32>
        %swap3A_484 = arith.index_cast %add3A_477 : i32 to index
        %swap3A_485 = arith.constant 0 : index
        %swap3A_486 = tpu.vector_load %arg11[%swap3A_484, %swap3A_485] {strides = array<i32>} : memref<80x64xf32, #tpu.memory_space<vmem>>, vector<16xf32>,
        tpu.vector_store %arg11[%swap3A_484, %swap3A_485], %mul3A_483 {strides = array<i32>} : memref<80x64xf32, #tpu.memory_space<vmem>>, vector<16xf32>,
        %get3A_487 = arith.index_cast %add3A_477 : i32 to index
        %get3A_488 = arith.constant 16 : index
        %get3A_489 = tpu.vector_load %arg11[%get3A_487, %get3A_488] {strides = array<i32>} : memref<80x64xf32, #tpu.memory_space<vmem>>, vector<16xf32>,
        %mul3A_490 = arith.mulf %get3A_489, %gather3A_479 : vector<16xf32>
        %swap3A_491 = arith.index_cast %add3A_477 : i32 to index
        %swap3A_492 = arith.constant 16 : index
        %swap3A_493 = tpu.vector_load %arg11[%swap3A_491, %swap3A_492] {strides = array<i32>} : memref<80x64xf32, #tpu.memory_space<vmem>>, vector<16xf32>,
        tpu.vector_store %arg11[%swap3A_491, %swap3A_492], %mul3A_490 {strides = array<i32>} : memref<80x64xf32, #tpu.memory_space<vmem>>, vector<16xf32>,
        %get3A_494 = arith.index_cast %add3A_477 : i32 to index
        %get3A_495 = arith.constant 32 : index
        %get3A_496 = tpu.vector_load %arg11[%get3A_494, %get3A_495] {strides = array<i32>} : memref<80x64xf32, #tpu.memory_space<vmem>>, vector<16xf32>,
        %mul3A_497 = arith.mulf %get3A_496, %gather3A_479 : vector<16xf32>
        %swap3A_498 = arith.index_cast %add3A_477 : i32 to index
        %swap3A_499 = arith.constant 32 : index
        %swap3A_500 = tpu.vector_load %arg11[%swap3A_498, %swap3A_499] {strides = array<i32>} : memref<80x64xf32, #tpu.memory_space<vmem>>, vector<16xf32>,
        tpu.vector_store %arg11[%swap3A_498, %swap3A_499], %mul3A_497 {strides = array<i32>} : memref<80x64xf32, #tpu.memory_space<vmem>>, vector<16xf32>,
        %get3A_501 = arith.index_cast %add3A_477 : i32 to index
        %get3A_502 = arith.constant 48 : index
        %get3A_503 = tpu.vector_load %arg11[%get3A_501, %get3A_502] {strides = array<i32>} : memref<80x64xf32, #tpu.memory_space<vmem>>, vector<16xf32>,
        %mul3A_504 = arith.mulf %get3A_503, %gather3A_479 : vector<16xf32>
        %swap3A_505 = arith.index_cast %add3A_477 : i32 to index
        %swap3A_506 = arith.constant 48 : index
        %swap3A_507 = tpu.vector_load %arg11[%swap3A_505, %swap3A_506] {strides = array<i32>} : memref<80x64xf32, #tpu.memory_space<vmem>>, vector<16xf32>,
        tpu.vector_store %arg11[%swap3A_505, %swap3A_506], %mul3A_504 {strides = array<i32>} : memref<80x64xf32, #tpu.memory_space<vmem>>, vector<16xf32>,
        %mul3A_508 = arith.constant 8 : i32
        %mul3A_509 = arith.muli %scan3A_306, %mul3A_508 : i32
        %add3A_510 = arith.constant 6 : i32
        %add3A_511 = arith.addi %mul3A_509, %add3A_510 : i32
        %broadcast_in_dim3A_512 = vector.broadcast %add3A_511 : i32 to vector<16xi32>
        %gather3A_513 = tpu.vector_load_idx %arg10[%broadcast_in_dim3A_149, %broadcast_in_dim3A_512] : memref<250x80xf32, #tpu.memory_space<vmem>>[vector<16xi32>, vector<16xi32>], vector<16xf32>,
        %get3A_514 = arith.index_cast %add3A_511 : i32 to index
        %get3A_515 = arith.constant 0 : index
        %get3A_516 = tpu.vector_load %arg11[%get3A_514, %get3A_515] {strides = array<i32>} : memref<80x64xf32, #tpu.memory_space<vmem>>, vector<16xf32>,
        %mul3A_517 = arith.mulf %get3A_516, %gather3A_513 : vector<16xf32>
        %swap3A_518 = arith.index_cast %add3A_511 : i32 to index
        %swap3A_519 = arith.constant 0 : index
        %swap3A_520 = tpu.vector_load %arg11[%swap3A_518, %swap3A_519] {strides = array<i32>} : memref<80x64xf32, #tpu.memory_space<vmem>>, vector<16xf32>,
        tpu.vector_store %arg11[%swap3A_518, %swap3A_519], %mul3A_517 {strides = array<i32>} : memref<80x64xf32, #tpu.memory_space<vmem>>, vector<16xf32>,
        %get3A_521 = arith.index_cast %add3A_511 : i32 to index
        %get3A_522 = arith.constant 16 : index
        %get3A_523 = tpu.vector_load %arg11[%get3A_521, %get3A_522] {strides = array<i32>} : memref<80x64xf32, #tpu.memory_space<vmem>>, vector<16xf32>,
        %mul3A_524 = arith.mulf %get3A_523, %gather3A_513 : vector<16xf32>
        %swap3A_525 = arith.index_cast %add3A_511 : i32 to index
        %swap3A_526 = arith.constant 16 : index
        %swap3A_527 = tpu.vector_load %arg11[%swap3A_525, %swap3A_526] {strides = array<i32>} : memref<80x64xf32, #tpu.memory_space<vmem>>, vector<16xf32>,
        tpu.vector_store %arg11[%swap3A_525, %swap3A_526], %mul3A_524 {strides = array<i32>} : memref<80x64xf32, #tpu.memory_space<vmem>>, vector<16xf32>,
        %get3A_528 = arith.index_cast %add3A_511 : i32 to index
        %get3A_529 = arith.constant 32 : index
        %get3A_530 = tpu.vector_load %arg11[%get3A_528, %get3A_529] {strides = array<i32>} : memref<80x64xf32, #tpu.memory_space<vmem>>, vector<16xf32>,
        %mul3A_531 = arith.mulf %get3A_530, %gather3A_513 : vector<16xf32>
        %swap3A_532 = arith.index_cast %add3A_511 : i32 to index
        %swap3A_533 = arith.constant 32 : index
        %swap3A_534 = tpu.vector_load %arg11[%swap3A_532, %swap3A_533] {strides = array<i32>} : memref<80x64xf32, #tpu.memory_space<vmem>>, vector<16xf32>,
        tpu.vector_store %arg11[%swap3A_532, %swap3A_533], %mul3A_531 {strides = array<i32>} : memref<80x64xf32, #tpu.memory_space<vmem>>, vector<16xf32>,
        %get3A_535 = arith.index_cast %add3A_511 : i32 to index
        %get3A_536 = arith.constant 48 : index
        %get3A_537 = tpu.vector_load %arg11[%get3A_535, %get3A_536] {strides = array<i32>} : memref<80x64xf32, #tpu.memory_space<vmem>>, vector<16xf32>,
        %mul3A_538 = arith.mulf %get3A_537, %gather3A_513 : vector<16xf32>
        %swap3A_539 = arith.index_cast %add3A_511 : i32 to index
        %swap3A_540 = arith.constant 48 : index
        %swap3A_541 = tpu.vector_load %arg11[%swap3A_539, %swap3A_540] {strides = array<i32>} : memref<80x64xf32, #tpu.memory_space<vmem>>, vector<16xf32>,
        tpu.vector_store %arg11[%swap3A_539, %swap3A_540], %mul3A_538 {strides = array<i32>} : memref<80x64xf32, #tpu.memory_space<vmem>>, vector<16xf32>,
        %mul3A_542 = arith.constant 8 : i32
        %mul3A_543 = arith.muli %scan3A_306, %mul3A_542 : i32
        %add3A_544 = arith.constant 7 : i32
        %add3A_545 = arith.addi %mul3A_543, %add3A_544 : i32
        %broadcast_in_dim3A_546 = vector.broadcast %add3A_545 : i32 to vector<16xi32>
        %gather3A_547 = tpu.vector_load_idx %arg10[%broadcast_in_dim3A_149, %broadcast_in_dim3A_546] : memref<250x80xf32, #tpu.memory_space<vmem>>[vector<16xi32>, vector<16xi32>], vector<16xf32>,
        %get3A_548 = arith.index_cast %add3A_545 : i32 to index
        %get3A_549 = arith.constant 0 : index
        %get3A_550 = tpu.vector_load %arg11[%get3A_548, %get3A_549] {strides = array<i32>} : memref<80x64xf32, #tpu.memory_space<vmem>>, vector<16xf32>,
        %mul3A_551 = arith.mulf %get3A_550, %gather3A_547 : vector<16xf32>
        %swap3A_552 = arith.index_cast %add3A_545 : i32 to index
        %swap3A_553 = arith.constant 0 : index
        %swap3A_554 = tpu.vector_load %arg11[%swap3A_552, %swap3A_553] {strides = array<i32>} : memref<80x64xf32, #tpu.memory_space<vmem>>, vector<16xf32>,
        tpu.vector_store %arg11[%swap3A_552, %swap3A_553], %mul3A_551 {strides = array<i32>} : memref<80x64xf32, #tpu.memory_space<vmem>>, vector<16xf32>,
        %get3A_555 = arith.index_cast %add3A_545 : i32 to index
        %get3A_556 = arith.constant 16 : index
        %get3A_557 = tpu.vector_load %arg11[%get3A_555, %get3A_556] {strides = array<i32>} : memref<80x64xf32, #tpu.memory_space<vmem>>, vector<16xf32>,
        %mul3A_558 = arith.mulf %get3A_557, %gather3A_547 : vector<16xf32>
        %swap3A_559 = arith.index_cast %add3A_545 : i32 to index
        %swap3A_560 = arith.constant 16 : index
        %swap3A_561 = tpu.vector_load %arg11[%swap3A_559, %swap3A_560] {strides = array<i32>} : memref<80x64xf32, #tpu.memory_space<vmem>>, vector<16xf32>,
        tpu.vector_store %arg11[%swap3A_559, %swap3A_560], %mul3A_558 {strides = array<i32>} : memref<80x64xf32, #tpu.memory_space<vmem>>, vector<16xf32>,
        %get3A_562 = arith.index_cast %add3A_545 : i32 to index
        %get3A_563 = arith.constant 32 : index
        %get3A_564 = tpu.vector_load %arg11[%get3A_562, %get3A_563] {strides = array<i32>} : memref<80x64xf32, #tpu.memory_space<vmem>>, vector<16xf32>,
        %mul3A_565 = arith.mulf %get3A_564, %gather3A_547 : vector<16xf32>
        %swap3A_566 = arith.index_cast %add3A_545 : i32 to index
        %swap3A_567 = arith.constant 32 : index
        %swap3A_568 = tpu.vector_load %arg11[%swap3A_566, %swap3A_567] {strides = array<i32>} : memref<80x64xf32, #tpu.memory_space<vmem>>, vector<16xf32>,
        tpu.vector_store %arg11[%swap3A_566, %swap3A_567], %mul3A_565 {strides = array<i32>} : memref<80x64xf32, #tpu.memory_space<vmem>>, vector<16xf32>,
        %get3A_569 = arith.index_cast %add3A_545 : i32 to index
        %get3A_570 = arith.constant 48 : index
        %get3A_571 = tpu.vector_load %arg11[%get3A_569, %get3A_570] {strides = array<i32>} : memref<80x64xf32, #tpu.memory_space<vmem>>, vector<16xf32>,
        %mul3A_572 = arith.mulf %get3A_571, %gather3A_547 : vector<16xf32>
        %swap3A_573 = arith.index_cast %add3A_545 : i32 to index
        %swap3A_574 = arith.constant 48 : index
        %swap3A_575 = tpu.vector_load %arg11[%swap3A_573, %swap3A_574] {strides = array<i32>} : memref<80x64xf32, #tpu.memory_space<vmem>>, vector<16xf32>,
        tpu.vector_store %arg11[%swap3A_573, %swap3A_574], %mul3A_572 {strides = array<i32>} : memref<80x64xf32, #tpu.memory_space<vmem>>, vector<16xf32>,
      }
      %scan3A_155 = arith.constant 10 : i32
      %dma_start3A_156 = arith.constant 0 : i32
      %dma_start3A_157 = tpu.memref_slice %arg8[%add3A_131, %dma_start3A_156] : memref<250x80xi32, #tpu.memory_space<vmem>> -> memref<1x80xi32, #tpu.memory_space<vmem>>
      %dma_start3A_158 = tpu.memref_squeeze %dma_start3A_157 : memref<1x80xi32, #tpu.memory_space<vmem>> -> memref<80xi32, #tpu.memory_space<vmem>>
      %dma_start3A_159 = arith.constant 0 : i32
      %dma_start3A_160 = arith.constant 0 : i32
      %dma_start3A_161 = tpu.memref_slice %arg16[%dma_start3A_159, %dma_start3A_160] : memref<10240x64xf32, #tpu.memory_space<vmem_shared>> -> memref<10240x64xf32, #tpu.memory_space<vmem_shared>>
      tpu.enqueue_indirect_dma source(%arg11 : memref<80x64xf32, #tpu.memory_space<vmem>>) target(%dma_start3A_161 : memref<10240x64xf32, #tpu.memory_space<vmem_shared>>) offsets(%dma_start3A_158 : memref<80xi32, #tpu.memory_space<vmem>>) semaphore(%arg22 : memref<!tpu.dma_semaphore, #tpu.memory_space<semaphore_mem>>) {add = true}
      %mul3A_162 = arith.constant 5 : i32
      %mul3A_163 = arith.muli %scan3A_127, %mul3A_162 : i32
      %add3A_164 = arith.constant 1 : i32
      %add3A_165 = arith.addi %mul3A_163, %add3A_164 : i32
      %ge3A_166 = arith.constant 2 : i32
      %ge3A_167 = arith.cmpi sge, %add3A_165, %ge3A_166 : i32
      %convert_element_type3A_168 = arith.extui %ge3A_167 : i1 to i32
      %cond3A_169 = arith.constant 0 : i32
      %cond3A_170 = arith.cmpi ne, %convert_element_type3A_168, %cond3A_169 : i32
      scf.if %cond3A_170 {
        %dma_wait3A_306 = arith.constant 0 : i32
        %dma_wait3A_307 = arith.constant 0 : i32
        %dma_wait3A_308 = tpu.memref_slice %arg8[%dma_wait3A_306, %dma_wait3A_307] : memref<250x80xi32, #tpu.memory_space<vmem>> -> memref<1x80xi32, #tpu.memory_space<vmem>>
        %dma_wait3A_309 = tpu.memref_squeeze %dma_wait3A_308 : memref<1x80xi32, #tpu.memory_space<vmem>> -> memref<80xi32, #tpu.memory_space<vmem>>
        %dma_wait3A_310 = arith.constant 0 : i32
        %dma_wait3A_311 = arith.constant 0 : i32
        %dma_wait3A_312 = tpu.memref_slice %arg16[%dma_wait3A_310, %dma_wait3A_311] : memref<10240x64xf32, #tpu.memory_space<vmem_shared>> -> memref<10240x64xf32, #tpu.memory_space<vmem_shared>>
        tpu.wait_indirect_dma semaphore(%arg26 : memref<!tpu.dma_semaphore, #tpu.memory_space<semaphore_mem>>) src(%arg15 : memref<80x64xf32, #tpu.memory_space<vmem>>) dst(%dma_wait3A_312 : memref<10240x64xf32, #tpu.memory_space<vmem_shared>>)
      } else {
      }
      %add3A_171 = arith.constant 3 : i32
      %add3A_172 = arith.addi %add3A_165, %add3A_171 : i32
      %lt3A_173 = arith.constant 250 : i32
      %lt3A_174 = arith.cmpi slt, %add3A_172, %lt3A_173 : i32
      %convert_element_type3A_175 = arith.extui %lt3A_174 : i1 to i32
      %cond3A_176 = arith.constant 0 : i32
      %cond3A_177 = arith.cmpi ne, %convert_element_type3A_175, %cond3A_176 : i32
      scf.if %cond3A_177 {
        %add3A_306 = arith.constant 3 : i32
        %add3A_307 = arith.addi %add3A_165, %add3A_306 : i32
        %dma_start3A_308 = arith.constant 0 : i32
        %dma_start3A_309 = tpu.memref_slice %arg9[%add3A_307, %dma_start3A_308] : memref<250x80xi32, #tpu.memory_space<vmem>> -> memref<1x80xi32, #tpu.memory_space<vmem>>
        %dma_start3A_310 = tpu.memref_squeeze %dma_start3A_309 : memref<1x80xi32, #tpu.memory_space<vmem>> -> memref<80xi32, #tpu.memory_space<vmem>>
        %dma_start3A_311 = arith.constant 0 : i32
        %dma_start3A_312 = arith.constant 0 : i32
        %dma_start3A_313 = tpu.memref_slice %arg2[%dma_start3A_311, %dma_start3A_312] : memref<20000x64xf32, #tpu.memory_space<hbm>> -> memref<20000x64xf32, #tpu.memory_space<hbm>>
        tpu.enqueue_indirect_dma source(%dma_start3A_313 : memref<20000x64xf32, #tpu.memory_space<hbm>>) target(%arg15 : memref<80x64xf32, #tpu.memory_space<vmem>>) offsets(%dma_start3A_310 : memref<80xi32, #tpu.memory_space<vmem>>) semaphore(%arg21 : memref<!tpu.dma_semaphore, #tpu.memory_space<semaphore_mem>>)
      } else {
      }
      %dma_wait3A_178 = arith.constant 0 : i32
      %dma_wait3A_179 = arith.constant 0 : i32
      %dma_wait3A_180 = tpu.memref_slice %arg9[%dma_wait3A_178, %dma_wait3A_179] : memref<250x80xi32, #tpu.memory_space<vmem>> -> memref<1x80xi32, #tpu.memory_space<vmem>>
      %dma_wait3A_181 = tpu.memref_squeeze %dma_wait3A_180 : memref<1x80xi32, #tpu.memory_space<vmem>> -> memref<80xi32, #tpu.memory_space<vmem>>
      %dma_wait3A_182 = arith.constant 0 : i32
      %dma_wait3A_183 = arith.constant 0 : i32
      %dma_wait3A_184 = tpu.memref_slice %arg2[%dma_wait3A_182, %dma_wait3A_183] : memref<20000x64xf32, #tpu.memory_space<hbm>> -> memref<20000x64xf32, #tpu.memory_space<hbm>>
      tpu.wait_indirect_dma semaphore(%arg18 : memref<!tpu.dma_semaphore, #tpu.memory_space<semaphore_mem>>) src(%dma_wait3A_184 : memref<20000x64xf32, #tpu.memory_space<hbm>>) dst(%arg12 : memref<80x64xf32, #tpu.memory_space<vmem>>)
      %broadcast_in_dim3A_185 = vector.broadcast %add3A_165 : i32 to vector<16xi32>
      %scan3A_186 = arith.constant 0 : i32
      %scan3A_187 = arith.constant 0 : i32
      %scan3A_188 = arith.constant 10 : i32
      %scan3A_189 = arith.addi %scan3A_187, %scan3A_188 : i32
      %scan3A_190 = arith.constant 1 : i32
      scf.for %scan3A_306 = %scan3A_187 to %scan3A_189 step %scan3A_190  : i32 {
        %mul3A_307 = arith.constant 8 : i32
        %mul3A_308 = arith.muli %scan3A_306, %mul3A_307 : i32
        %add3A_309 = arith.constant 0 : i32
        %add3A_310 = arith.addi %mul3A_308, %add3A_309 : i32
        %broadcast_in_dim3A_311 = vector.broadcast %add3A_310 : i32 to vector<16xi32>
        %gather3A = tpu.vector_load_idx %arg10[%broadcast_in_dim3A_185, %broadcast_in_dim3A_311] : memref<250x80xf32, #tpu.memory_space<vmem>>[vector<16xi32>, vector<16xi32>], vector<16xf32>,
        %get3A = arith.index_cast %add3A_310 : i32 to index
        %get3A_312 = arith.constant 0 : index
        %get3A_313 = tpu.vector_load %arg12[%get3A, %get3A_312] {strides = array<i32>} : memref<80x64xf32, #tpu.memory_space<vmem>>, vector<16xf32>,
        %mul3A_314 = arith.mulf %get3A_313, %gather3A : vector<16xf32>
        %swap3A = arith.index_cast %add3A_310 : i32 to index
        %swap3A_315 = arith.constant 0 : index
        %swap3A_316 = tpu.vector_load %arg12[%swap3A, %swap3A_315] {strides = array<i32>} : memref<80x64xf32, #tpu.memory_space<vmem>>, vector<16xf32>,
        tpu.vector_store %arg12[%swap3A, %swap3A_315], %mul3A_314 {strides = array<i32>} : memref<80x64xf32, #tpu.memory_space<vmem>>, vector<16xf32>,
        %get3A_317 = arith.index_cast %add3A_310 : i32 to index
        %get3A_318 = arith.constant 16 : index
        %get3A_319 = tpu.vector_load %arg12[%get3A_317, %get3A_318] {strides = array<i32>} : memref<80x64xf32, #tpu.memory_space<vmem>>, vector<16xf32>,
        %mul3A_320 = arith.mulf %get3A_319, %gather3A : vector<16xf32>
        %swap3A_321 = arith.index_cast %add3A_310 : i32 to index
        %swap3A_322 = arith.constant 16 : index
        %swap3A_323 = tpu.vector_load %arg12[%swap3A_321, %swap3A_322] {strides = array<i32>} : memref<80x64xf32, #tpu.memory_space<vmem>>, vector<16xf32>,
        tpu.vector_store %arg12[%swap3A_321, %swap3A_322], %mul3A_320 {strides = array<i32>} : memref<80x64xf32, #tpu.memory_space<vmem>>, vector<16xf32>,
        %get3A_324 = arith.index_cast %add3A_310 : i32 to index
        %get3A_325 = arith.constant 32 : index
        %get3A_326 = tpu.vector_load %arg12[%get3A_324, %get3A_325] {strides = array<i32>} : memref<80x64xf32, #tpu.memory_space<vmem>>, vector<16xf32>,
        %mul3A_327 = arith.mulf %get3A_326, %gather3A : vector<16xf32>
        %swap3A_328 = arith.index_cast %add3A_310 : i32 to index
        %swap3A_329 = arith.constant 32 : index
        %swap3A_330 = tpu.vector_load %arg12[%swap3A_328, %swap3A_329] {strides = array<i32>} : memref<80x64xf32, #tpu.memory_space<vmem>>, vector<16xf32>,
        tpu.vector_store %arg12[%swap3A_328, %swap3A_329], %mul3A_327 {strides = array<i32>} : memref<80x64xf32, #tpu.memory_space<vmem>>, vector<16xf32>,
        %get3A_331 = arith.index_cast %add3A_310 : i32 to index
        %get3A_332 = arith.constant 48 : index
        %get3A_333 = tpu.vector_load %arg12[%get3A_331, %get3A_332] {strides = array<i32>} : memref<80x64xf32, #tpu.memory_space<vmem>>, vector<16xf32>,
        %mul3A_334 = arith.mulf %get3A_333, %gather3A : vector<16xf32>
        %swap3A_335 = arith.index_cast %add3A_310 : i32 to index
        %swap3A_336 = arith.constant 48 : index
        %swap3A_337 = tpu.vector_load %arg12[%swap3A_335, %swap3A_336] {strides = array<i32>} : memref<80x64xf32, #tpu.memory_space<vmem>>, vector<16xf32>,
        tpu.vector_store %arg12[%swap3A_335, %swap3A_336], %mul3A_334 {strides = array<i32>} : memref<80x64xf32, #tpu.memory_space<vmem>>, vector<16xf32>,
        %mul3A_338 = arith.constant 8 : i32
        %mul3A_339 = arith.muli %scan3A_306, %mul3A_338 : i32
        %add3A_340 = arith.constant 1 : i32
        %add3A_341 = arith.addi %mul3A_339, %add3A_340 : i32
        %broadcast_in_dim3A_342 = vector.broadcast %add3A_341 : i32 to vector<16xi32>
        %gather3A_343 = tpu.vector_load_idx %arg10[%broadcast_in_dim3A_185, %broadcast_in_dim3A_342] : memref<250x80xf32, #tpu.memory_space<vmem>>[vector<16xi32>, vector<16xi32>], vector<16xf32>,
        %get3A_344 = arith.index_cast %add3A_341 : i32 to index
        %get3A_345 = arith.constant 0 : index
        %get3A_346 = tpu.vector_load %arg12[%get3A_344, %get3A_345] {strides = array<i32>} : memref<80x64xf32, #tpu.memory_space<vmem>>, vector<16xf32>,
        %mul3A_347 = arith.mulf %get3A_346, %gather3A_343 : vector<16xf32>
        %swap3A_348 = arith.index_cast %add3A_341 : i32 to index
        %swap3A_349 = arith.constant 0 : index
        %swap3A_350 = tpu.vector_load %arg12[%swap3A_348, %swap3A_349] {strides = array<i32>} : memref<80x64xf32, #tpu.memory_space<vmem>>, vector<16xf32>,
        tpu.vector_store %arg12[%swap3A_348, %swap3A_349], %mul3A_347 {strides = array<i32>} : memref<80x64xf32, #tpu.memory_space<vmem>>, vector<16xf32>,
        %get3A_351 = arith.index_cast %add3A_341 : i32 to index
        %get3A_352 = arith.constant 16 : index
        %get3A_353 = tpu.vector_load %arg12[%get3A_351, %get3A_352] {strides = array<i32>} : memref<80x64xf32, #tpu.memory_space<vmem>>, vector<16xf32>,
        %mul3A_354 = arith.mulf %get3A_353, %gather3A_343 : vector<16xf32>
        %swap3A_355 = arith.index_cast %add3A_341 : i32 to index
        %swap3A_356 = arith.constant 16 : index
        %swap3A_357 = tpu.vector_load %arg12[%swap3A_355, %swap3A_356] {strides = array<i32>} : memref<80x64xf32, #tpu.memory_space<vmem>>, vector<16xf32>,
        tpu.vector_store %arg12[%swap3A_355, %swap3A_356], %mul3A_354 {strides = array<i32>} : memref<80x64xf32, #tpu.memory_space<vmem>>, vector<16xf32>,
        %get3A_358 = arith.index_cast %add3A_341 : i32 to index
        %get3A_359 = arith.constant 32 : index
        %get3A_360 = tpu.vector_load %arg12[%get3A_358, %get3A_359] {strides = array<i32>} : memref<80x64xf32, #tpu.memory_space<vmem>>, vector<16xf32>,
        %mul3A_361 = arith.mulf %get3A_360, %gather3A_343 : vector<16xf32>
        %swap3A_362 = arith.index_cast %add3A_341 : i32 to index
        %swap3A_363 = arith.constant 32 : index
        %swap3A_364 = tpu.vector_load %arg12[%swap3A_362, %swap3A_363] {strides = array<i32>} : memref<80x64xf32, #tpu.memory_space<vmem>>, vector<16xf32>,
        tpu.vector_store %arg12[%swap3A_362, %swap3A_363], %mul3A_361 {strides = array<i32>} : memref<80x64xf32, #tpu.memory_space<vmem>>, vector<16xf32>,
        %get3A_365 = arith.index_cast %add3A_341 : i32 to index
        %get3A_366 = arith.constant 48 : index
        %get3A_367 = tpu.vector_load %arg12[%get3A_365, %get3A_366] {strides = array<i32>} : memref<80x64xf32, #tpu.memory_space<vmem>>, vector<16xf32>,
        %mul3A_368 = arith.mulf %get3A_367, %gather3A_343 : vector<16xf32>
        %swap3A_369 = arith.index_cast %add3A_341 : i32 to index
        %swap3A_370 = arith.constant 48 : index
        %swap3A_371 = tpu.vector_load %arg12[%swap3A_369, %swap3A_370] {strides = array<i32>} : memref<80x64xf32, #tpu.memory_space<vmem>>, vector<16xf32>,
        tpu.vector_store %arg12[%swap3A_369, %swap3A_370], %mul3A_368 {strides = array<i32>} : memref<80x64xf32, #tpu.memory_space<vmem>>, vector<16xf32>,
        %mul3A_372 = arith.constant 8 : i32
        %mul3A_373 = arith.muli %scan3A_306, %mul3A_372 : i32
        %add3A_374 = arith.constant 2 : i32
        %add3A_375 = arith.addi %mul3A_373, %add3A_374 : i32
        %broadcast_in_dim3A_376 = vector.broadcast %add3A_375 : i32 to vector<16xi32>
        %gather3A_377 = tpu.vector_load_idx %arg10[%broadcast_in_dim3A_185, %broadcast_in_dim3A_376] : memref<250x80xf32, #tpu.memory_space<vmem>>[vector<16xi32>, vector<16xi32>], vector<16xf32>,
        %get3A_378 = arith.index_cast %add3A_375 : i32 to index
        %get3A_379 = arith.constant 0 : index
        %get3A_380 = tpu.vector_load %arg12[%get3A_378, %get3A_379] {strides = array<i32>} : memref<80x64xf32, #tpu.memory_space<vmem>>, vector<16xf32>,
        %mul3A_381 = arith.mulf %get3A_380, %gather3A_377 : vector<16xf32>
        %swap3A_382 = arith.index_cast %add3A_375 : i32 to index
        %swap3A_383 = arith.constant 0 : index
        %swap3A_384 = tpu.vector_load %arg12[%swap3A_382, %swap3A_383] {strides = array<i32>} : memref<80x64xf32, #tpu.memory_space<vmem>>, vector<16xf32>,
        tpu.vector_store %arg12[%swap3A_382, %swap3A_383], %mul3A_381 {strides = array<i32>} : memref<80x64xf32, #tpu.memory_space<vmem>>, vector<16xf32>,
        %get3A_385 = arith.index_cast %add3A_375 : i32 to index
        %get3A_386 = arith.constant 16 : index
        %get3A_387 = tpu.vector_load %arg12[%get3A_385, %get3A_386] {strides = array<i32>} : memref<80x64xf32, #tpu.memory_space<vmem>>, vector<16xf32>,
        %mul3A_388 = arith.mulf %get3A_387, %gather3A_377 : vector<16xf32>
        %swap3A_389 = arith.index_cast %add3A_375 : i32 to index
        %swap3A_390 = arith.constant 16 : index
        %swap3A_391 = tpu.vector_load %arg12[%swap3A_389, %swap3A_390] {strides = array<i32>} : memref<80x64xf32, #tpu.memory_space<vmem>>, vector<16xf32>,
        tpu.vector_store %arg12[%swap3A_389, %swap3A_390], %mul3A_388 {strides = array<i32>} : memref<80x64xf32, #tpu.memory_space<vmem>>, vector<16xf32>,
        %get3A_392 = arith.index_cast %add3A_375 : i32 to index
        %get3A_393 = arith.constant 32 : index
        %get3A_394 = tpu.vector_load %arg12[%get3A_392, %get3A_393] {strides = array<i32>} : memref<80x64xf32, #tpu.memory_space<vmem>>, vector<16xf32>,
        %mul3A_395 = arith.mulf %get3A_394, %gather3A_377 : vector<16xf32>
        %swap3A_396 = arith.index_cast %add3A_375 : i32 to index
        %swap3A_397 = arith.constant 32 : index
        %swap3A_398 = tpu.vector_load %arg12[%swap3A_396, %swap3A_397] {strides = array<i32>} : memref<80x64xf32, #tpu.memory_space<vmem>>, vector<16xf32>,
        tpu.vector_store %arg12[%swap3A_396, %swap3A_397], %mul3A_395 {strides = array<i32>} : memref<80x64xf32, #tpu.memory_space<vmem>>, vector<16xf32>,
        %get3A_399 = arith.index_cast %add3A_375 : i32 to index
        %get3A_400 = arith.constant 48 : index
        %get3A_401 = tpu.vector_load %arg12[%get3A_399, %get3A_400] {strides = array<i32>} : memref<80x64xf32, #tpu.memory_space<vmem>>, vector<16xf32>,
        %mul3A_402 = arith.mulf %get3A_401, %gather3A_377 : vector<16xf32>
        %swap3A_403 = arith.index_cast %add3A_375 : i32 to index
        %swap3A_404 = arith.constant 48 : index
        %swap3A_405 = tpu.vector_load %arg12[%swap3A_403, %swap3A_404] {strides = array<i32>} : memref<80x64xf32, #tpu.memory_space<vmem>>, vector<16xf32>,
        tpu.vector_store %arg12[%swap3A_403, %swap3A_404], %mul3A_402 {strides = array<i32>} : memref<80x64xf32, #tpu.memory_space<vmem>>, vector<16xf32>,
        %mul3A_406 = arith.constant 8 : i32
        %mul3A_407 = arith.muli %scan3A_306, %mul3A_406 : i32
        %add3A_408 = arith.constant 3 : i32
        %add3A_409 = arith.addi %mul3A_407, %add3A_408 : i32
        %broadcast_in_dim3A_410 = vector.broadcast %add3A_409 : i32 to vector<16xi32>
        %gather3A_411 = tpu.vector_load_idx %arg10[%broadcast_in_dim3A_185, %broadcast_in_dim3A_410] : memref<250x80xf32, #tpu.memory_space<vmem>>[vector<16xi32>, vector<16xi32>], vector<16xf32>,
        %get3A_412 = arith.index_cast %add3A_409 : i32 to index
        %get3A_413 = arith.constant 0 : index
        %get3A_414 = tpu.vector_load %arg12[%get3A_412, %get3A_413] {strides = array<i32>} : memref<80x64xf32, #tpu.memory_space<vmem>>, vector<16xf32>,
        %mul3A_415 = arith.mulf %get3A_414, %gather3A_411 : vector<16xf32>
        %swap3A_416 = arith.index_cast %add3A_409 : i32 to index
        %swap3A_417 = arith.constant 0 : index
        %swap3A_418 = tpu.vector_load %arg12[%swap3A_416, %swap3A_417] {strides = array<i32>} : memref<80x64xf32, #tpu.memory_space<vmem>>, vector<16xf32>,
        tpu.vector_store %arg12[%swap3A_416, %swap3A_417], %mul3A_415 {strides = array<i32>} : memref<80x64xf32, #tpu.memory_space<vmem>>, vector<16xf32>,
        %get3A_419 = arith.index_cast %add3A_409 : i32 to index
        %get3A_420 = arith.constant 16 : index
        %get3A_421 = tpu.vector_load %arg12[%get3A_419, %get3A_420] {strides = array<i32>} : memref<80x64xf32, #tpu.memory_space<vmem>>, vector<16xf32>,
        %mul3A_422 = arith.mulf %get3A_421, %gather3A_411 : vector<16xf32>
        %swap3A_423 = arith.index_cast %add3A_409 : i32 to index
        %swap3A_424 = arith.constant 16 : index
        %swap3A_425 = tpu.vector_load %arg12[%swap3A_423, %swap3A_424] {strides = array<i32>} : memref<80x64xf32, #tpu.memory_space<vmem>>, vector<16xf32>,
        tpu.vector_store %arg12[%swap3A_423, %swap3A_424], %mul3A_422 {strides = array<i32>} : memref<80x64xf32, #tpu.memory_space<vmem>>, vector<16xf32>,
        %get3A_426 = arith.index_cast %add3A_409 : i32 to index
        %get3A_427 = arith.constant 32 : index
        %get3A_428 = tpu.vector_load %arg12[%get3A_426, %get3A_427] {strides = array<i32>} : memref<80x64xf32, #tpu.memory_space<vmem>>, vector<16xf32>,
        %mul3A_429 = arith.mulf %get3A_428, %gather3A_411 : vector<16xf32>
        %swap3A_430 = arith.index_cast %add3A_409 : i32 to index
        %swap3A_431 = arith.constant 32 : index
        %swap3A_432 = tpu.vector_load %arg12[%swap3A_430, %swap3A_431] {strides = array<i32>} : memref<80x64xf32, #tpu.memory_space<vmem>>, vector<16xf32>,
        tpu.vector_store %arg12[%swap3A_430, %swap3A_431], %mul3A_429 {strides = array<i32>} : memref<80x64xf32, #tpu.memory_space<vmem>>, vector<16xf32>,
        %get3A_433 = arith.index_cast %add3A_409 : i32 to index
        %get3A_434 = arith.constant 48 : index
        %get3A_435 = tpu.vector_load %arg12[%get3A_433, %get3A_434] {strides = array<i32>} : memref<80x64xf32, #tpu.memory_space<vmem>>, vector<16xf32>,
        %mul3A_436 = arith.mulf %get3A_435, %gather3A_411 : vector<16xf32>
        %swap3A_437 = arith.index_cast %add3A_409 : i32 to index
        %swap3A_438 = arith.constant 48 : index
        %swap3A_439 = tpu.vector_load %arg12[%swap3A_437, %swap3A_438] {strides = array<i32>} : memref<80x64xf32, #tpu.memory_space<vmem>>, vector<16xf32>,
        tpu.vector_store %arg12[%swap3A_437, %swap3A_438], %mul3A_436 {strides = array<i32>} : memref<80x64xf32, #tpu.memory_space<vmem>>, vector<16xf32>,
        %mul3A_440 = arith.constant 8 : i32
        %mul3A_441 = arith.muli %scan3A_306, %mul3A_440 : i32
        %add3A_442 = arith.constant 4 : i32
        %add3A_443 = arith.addi %mul3A_441, %add3A_442 : i32
        %broadcast_in_dim3A_444 = vector.broadcast %add3A_443 : i32 to vector<16xi32>
        %gather3A_445 = tpu.vector_load_idx %arg10[%broadcast_in_dim3A_185, %broadcast_in_dim3A_444] : memref<250x80xf32, #tpu.memory_space<vmem>>[vector<16xi32>, vector<16xi32>], vector<16xf32>,
        %get3A_446 = arith.index_cast %add3A_443 : i32 to index
        %get3A_447 = arith.constant 0 : index
        %get3A_448 = tpu.vector_load %arg12[%get3A_446, %get3A_447] {strides = array<i32>} : memref<80x64xf32, #tpu.memory_space<vmem>>, vector<16xf32>,
        %mul3A_449 = arith.mulf %get3A_448, %gather3A_445 : vector<16xf32>
        %swap3A_450 = arith.index_cast %add3A_443 : i32 to index
        %swap3A_451 = arith.constant 0 : index
        %swap3A_452 = tpu.vector_load %arg12[%swap3A_450, %swap3A_451] {strides = array<i32>} : memref<80x64xf32, #tpu.memory_space<vmem>>, vector<16xf32>,
        tpu.vector_store %arg12[%swap3A_450, %swap3A_451], %mul3A_449 {strides = array<i32>} : memref<80x64xf32, #tpu.memory_space<vmem>>, vector<16xf32>,
        %get3A_453 = arith.index_cast %add3A_443 : i32 to index
        %get3A_454 = arith.constant 16 : index
        %get3A_455 = tpu.vector_load %arg12[%get3A_453, %get3A_454] {strides = array<i32>} : memref<80x64xf32, #tpu.memory_space<vmem>>, vector<16xf32>,
        %mul3A_456 = arith.mulf %get3A_455, %gather3A_445 : vector<16xf32>
        %swap3A_457 = arith.index_cast %add3A_443 : i32 to index
        %swap3A_458 = arith.constant 16 : index
        %swap3A_459 = tpu.vector_load %arg12[%swap3A_457, %swap3A_458] {strides = array<i32>} : memref<80x64xf32, #tpu.memory_space<vmem>>, vector<16xf32>,
        tpu.vector_store %arg12[%swap3A_457, %swap3A_458], %mul3A_456 {strides = array<i32>} : memref<80x64xf32, #tpu.memory_space<vmem>>, vector<16xf32>,
        %get3A_460 = arith.index_cast %add3A_443 : i32 to index
        %get3A_461 = arith.constant 32 : index
        %get3A_462 = tpu.vector_load %arg12[%get3A_460, %get3A_461] {strides = array<i32>} : memref<80x64xf32, #tpu.memory_space<vmem>>, vector<16xf32>,
        %mul3A_463 = arith.mulf %get3A_462, %gather3A_445 : vector<16xf32>
        %swap3A_464 = arith.index_cast %add3A_443 : i32 to index
        %swap3A_465 = arith.constant 32 : index
        %swap3A_466 = tpu.vector_load %arg12[%swap3A_464, %swap3A_465] {strides = array<i32>} : memref<80x64xf32, #tpu.memory_space<vmem>>, vector<16xf32>,
        tpu.vector_store %arg12[%swap3A_464, %swap3A_465], %mul3A_463 {strides = array<i32>} : memref<80x64xf32, #tpu.memory_space<vmem>>, vector<16xf32>,
        %get3A_467 = arith.index_cast %add3A_443 : i32 to index
        %get3A_468 = arith.constant 48 : index
        %get3A_469 = tpu.vector_load %arg12[%get3A_467, %get3A_468] {strides = array<i32>} : memref<80x64xf32, #tpu.memory_space<vmem>>, vector<16xf32>,
        %mul3A_470 = arith.mulf %get3A_469, %gather3A_445 : vector<16xf32>
        %swap3A_471 = arith.index_cast %add3A_443 : i32 to index
        %swap3A_472 = arith.constant 48 : index
        %swap3A_473 = tpu.vector_load %arg12[%swap3A_471, %swap3A_472] {strides = array<i32>} : memref<80x64xf32, #tpu.memory_space<vmem>>, vector<16xf32>,
        tpu.vector_store %arg12[%swap3A_471, %swap3A_472], %mul3A_470 {strides = array<i32>} : memref<80x64xf32, #tpu.memory_space<vmem>>, vector<16xf32>,
        %mul3A_474 = arith.constant 8 : i32
        %mul3A_475 = arith.muli %scan3A_306, %mul3A_474 : i32
        %add3A_476 = arith.constant 5 : i32
        %add3A_477 = arith.addi %mul3A_475, %add3A_476 : i32
        %broadcast_in_dim3A_478 = vector.broadcast %add3A_477 : i32 to vector<16xi32>
        %gather3A_479 = tpu.vector_load_idx %arg10[%broadcast_in_dim3A_185, %broadcast_in_dim3A_478] : memref<250x80xf32, #tpu.memory_space<vmem>>[vector<16xi32>, vector<16xi32>], vector<16xf32>,
        %get3A_480 = arith.index_cast %add3A_477 : i32 to index
        %get3A_481 = arith.constant 0 : index
        %get3A_482 = tpu.vector_load %arg12[%get3A_480, %get3A_481] {strides = array<i32>} : memref<80x64xf32, #tpu.memory_space<vmem>>, vector<16xf32>,
        %mul3A_483 = arith.mulf %get3A_482, %gather3A_479 : vector<16xf32>
        %swap3A_484 = arith.index_cast %add3A_477 : i32 to index
        %swap3A_485 = arith.constant 0 : index
        %swap3A_486 = tpu.vector_load %arg12[%swap3A_484, %swap3A_485] {strides = array<i32>} : memref<80x64xf32, #tpu.memory_space<vmem>>, vector<16xf32>,
        tpu.vector_store %arg12[%swap3A_484, %swap3A_485], %mul3A_483 {strides = array<i32>} : memref<80x64xf32, #tpu.memory_space<vmem>>, vector<16xf32>,
        %get3A_487 = arith.index_cast %add3A_477 : i32 to index
        %get3A_488 = arith.constant 16 : index
        %get3A_489 = tpu.vector_load %arg12[%get3A_487, %get3A_488] {strides = array<i32>} : memref<80x64xf32, #tpu.memory_space<vmem>>, vector<16xf32>,
        %mul3A_490 = arith.mulf %get3A_489, %gather3A_479 : vector<16xf32>
        %swap3A_491 = arith.index_cast %add3A_477 : i32 to index
        %swap3A_492 = arith.constant 16 : index
        %swap3A_493 = tpu.vector_load %arg12[%swap3A_491, %swap3A_492] {strides = array<i32>} : memref<80x64xf32, #tpu.memory_space<vmem>>, vector<16xf32>,
        tpu.vector_store %arg12[%swap3A_491, %swap3A_492], %mul3A_490 {strides = array<i32>} : memref<80x64xf32, #tpu.memory_space<vmem>>, vector<16xf32>,
        %get3A_494 = arith.index_cast %add3A_477 : i32 to index
        %get3A_495 = arith.constant 32 : index
        %get3A_496 = tpu.vector_load %arg12[%get3A_494, %get3A_495] {strides = array<i32>} : memref<80x64xf32, #tpu.memory_space<vmem>>, vector<16xf32>,
        %mul3A_497 = arith.mulf %get3A_496, %gather3A_479 : vector<16xf32>
        %swap3A_498 = arith.index_cast %add3A_477 : i32 to index
        %swap3A_499 = arith.constant 32 : index
        %swap3A_500 = tpu.vector_load %arg12[%swap3A_498, %swap3A_499] {strides = array<i32>} : memref<80x64xf32, #tpu.memory_space<vmem>>, vector<16xf32>,
        tpu.vector_store %arg12[%swap3A_498, %swap3A_499], %mul3A_497 {strides = array<i32>} : memref<80x64xf32, #tpu.memory_space<vmem>>, vector<16xf32>,
        %get3A_501 = arith.index_cast %add3A_477 : i32 to index
        %get3A_502 = arith.constant 48 : index
        %get3A_503 = tpu.vector_load %arg12[%get3A_501, %get3A_502] {strides = array<i32>} : memref<80x64xf32, #tpu.memory_space<vmem>>, vector<16xf32>,
        %mul3A_504 = arith.mulf %get3A_503, %gather3A_479 : vector<16xf32>
        %swap3A_505 = arith.index_cast %add3A_477 : i32 to index
        %swap3A_506 = arith.constant 48 : index
        %swap3A_507 = tpu.vector_load %arg12[%swap3A_505, %swap3A_506] {strides = array<i32>} : memref<80x64xf32, #tpu.memory_space<vmem>>, vector<16xf32>,
        tpu.vector_store %arg12[%swap3A_505, %swap3A_506], %mul3A_504 {strides = array<i32>} : memref<80x64xf32, #tpu.memory_space<vmem>>, vector<16xf32>,
        %mul3A_508 = arith.constant 8 : i32
        %mul3A_509 = arith.muli %scan3A_306, %mul3A_508 : i32
        %add3A_510 = arith.constant 6 : i32
        %add3A_511 = arith.addi %mul3A_509, %add3A_510 : i32
        %broadcast_in_dim3A_512 = vector.broadcast %add3A_511 : i32 to vector<16xi32>
        %gather3A_513 = tpu.vector_load_idx %arg10[%broadcast_in_dim3A_185, %broadcast_in_dim3A_512] : memref<250x80xf32, #tpu.memory_space<vmem>>[vector<16xi32>, vector<16xi32>], vector<16xf32>,
        %get3A_514 = arith.index_cast %add3A_511 : i32 to index
        %get3A_515 = arith.constant 0 : index
        %get3A_516 = tpu.vector_load %arg12[%get3A_514, %get3A_515] {strides = array<i32>} : memref<80x64xf32, #tpu.memory_space<vmem>>, vector<16xf32>,
        %mul3A_517 = arith.mulf %get3A_516, %gather3A_513 : vector<16xf32>
        %swap3A_518 = arith.index_cast %add3A_511 : i32 to index
        %swap3A_519 = arith.constant 0 : index
        %swap3A_520 = tpu.vector_load %arg12[%swap3A_518, %swap3A_519] {strides = array<i32>} : memref<80x64xf32, #tpu.memory_space<vmem>>, vector<16xf32>,
        tpu.vector_store %arg12[%swap3A_518, %swap3A_519], %mul3A_517 {strides = array<i32>} : memref<80x64xf32, #tpu.memory_space<vmem>>, vector<16xf32>,
        %get3A_521 = arith.index_cast %add3A_511 : i32 to index
        %get3A_522 = arith.constant 16 : index
        %get3A_523 = tpu.vector_load %arg12[%get3A_521, %get3A_522] {strides = array<i32>} : memref<80x64xf32, #tpu.memory_space<vmem>>, vector<16xf32>,
        %mul3A_524 = arith.mulf %get3A_523, %gather3A_513 : vector<16xf32>
        %swap3A_525 = arith.index_cast %add3A_511 : i32 to index
        %swap3A_526 = arith.constant 16 : index
        %swap3A_527 = tpu.vector_load %arg12[%swap3A_525, %swap3A_526] {strides = array<i32>} : memref<80x64xf32, #tpu.memory_space<vmem>>, vector<16xf32>,
        tpu.vector_store %arg12[%swap3A_525, %swap3A_526], %mul3A_524 {strides = array<i32>} : memref<80x64xf32, #tpu.memory_space<vmem>>, vector<16xf32>,
        %get3A_528 = arith.index_cast %add3A_511 : i32 to index
        %get3A_529 = arith.constant 32 : index
        %get3A_530 = tpu.vector_load %arg12[%get3A_528, %get3A_529] {strides = array<i32>} : memref<80x64xf32, #tpu.memory_space<vmem>>, vector<16xf32>,
        %mul3A_531 = arith.mulf %get3A_530, %gather3A_513 : vector<16xf32>
        %swap3A_532 = arith.index_cast %add3A_511 : i32 to index
        %swap3A_533 = arith.constant 32 : index
        %swap3A_534 = tpu.vector_load %arg12[%swap3A_532, %swap3A_533] {strides = array<i32>} : memref<80x64xf32, #tpu.memory_space<vmem>>, vector<16xf32>,
        tpu.vector_store %arg12[%swap3A_532, %swap3A_533], %mul3A_531 {strides = array<i32>} : memref<80x64xf32, #tpu.memory_space<vmem>>, vector<16xf32>,
        %get3A_535 = arith.index_cast %add3A_511 : i32 to index
        %get3A_536 = arith.constant 48 : index
        %get3A_537 = tpu.vector_load %arg12[%get3A_535, %get3A_536] {strides = array<i32>} : memref<80x64xf32, #tpu.memory_space<vmem>>, vector<16xf32>,
        %mul3A_538 = arith.mulf %get3A_537, %gather3A_513 : vector<16xf32>
        %swap3A_539 = arith.index_cast %add3A_511 : i32 to index
        %swap3A_540 = arith.constant 48 : index
        %swap3A_541 = tpu.vector_load %arg12[%swap3A_539, %swap3A_540] {strides = array<i32>} : memref<80x64xf32, #tpu.memory_space<vmem>>, vector<16xf32>,
        tpu.vector_store %arg12[%swap3A_539, %swap3A_540], %mul3A_538 {strides = array<i32>} : memref<80x64xf32, #tpu.memory_space<vmem>>, vector<16xf32>,
        %mul3A_542 = arith.constant 8 : i32
        %mul3A_543 = arith.muli %scan3A_306, %mul3A_542 : i32
        %add3A_544 = arith.constant 7 : i32
        %add3A_545 = arith.addi %mul3A_543, %add3A_544 : i32
        %broadcast_in_dim3A_546 = vector.broadcast %add3A_545 : i32 to vector<16xi32>
        %gather3A_547 = tpu.vector_load_idx %arg10[%broadcast_in_dim3A_185, %broadcast_in_dim3A_546] : memref<250x80xf32, #tpu.memory_space<vmem>>[vector<16xi32>, vector<16xi32>], vector<16xf32>,
        %get3A_548 = arith.index_cast %add3A_545 : i32 to index
        %get3A_549 = arith.constant 0 : index
        %get3A_550 = tpu.vector_load %arg12[%get3A_548, %get3A_549] {strides = array<i32>} : memref<80x64xf32, #tpu.memory_space<vmem>>, vector<16xf32>,
        %mul3A_551 = arith.mulf %get3A_550, %gather3A_547 : vector<16xf32>
        %swap3A_552 = arith.index_cast %add3A_545 : i32 to index
        %swap3A_553 = arith.constant 0 : index
        %swap3A_554 = tpu.vector_load %arg12[%swap3A_552, %swap3A_553] {strides = array<i32>} : memref<80x64xf32, #tpu.memory_space<vmem>>, vector<16xf32>,
        tpu.vector_store %arg12[%swap3A_552, %swap3A_553], %mul3A_551 {strides = array<i32>} : memref<80x64xf32, #tpu.memory_space<vmem>>, vector<16xf32>,
        %get3A_555 = arith.index_cast %add3A_545 : i32 to index
        %get3A_556 = arith.constant 16 : index
        %get3A_557 = tpu.vector_load %arg12[%get3A_555, %get3A_556] {strides = array<i32>} : memref<80x64xf32, #tpu.memory_space<vmem>>, vector<16xf32>,
        %mul3A_558 = arith.mulf %get3A_557, %gather3A_547 : vector<16xf32>
        %swap3A_559 = arith.index_cast %add3A_545 : i32 to index
        %swap3A_560 = arith.constant 16 : index
        %swap3A_561 = tpu.vector_load %arg12[%swap3A_559, %swap3A_560] {strides = array<i32>} : memref<80x64xf32, #tpu.memory_space<vmem>>, vector<16xf32>,
        tpu.vector_store %arg12[%swap3A_559, %swap3A_560], %mul3A_558 {strides = array<i32>} : memref<80x64xf32, #tpu.memory_space<vmem>>, vector<16xf32>,
        %get3A_562 = arith.index_cast %add3A_545 : i32 to index
        %get3A_563 = arith.constant 32 : index
        %get3A_564 = tpu.vector_load %arg12[%get3A_562, %get3A_563] {strides = array<i32>} : memref<80x64xf32, #tpu.memory_space<vmem>>, vector<16xf32>,
        %mul3A_565 = arith.mulf %get3A_564, %gather3A_547 : vector<16xf32>
        %swap3A_566 = arith.index_cast %add3A_545 : i32 to index
        %swap3A_567 = arith.constant 32 : index
        %swap3A_568 = tpu.vector_load %arg12[%swap3A_566, %swap3A_567] {strides = array<i32>} : memref<80x64xf32, #tpu.memory_space<vmem>>, vector<16xf32>,
        tpu.vector_store %arg12[%swap3A_566, %swap3A_567], %mul3A_565 {strides = array<i32>} : memref<80x64xf32, #tpu.memory_space<vmem>>, vector<16xf32>,
        %get3A_569 = arith.index_cast %add3A_545 : i32 to index
        %get3A_570 = arith.constant 48 : index
        %get3A_571 = tpu.vector_load %arg12[%get3A_569, %get3A_570] {strides = array<i32>} : memref<80x64xf32, #tpu.memory_space<vmem>>, vector<16xf32>,
        %mul3A_572 = arith.mulf %get3A_571, %gather3A_547 : vector<16xf32>
        %swap3A_573 = arith.index_cast %add3A_545 : i32 to index
        %swap3A_574 = arith.constant 48 : index
        %swap3A_575 = tpu.vector_load %arg12[%swap3A_573, %swap3A_574] {strides = array<i32>} : memref<80x64xf32, #tpu.memory_space<vmem>>, vector<16xf32>,
        tpu.vector_store %arg12[%swap3A_573, %swap3A_574], %mul3A_572 {strides = array<i32>} : memref<80x64xf32, #tpu.memory_space<vmem>>, vector<16xf32>,
      }
      %scan3A_191 = arith.constant 10 : i32
      %dma_start3A_192 = arith.constant 0 : i32
      %dma_start3A_193 = tpu.memref_slice %arg8[%add3A_165, %dma_start3A_192] : memref<250x80xi32, #tpu.memory_space<vmem>> -> memref<1x80xi32, #tpu.memory_space<vmem>>
      %dma_start3A_194 = tpu.memref_squeeze %dma_start3A_193 : memref<1x80xi32, #tpu.memory_space<vmem>> -> memref<80xi32, #tpu.memory_space<vmem>>
      %dma_start3A_195 = arith.constant 0 : i32
      %dma_start3A_196 = arith.constant 0 : i32
      %dma_start3A_197 = tpu.memref_slice %arg16[%dma_start3A_195, %dma_start3A_196] : memref<10240x64xf32, #tpu.memory_space<vmem_shared>> -> memref<10240x64xf32, #tpu.memory_space<vmem_shared>>
      tpu.enqueue_indirect_dma source(%arg12 : memref<80x64xf32, #tpu.memory_space<vmem>>) target(%dma_start3A_197 : memref<10240x64xf32, #tpu.memory_space<vmem_shared>>) offsets(%dma_start3A_194 : memref<80xi32, #tpu.memory_space<vmem>>) semaphore(%arg23 : memref<!tpu.dma_semaphore, #tpu.memory_space<semaphore_mem>>) {add = true}
      %mul3A_198 = arith.constant 5 : i32
      %mul3A_199 = arith.muli %scan3A_127, %mul3A_198 : i32
      %add3A_200 = arith.constant 2 : i32
      %add3A_201 = arith.addi %mul3A_199, %add3A_200 : i32
      %ge3A_202 = arith.constant 2 : i32
      %ge3A_203 = arith.cmpi sge, %add3A_201, %ge3A_202 : i32
      %convert_element_type3A_204 = arith.extui %ge3A_203 : i1 to i32
      %cond3A_205 = arith.constant 0 : i32
      %cond3A_206 = arith.cmpi ne, %convert_element_type3A_204, %cond3A_205 : i32
      scf.if %cond3A_206 {
        %dma_wait3A_306 = arith.constant 0 : i32
        %dma_wait3A_307 = arith.constant 0 : i32
        %dma_wait3A_308 = tpu.memref_slice %arg8[%dma_wait3A_306, %dma_wait3A_307] : memref<250x80xi32, #tpu.memory_space<vmem>> -> memref<1x80xi32, #tpu.memory_space<vmem>>
        %dma_wait3A_309 = tpu.memref_squeeze %dma_wait3A_308 : memref<1x80xi32, #tpu.memory_space<vmem>> -> memref<80xi32, #tpu.memory_space<vmem>>
        %dma_wait3A_310 = arith.constant 0 : i32
        %dma_wait3A_311 = arith.constant 0 : i32
        %dma_wait3A_312 = tpu.memref_slice %arg16[%dma_wait3A_310, %dma_wait3A_311] : memref<10240x64xf32, #tpu.memory_space<vmem_shared>> -> memref<10240x64xf32, #tpu.memory_space<vmem_shared>>
        tpu.wait_indirect_dma semaphore(%arg22 : memref<!tpu.dma_semaphore, #tpu.memory_space<semaphore_mem>>) src(%arg11 : memref<80x64xf32, #tpu.memory_space<vmem>>) dst(%dma_wait3A_312 : memref<10240x64xf32, #tpu.memory_space<vmem_shared>>)
      } else {
      }
      %add3A_207 = arith.constant 3 : i32
      %add3A_208 = arith.addi %add3A_201, %add3A_207 : i32
      %lt3A_209 = arith.constant 250 : i32
      %lt3A_210 = arith.cmpi slt, %add3A_208, %lt3A_209 : i32
      %convert_element_type3A_211 = arith.extui %lt3A_210 : i1 to i32
      %cond3A_212 = arith.constant 0 : i32
      %cond3A_213 = arith.cmpi ne, %convert_element_type3A_211, %cond3A_212 : i32
      scf.if %cond3A_213 {
        %add3A_306 = arith.constant 3 : i32
        %add3A_307 = arith.addi %add3A_201, %add3A_306 : i32
        %dma_start3A_308 = arith.constant 0 : i32
        %dma_start3A_309 = tpu.memref_slice %arg9[%add3A_307, %dma_start3A_308] : memref<250x80xi32, #tpu.memory_space<vmem>> -> memref<1x80xi32, #tpu.memory_space<vmem>>
        %dma_start3A_310 = tpu.memref_squeeze %dma_start3A_309 : memref<1x80xi32, #tpu.memory_space<vmem>> -> memref<80xi32, #tpu.memory_space<vmem>>
        %dma_start3A_311 = arith.constant 0 : i32
        %dma_start3A_312 = arith.constant 0 : i32
        %dma_start3A_313 = tpu.memref_slice %arg2[%dma_start3A_311, %dma_start3A_312] : memref<20000x64xf32, #tpu.memory_space<hbm>> -> memref<20000x64xf32, #tpu.memory_space<hbm>>
        tpu.enqueue_indirect_dma source(%dma_start3A_313 : memref<20000x64xf32, #tpu.memory_space<hbm>>) target(%arg11 : memref<80x64xf32, #tpu.memory_space<vmem>>) offsets(%dma_start3A_310 : memref<80xi32, #tpu.memory_space<vmem>>) semaphore(%arg17 : memref<!tpu.dma_semaphore, #tpu.memory_space<semaphore_mem>>)
      } else {
      }
      %dma_wait3A_214 = arith.constant 0 : i32
      %dma_wait3A_215 = arith.constant 0 : i32
      %dma_wait3A_216 = tpu.memref_slice %arg9[%dma_wait3A_214, %dma_wait3A_215] : memref<250x80xi32, #tpu.memory_space<vmem>> -> memref<1x80xi32, #tpu.memory_space<vmem>>
      %dma_wait3A_217 = tpu.memref_squeeze %dma_wait3A_216 : memref<1x80xi32, #tpu.memory_space<vmem>> -> memref<80xi32, #tpu.memory_space<vmem>>
      %dma_wait3A_218 = arith.constant 0 : i32
      %dma_wait3A_219 = arith.constant 0 : i32
      %dma_wait3A_220 = tpu.memref_slice %arg2[%dma_wait3A_218, %dma_wait3A_219] : memref<20000x64xf32, #tpu.memory_space<hbm>> -> memref<20000x64xf32, #tpu.memory_space<hbm>>
      tpu.wait_indirect_dma semaphore(%arg19 : memref<!tpu.dma_semaphore, #tpu.memory_space<semaphore_mem>>) src(%dma_wait3A_220 : memref<20000x64xf32, #tpu.memory_space<hbm>>) dst(%arg13 : memref<80x64xf32, #tpu.memory_space<vmem>>)
      %broadcast_in_dim3A_221 = vector.broadcast %add3A_201 : i32 to vector<16xi32>
      %scan3A_222 = arith.constant 0 : i32
      %scan3A_223 = arith.constant 0 : i32
      %scan3A_224 = arith.constant 10 : i32
      %scan3A_225 = arith.addi %scan3A_223, %scan3A_224 : i32
      %scan3A_226 = arith.constant 1 : i32
      scf.for %scan3A_306 = %scan3A_223 to %scan3A_225 step %scan3A_226  : i32 {
        %mul3A_307 = arith.constant 8 : i32
        %mul3A_308 = arith.muli %scan3A_306, %mul3A_307 : i32
        %add3A_309 = arith.constant 0 : i32
        %add3A_310 = arith.addi %mul3A_308, %add3A_309 : i32
        %broadcast_in_dim3A_311 = vector.broadcast %add3A_310 : i32 to vector<16xi32>
        %gather3A = tpu.vector_load_idx %arg10[%broadcast_in_dim3A_221, %broadcast_in_dim3A_311] : memref<250x80xf32, #tpu.memory_space<vmem>>[vector<16xi32>, vector<16xi32>], vector<16xf32>,
        %get3A = arith.index_cast %add3A_310 : i32 to index
        %get3A_312 = arith.constant 0 : index
        %get3A_313 = tpu.vector_load %arg13[%get3A, %get3A_312] {strides = array<i32>} : memref<80x64xf32, #tpu.memory_space<vmem>>, vector<16xf32>,
        %mul3A_314 = arith.mulf %get3A_313, %gather3A : vector<16xf32>
        %swap3A = arith.index_cast %add3A_310 : i32 to index
        %swap3A_315 = arith.constant 0 : index
        %swap3A_316 = tpu.vector_load %arg13[%swap3A, %swap3A_315] {strides = array<i32>} : memref<80x64xf32, #tpu.memory_space<vmem>>, vector<16xf32>,
        tpu.vector_store %arg13[%swap3A, %swap3A_315], %mul3A_314 {strides = array<i32>} : memref<80x64xf32, #tpu.memory_space<vmem>>, vector<16xf32>,
        %get3A_317 = arith.index_cast %add3A_310 : i32 to index
        %get3A_318 = arith.constant 16 : index
        %get3A_319 = tpu.vector_load %arg13[%get3A_317, %get3A_318] {strides = array<i32>} : memref<80x64xf32, #tpu.memory_space<vmem>>, vector<16xf32>,
        %mul3A_320 = arith.mulf %get3A_319, %gather3A : vector<16xf32>
        %swap3A_321 = arith.index_cast %add3A_310 : i32 to index
        %swap3A_322 = arith.constant 16 : index
        %swap3A_323 = tpu.vector_load %arg13[%swap3A_321, %swap3A_322] {strides = array<i32>} : memref<80x64xf32, #tpu.memory_space<vmem>>, vector<16xf32>,
        tpu.vector_store %arg13[%swap3A_321, %swap3A_322], %mul3A_320 {strides = array<i32>} : memref<80x64xf32, #tpu.memory_space<vmem>>, vector<16xf32>,
        %get3A_324 = arith.index_cast %add3A_310 : i32 to index
        %get3A_325 = arith.constant 32 : index
        %get3A_326 = tpu.vector_load %arg13[%get3A_324, %get3A_325] {strides = array<i32>} : memref<80x64xf32, #tpu.memory_space<vmem>>, vector<16xf32>,
        %mul3A_327 = arith.mulf %get3A_326, %gather3A : vector<16xf32>
        %swap3A_328 = arith.index_cast %add3A_310 : i32 to index
        %swap3A_329 = arith.constant 32 : index
        %swap3A_330 = tpu.vector_load %arg13[%swap3A_328, %swap3A_329] {strides = array<i32>} : memref<80x64xf32, #tpu.memory_space<vmem>>, vector<16xf32>,
        tpu.vector_store %arg13[%swap3A_328, %swap3A_329], %mul3A_327 {strides = array<i32>} : memref<80x64xf32, #tpu.memory_space<vmem>>, vector<16xf32>,
        %get3A_331 = arith.index_cast %add3A_310 : i32 to index
        %get3A_332 = arith.constant 48 : index
        %get3A_333 = tpu.vector_load %arg13[%get3A_331, %get3A_332] {strides = array<i32>} : memref<80x64xf32, #tpu.memory_space<vmem>>, vector<16xf32>,
        %mul3A_334 = arith.mulf %get3A_333, %gather3A : vector<16xf32>
        %swap3A_335 = arith.index_cast %add3A_310 : i32 to index
        %swap3A_336 = arith.constant 48 : index
        %swap3A_337 = tpu.vector_load %arg13[%swap3A_335, %swap3A_336] {strides = array<i32>} : memref<80x64xf32, #tpu.memory_space<vmem>>, vector<16xf32>,
        tpu.vector_store %arg13[%swap3A_335, %swap3A_336], %mul3A_334 {strides = array<i32>} : memref<80x64xf32, #tpu.memory_space<vmem>>, vector<16xf32>,
        %mul3A_338 = arith.constant 8 : i32
        %mul3A_339 = arith.muli %scan3A_306, %mul3A_338 : i32
        %add3A_340 = arith.constant 1 : i32
        %add3A_341 = arith.addi %mul3A_339, %add3A_340 : i32
        %broadcast_in_dim3A_342 = vector.broadcast %add3A_341 : i32 to vector<16xi32>
        %gather3A_343 = tpu.vector_load_idx %arg10[%broadcast_in_dim3A_221, %broadcast_in_dim3A_342] : memref<250x80xf32, #tpu.memory_space<vmem>>[vector<16xi32>, vector<16xi32>], vector<16xf32>,
        %get3A_344 = arith.index_cast %add3A_341 : i32 to index
        %get3A_345 = arith.constant 0 : index
        %get3A_346 = tpu.vector_load %arg13[%get3A_344, %get3A_345] {strides = array<i32>} : memref<80x64xf32, #tpu.memory_space<vmem>>, vector<16xf32>,
        %mul3A_347 = arith.mulf %get3A_346, %gather3A_343 : vector<16xf32>
        %swap3A_348 = arith.index_cast %add3A_341 : i32 to index
        %swap3A_349 = arith.constant 0 : index
        %swap3A_350 = tpu.vector_load %arg13[%swap3A_348, %swap3A_349] {strides = array<i32>} : memref<80x64xf32, #tpu.memory_space<vmem>>, vector<16xf32>,
        tpu.vector_store %arg13[%swap3A_348, %swap3A_349], %mul3A_347 {strides = array<i32>} : memref<80x64xf32, #tpu.memory_space<vmem>>, vector<16xf32>,
        %get3A_351 = arith.index_cast %add3A_341 : i32 to index
        %get3A_352 = arith.constant 16 : index
        %get3A_353 = tpu.vector_load %arg13[%get3A_351, %get3A_352] {strides = array<i32>} : memref<80x64xf32, #tpu.memory_space<vmem>>, vector<16xf32>,
        %mul3A_354 = arith.mulf %get3A_353, %gather3A_343 : vector<16xf32>
        %swap3A_355 = arith.index_cast %add3A_341 : i32 to index
        %swap3A_356 = arith.constant 16 : index
        %swap3A_357 = tpu.vector_load %arg13[%swap3A_355, %swap3A_356] {strides = array<i32>} : memref<80x64xf32, #tpu.memory_space<vmem>>, vector<16xf32>,
        tpu.vector_store %arg13[%swap3A_355, %swap3A_356], %mul3A_354 {strides = array<i32>} : memref<80x64xf32, #tpu.memory_space<vmem>>, vector<16xf32>,
        %get3A_358 = arith.index_cast %add3A_341 : i32 to index
        %get3A_359 = arith.constant 32 : index
        %get3A_360 = tpu.vector_load %arg13[%get3A_358, %get3A_359] {strides = array<i32>} : memref<80x64xf32, #tpu.memory_space<vmem>>, vector<16xf32>,
        %mul3A_361 = arith.mulf %get3A_360, %gather3A_343 : vector<16xf32>
        %swap3A_362 = arith.index_cast %add3A_341 : i32 to index
        %swap3A_363 = arith.constant 32 : index
        %swap3A_364 = tpu.vector_load %arg13[%swap3A_362, %swap3A_363] {strides = array<i32>} : memref<80x64xf32, #tpu.memory_space<vmem>>, vector<16xf32>,
        tpu.vector_store %arg13[%swap3A_362, %swap3A_363], %mul3A_361 {strides = array<i32>} : memref<80x64xf32, #tpu.memory_space<vmem>>, vector<16xf32>,
        %get3A_365 = arith.index_cast %add3A_341 : i32 to index
        %get3A_366 = arith.constant 48 : index
        %get3A_367 = tpu.vector_load %arg13[%get3A_365, %get3A_366] {strides = array<i32>} : memref<80x64xf32, #tpu.memory_space<vmem>>, vector<16xf32>,
        %mul3A_368 = arith.mulf %get3A_367, %gather3A_343 : vector<16xf32>
        %swap3A_369 = arith.index_cast %add3A_341 : i32 to index
        %swap3A_370 = arith.constant 48 : index
        %swap3A_371 = tpu.vector_load %arg13[%swap3A_369, %swap3A_370] {strides = array<i32>} : memref<80x64xf32, #tpu.memory_space<vmem>>, vector<16xf32>,
        tpu.vector_store %arg13[%swap3A_369, %swap3A_370], %mul3A_368 {strides = array<i32>} : memref<80x64xf32, #tpu.memory_space<vmem>>, vector<16xf32>,
        %mul3A_372 = arith.constant 8 : i32
        %mul3A_373 = arith.muli %scan3A_306, %mul3A_372 : i32
        %add3A_374 = arith.constant 2 : i32
        %add3A_375 = arith.addi %mul3A_373, %add3A_374 : i32
        %broadcast_in_dim3A_376 = vector.broadcast %add3A_375 : i32 to vector<16xi32>
        %gather3A_377 = tpu.vector_load_idx %arg10[%broadcast_in_dim3A_221, %broadcast_in_dim3A_376] : memref<250x80xf32, #tpu.memory_space<vmem>>[vector<16xi32>, vector<16xi32>], vector<16xf32>,
        %get3A_378 = arith.index_cast %add3A_375 : i32 to index
        %get3A_379 = arith.constant 0 : index
        %get3A_380 = tpu.vector_load %arg13[%get3A_378, %get3A_379] {strides = array<i32>} : memref<80x64xf32, #tpu.memory_space<vmem>>, vector<16xf32>,
        %mul3A_381 = arith.mulf %get3A_380, %gather3A_377 : vector<16xf32>
        %swap3A_382 = arith.index_cast %add3A_375 : i32 to index
        %swap3A_383 = arith.constant 0 : index
        %swap3A_384 = tpu.vector_load %arg13[%swap3A_382, %swap3A_383] {strides = array<i32>} : memref<80x64xf32, #tpu.memory_space<vmem>>, vector<16xf32>,
        tpu.vector_store %arg13[%swap3A_382, %swap3A_383], %mul3A_381 {strides = array<i32>} : memref<80x64xf32, #tpu.memory_space<vmem>>, vector<16xf32>,
        %get3A_385 = arith.index_cast %add3A_375 : i32 to index
        %get3A_386 = arith.constant 16 : index
        %get3A_387 = tpu.vector_load %arg13[%get3A_385, %get3A_386] {strides = array<i32>} : memref<80x64xf32, #tpu.memory_space<vmem>>, vector<16xf32>,
        %mul3A_388 = arith.mulf %get3A_387, %gather3A_377 : vector<16xf32>
        %swap3A_389 = arith.index_cast %add3A_375 : i32 to index
        %swap3A_390 = arith.constant 16 : index
        %swap3A_391 = tpu.vector_load %arg13[%swap3A_389, %swap3A_390] {strides = array<i32>} : memref<80x64xf32, #tpu.memory_space<vmem>>, vector<16xf32>,
        tpu.vector_store %arg13[%swap3A_389, %swap3A_390], %mul3A_388 {strides = array<i32>} : memref<80x64xf32, #tpu.memory_space<vmem>>, vector<16xf32>,
        %get3A_392 = arith.index_cast %add3A_375 : i32 to index
        %get3A_393 = arith.constant 32 : index
        %get3A_394 = tpu.vector_load %arg13[%get3A_392, %get3A_393] {strides = array<i32>} : memref<80x64xf32, #tpu.memory_space<vmem>>, vector<16xf32>,
        %mul3A_395 = arith.mulf %get3A_394, %gather3A_377 : vector<16xf32>
        %swap3A_396 = arith.index_cast %add3A_375 : i32 to index
        %swap3A_397 = arith.constant 32 : index
        %swap3A_398 = tpu.vector_load %arg13[%swap3A_396, %swap3A_397] {strides = array<i32>} : memref<80x64xf32, #tpu.memory_space<vmem>>, vector<16xf32>,
        tpu.vector_store %arg13[%swap3A_396, %swap3A_397], %mul3A_395 {strides = array<i32>} : memref<80x64xf32, #tpu.memory_space<vmem>>, vector<16xf32>,
        %get3A_399 = arith.index_cast %add3A_375 : i32 to index
        %get3A_400 = arith.constant 48 : index
        %get3A_401 = tpu.vector_load %arg13[%get3A_399, %get3A_400] {strides = array<i32>} : memref<80x64xf32, #tpu.memory_space<vmem>>, vector<16xf32>,
        %mul3A_402 = arith.mulf %get3A_401, %gather3A_377 : vector<16xf32>
        %swap3A_403 = arith.index_cast %add3A_375 : i32 to index
        %swap3A_404 = arith.constant 48 : index
        %swap3A_405 = tpu.vector_load %arg13[%swap3A_403, %swap3A_404] {strides = array<i32>} : memref<80x64xf32, #tpu.memory_space<vmem>>, vector<16xf32>,
        tpu.vector_store %arg13[%swap3A_403, %swap3A_404], %mul3A_402 {strides = array<i32>} : memref<80x64xf32, #tpu.memory_space<vmem>>, vector<16xf32>,
        %mul3A_406 = arith.constant 8 : i32
        %mul3A_407 = arith.muli %scan3A_306, %mul3A_406 : i32
        %add3A_408 = arith.constant 3 : i32
        %add3A_409 = arith.addi %mul3A_407, %add3A_408 : i32
        %broadcast_in_dim3A_410 = vector.broadcast %add3A_409 : i32 to vector<16xi32>
        %gather3A_411 = tpu.vector_load_idx %arg10[%broadcast_in_dim3A_221, %broadcast_in_dim3A_410] : memref<250x80xf32, #tpu.memory_space<vmem>>[vector<16xi32>, vector<16xi32>], vector<16xf32>,
        %get3A_412 = arith.index_cast %add3A_409 : i32 to index
        %get3A_413 = arith.constant 0 : index
        %get3A_414 = tpu.vector_load %arg13[%get3A_412, %get3A_413] {strides = array<i32>} : memref<80x64xf32, #tpu.memory_space<vmem>>, vector<16xf32>,
        %mul3A_415 = arith.mulf %get3A_414, %gather3A_411 : vector<16xf32>
        %swap3A_416 = arith.index_cast %add3A_409 : i32 to index
        %swap3A_417 = arith.constant 0 : index
        %swap3A_418 = tpu.vector_load %arg13[%swap3A_416, %swap3A_417] {strides = array<i32>} : memref<80x64xf32, #tpu.memory_space<vmem>>, vector<16xf32>,
        tpu.vector_store %arg13[%swap3A_416, %swap3A_417], %mul3A_415 {strides = array<i32>} : memref<80x64xf32, #tpu.memory_space<vmem>>, vector<16xf32>,
        %get3A_419 = arith.index_cast %add3A_409 : i32 to index
        %get3A_420 = arith.constant 16 : index
        %get3A_421 = tpu.vector_load %arg13[%get3A_419, %get3A_420] {strides = array<i32>} : memref<80x64xf32, #tpu.memory_space<vmem>>, vector<16xf32>,
        %mul3A_422 = arith.mulf %get3A_421, %gather3A_411 : vector<16xf32>
        %swap3A_423 = arith.index_cast %add3A_409 : i32 to index
        %swap3A_424 = arith.constant 16 : index
        %swap3A_425 = tpu.vector_load %arg13[%swap3A_423, %swap3A_424] {strides = array<i32>} : memref<80x64xf32, #tpu.memory_space<vmem>>, vector<16xf32>,
        tpu.vector_store %arg13[%swap3A_423, %swap3A_424], %mul3A_422 {strides = array<i32>} : memref<80x64xf32, #tpu.memory_space<vmem>>, vector<16xf32>,
        %get3A_426 = arith.index_cast %add3A_409 : i32 to index
        %get3A_427 = arith.constant 32 : index
        %get3A_428 = tpu.vector_load %arg13[%get3A_426, %get3A_427] {strides = array<i32>} : memref<80x64xf32, #tpu.memory_space<vmem>>, vector<16xf32>,
        %mul3A_429 = arith.mulf %get3A_428, %gather3A_411 : vector<16xf32>
        %swap3A_430 = arith.index_cast %add3A_409 : i32 to index
        %swap3A_431 = arith.constant 32 : index
        %swap3A_432 = tpu.vector_load %arg13[%swap3A_430, %swap3A_431] {strides = array<i32>} : memref<80x64xf32, #tpu.memory_space<vmem>>, vector<16xf32>,
        tpu.vector_store %arg13[%swap3A_430, %swap3A_431], %mul3A_429 {strides = array<i32>} : memref<80x64xf32, #tpu.memory_space<vmem>>, vector<16xf32>,
        %get3A_433 = arith.index_cast %add3A_409 : i32 to index
        %get3A_434 = arith.constant 48 : index
        %get3A_435 = tpu.vector_load %arg13[%get3A_433, %get3A_434] {strides = array<i32>} : memref<80x64xf32, #tpu.memory_space<vmem>>, vector<16xf32>,
        %mul3A_436 = arith.mulf %get3A_435, %gather3A_411 : vector<16xf32>
        %swap3A_437 = arith.index_cast %add3A_409 : i32 to index
        %swap3A_438 = arith.constant 48 : index
        %swap3A_439 = tpu.vector_load %arg13[%swap3A_437, %swap3A_438] {strides = array<i32>} : memref<80x64xf32, #tpu.memory_space<vmem>>, vector<16xf32>,
        tpu.vector_store %arg13[%swap3A_437, %swap3A_438], %mul3A_436 {strides = array<i32>} : memref<80x64xf32, #tpu.memory_space<vmem>>, vector<16xf32>,
        %mul3A_440 = arith.constant 8 : i32
        %mul3A_441 = arith.muli %scan3A_306, %mul3A_440 : i32
        %add3A_442 = arith.constant 4 : i32
        %add3A_443 = arith.addi %mul3A_441, %add3A_442 : i32
        %broadcast_in_dim3A_444 = vector.broadcast %add3A_443 : i32 to vector<16xi32>
        %gather3A_445 = tpu.vector_load_idx %arg10[%broadcast_in_dim3A_221, %broadcast_in_dim3A_444] : memref<250x80xf32, #tpu.memory_space<vmem>>[vector<16xi32>, vector<16xi32>], vector<16xf32>,
        %get3A_446 = arith.index_cast %add3A_443 : i32 to index
        %get3A_447 = arith.constant 0 : index
        %get3A_448 = tpu.vector_load %arg13[%get3A_446, %get3A_447] {strides = array<i32>} : memref<80x64xf32, #tpu.memory_space<vmem>>, vector<16xf32>,
        %mul3A_449 = arith.mulf %get3A_448, %gather3A_445 : vector<16xf32>
        %swap3A_450 = arith.index_cast %add3A_443 : i32 to index
        %swap3A_451 = arith.constant 0 : index
        %swap3A_452 = tpu.vector_load %arg13[%swap3A_450, %swap3A_451] {strides = array<i32>} : memref<80x64xf32, #tpu.memory_space<vmem>>, vector<16xf32>,
        tpu.vector_store %arg13[%swap3A_450, %swap3A_451], %mul3A_449 {strides = array<i32>} : memref<80x64xf32, #tpu.memory_space<vmem>>, vector<16xf32>,
        %get3A_453 = arith.index_cast %add3A_443 : i32 to index
        %get3A_454 = arith.constant 16 : index
        %get3A_455 = tpu.vector_load %arg13[%get3A_453, %get3A_454] {strides = array<i32>} : memref<80x64xf32, #tpu.memory_space<vmem>>, vector<16xf32>,
        %mul3A_456 = arith.mulf %get3A_455, %gather3A_445 : vector<16xf32>
        %swap3A_457 = arith.index_cast %add3A_443 : i32 to index
        %swap3A_458 = arith.constant 16 : index
        %swap3A_459 = tpu.vector_load %arg13[%swap3A_457, %swap3A_458] {strides = array<i32>} : memref<80x64xf32, #tpu.memory_space<vmem>>, vector<16xf32>,
        tpu.vector_store %arg13[%swap3A_457, %swap3A_458], %mul3A_456 {strides = array<i32>} : memref<80x64xf32, #tpu.memory_space<vmem>>, vector<16xf32>,
        %get3A_460 = arith.index_cast %add3A_443 : i32 to index
        %get3A_461 = arith.constant 32 : index
        %get3A_462 = tpu.vector_load %arg13[%get3A_460, %get3A_461] {strides = array<i32>} : memref<80x64xf32, #tpu.memory_space<vmem>>, vector<16xf32>,
        %mul3A_463 = arith.mulf %get3A_462, %gather3A_445 : vector<16xf32>
        %swap3A_464 = arith.index_cast %add3A_443 : i32 to index
        %swap3A_465 = arith.constant 32 : index
        %swap3A_466 = tpu.vector_load %arg13[%swap3A_464, %swap3A_465] {strides = array<i32>} : memref<80x64xf32, #tpu.memory_space<vmem>>, vector<16xf32>,
        tpu.vector_store %arg13[%swap3A_464, %swap3A_465], %mul3A_463 {strides = array<i32>} : memref<80x64xf32, #tpu.memory_space<vmem>>, vector<16xf32>,
        %get3A_467 = arith.index_cast %add3A_443 : i32 to index
        %get3A_468 = arith.constant 48 : index
        %get3A_469 = tpu.vector_load %arg13[%get3A_467, %get3A_468] {strides = array<i32>} : memref<80x64xf32, #tpu.memory_space<vmem>>, vector<16xf32>,
        %mul3A_470 = arith.mulf %get3A_469, %gather3A_445 : vector<16xf32>
        %swap3A_471 = arith.index_cast %add3A_443 : i32 to index
        %swap3A_472 = arith.constant 48 : index
        %swap3A_473 = tpu.vector_load %arg13[%swap3A_471, %swap3A_472] {strides = array<i32>} : memref<80x64xf32, #tpu.memory_space<vmem>>, vector<16xf32>,
        tpu.vector_store %arg13[%swap3A_471, %swap3A_472], %mul3A_470 {strides = array<i32>} : memref<80x64xf32, #tpu.memory_space<vmem>>, vector<16xf32>,
        %mul3A_474 = arith.constant 8 : i32
        %mul3A_475 = arith.muli %scan3A_306, %mul3A_474 : i32
        %add3A_476 = arith.constant 5 : i32
        %add3A_477 = arith.addi %mul3A_475, %add3A_476 : i32
        %broadcast_in_dim3A_478 = vector.broadcast %add3A_477 : i32 to vector<16xi32>
        %gather3A_479 = tpu.vector_load_idx %arg10[%broadcast_in_dim3A_221, %broadcast_in_dim3A_478] : memref<250x80xf32, #tpu.memory_space<vmem>>[vector<16xi32>, vector<16xi32>], vector<16xf32>,
        %get3A_480 = arith.index_cast %add3A_477 : i32 to index
        %get3A_481 = arith.constant 0 : index
        %get3A_482 = tpu.vector_load %arg13[%get3A_480, %get3A_481] {strides = array<i32>} : memref<80x64xf32, #tpu.memory_space<vmem>>, vector<16xf32>,
        %mul3A_483 = arith.mulf %get3A_482, %gather3A_479 : vector<16xf32>
        %swap3A_484 = arith.index_cast %add3A_477 : i32 to index
        %swap3A_485 = arith.constant 0 : index
        %swap3A_486 = tpu.vector_load %arg13[%swap3A_484, %swap3A_485] {strides = array<i32>} : memref<80x64xf32, #tpu.memory_space<vmem>>, vector<16xf32>,
        tpu.vector_store %arg13[%swap3A_484, %swap3A_485], %mul3A_483 {strides = array<i32>} : memref<80x64xf32, #tpu.memory_space<vmem>>, vector<16xf32>,
        %get3A_487 = arith.index_cast %add3A_477 : i32 to index
        %get3A_488 = arith.constant 16 : index
        %get3A_489 = tpu.vector_load %arg13[%get3A_487, %get3A_488] {strides = array<i32>} : memref<80x64xf32, #tpu.memory_space<vmem>>, vector<16xf32>,
        %mul3A_490 = arith.mulf %get3A_489, %gather3A_479 : vector<16xf32>
        %swap3A_491 = arith.index_cast %add3A_477 : i32 to index
        %swap3A_492 = arith.constant 16 : index
        %swap3A_493 = tpu.vector_load %arg13[%swap3A_491, %swap3A_492] {strides = array<i32>} : memref<80x64xf32, #tpu.memory_space<vmem>>, vector<16xf32>,
        tpu.vector_store %arg13[%swap3A_491, %swap3A_492], %mul3A_490 {strides = array<i32>} : memref<80x64xf32, #tpu.memory_space<vmem>>, vector<16xf32>,
        %get3A_494 = arith.index_cast %add3A_477 : i32 to index
        %get3A_495 = arith.constant 32 : index
        %get3A_496 = tpu.vector_load %arg13[%get3A_494, %get3A_495] {strides = array<i32>} : memref<80x64xf32, #tpu.memory_space<vmem>>, vector<16xf32>,
        %mul3A_497 = arith.mulf %get3A_496, %gather3A_479 : vector<16xf32>
        %swap3A_498 = arith.index_cast %add3A_477 : i32 to index
        %swap3A_499 = arith.constant 32 : index
        %swap3A_500 = tpu.vector_load %arg13[%swap3A_498, %swap3A_499] {strides = array<i32>} : memref<80x64xf32, #tpu.memory_space<vmem>>, vector<16xf32>,
        tpu.vector_store %arg13[%swap3A_498, %swap3A_499], %mul3A_497 {strides = array<i32>} : memref<80x64xf32, #tpu.memory_space<vmem>>, vector<16xf32>,
        %get3A_501 = arith.index_cast %add3A_477 : i32 to index
        %get3A_502 = arith.constant 48 : index
        %get3A_503 = tpu.vector_load %arg13[%get3A_501, %get3A_502] {strides = array<i32>} : memref<80x64xf32, #tpu.memory_space<vmem>>, vector<16xf32>,
        %mul3A_504 = arith.mulf %get3A_503, %gather3A_479 : vector<16xf32>
        %swap3A_505 = arith.index_cast %add3A_477 : i32 to index
        %swap3A_506 = arith.constant 48 : index
        %swap3A_507 = tpu.vector_load %arg13[%swap3A_505, %swap3A_506] {strides = array<i32>} : memref<80x64xf32, #tpu.memory_space<vmem>>, vector<16xf32>,
        tpu.vector_store %arg13[%swap3A_505, %swap3A_506], %mul3A_504 {strides = array<i32>} : memref<80x64xf32, #tpu.memory_space<vmem>>, vector<16xf32>,
        %mul3A_508 = arith.constant 8 : i32
        %mul3A_509 = arith.muli %scan3A_306, %mul3A_508 : i32
        %add3A_510 = arith.constant 6 : i32
        %add3A_511 = arith.addi %mul3A_509, %add3A_510 : i32
        %broadcast_in_dim3A_512 = vector.broadcast %add3A_511 : i32 to vector<16xi32>
        %gather3A_513 = tpu.vector_load_idx %arg10[%broadcast_in_dim3A_221, %broadcast_in_dim3A_512] : memref<250x80xf32, #tpu.memory_space<vmem>>[vector<16xi32>, vector<16xi32>], vector<16xf32>,
        %get3A_514 = arith.index_cast %add3A_511 : i32 to index
        %get3A_515 = arith.constant 0 : index
        %get3A_516 = tpu.vector_load %arg13[%get3A_514, %get3A_515] {strides = array<i32>} : memref<80x64xf32, #tpu.memory_space<vmem>>, vector<16xf32>,
        %mul3A_517 = arith.mulf %get3A_516, %gather3A_513 : vector<16xf32>
        %swap3A_518 = arith.index_cast %add3A_511 : i32 to index
        %swap3A_519 = arith.constant 0 : index
        %swap3A_520 = tpu.vector_load %arg13[%swap3A_518, %swap3A_519] {strides = array<i32>} : memref<80x64xf32, #tpu.memory_space<vmem>>, vector<16xf32>,
        tpu.vector_store %arg13[%swap3A_518, %swap3A_519], %mul3A_517 {strides = array<i32>} : memref<80x64xf32, #tpu.memory_space<vmem>>, vector<16xf32>,
        %get3A_521 = arith.index_cast %add3A_511 : i32 to index
        %get3A_522 = arith.constant 16 : index
        %get3A_523 = tpu.vector_load %arg13[%get3A_521, %get3A_522] {strides = array<i32>} : memref<80x64xf32, #tpu.memory_space<vmem>>, vector<16xf32>,
        %mul3A_524 = arith.mulf %get3A_523, %gather3A_513 : vector<16xf32>
        %swap3A_525 = arith.index_cast %add3A_511 : i32 to index
        %swap3A_526 = arith.constant 16 : index
        %swap3A_527 = tpu.vector_load %arg13[%swap3A_525, %swap3A_526] {strides = array<i32>} : memref<80x64xf32, #tpu.memory_space<vmem>>, vector<16xf32>,
        tpu.vector_store %arg13[%swap3A_525, %swap3A_526], %mul3A_524 {strides = array<i32>} : memref<80x64xf32, #tpu.memory_space<vmem>>, vector<16xf32>,
        %get3A_528 = arith.index_cast %add3A_511 : i32 to index
        %get3A_529 = arith.constant 32 : index
        %get3A_530 = tpu.vector_load %arg13[%get3A_528, %get3A_529] {strides = array<i32>} : memref<80x64xf32, #tpu.memory_space<vmem>>, vector<16xf32>,
        %mul3A_531 = arith.mulf %get3A_530, %gather3A_513 : vector<16xf32>
        %swap3A_532 = arith.index_cast %add3A_511 : i32 to index
        %swap3A_533 = arith.constant 32 : index
        %swap3A_534 = tpu.vector_load %arg13[%swap3A_532, %swap3A_533] {strides = array<i32>} : memref<80x64xf32, #tpu.memory_space<vmem>>, vector<16xf32>,
        tpu.vector_store %arg13[%swap3A_532, %swap3A_533], %mul3A_531 {strides = array<i32>} : memref<80x64xf32, #tpu.memory_space<vmem>>, vector<16xf32>,
        %get3A_535 = arith.index_cast %add3A_511 : i32 to index
        %get3A_536 = arith.constant 48 : index
        %get3A_537 = tpu.vector_load %arg13[%get3A_535, %get3A_536] {strides = array<i32>} : memref<80x64xf32, #tpu.memory_space<vmem>>, vector<16xf32>,
        %mul3A_538 = arith.mulf %get3A_537, %gather3A_513 : vector<16xf32>
        %swap3A_539 = arith.index_cast %add3A_511 : i32 to index
        %swap3A_540 = arith.constant 48 : index
        %swap3A_541 = tpu.vector_load %arg13[%swap3A_539, %swap3A_540] {strides = array<i32>} : memref<80x64xf32, #tpu.memory_space<vmem>>, vector<16xf32>,
        tpu.vector_store %arg13[%swap3A_539, %swap3A_540], %mul3A_538 {strides = array<i32>} : memref<80x64xf32, #tpu.memory_space<vmem>>, vector<16xf32>,
        %mul3A_542 = arith.constant 8 : i32
        %mul3A_543 = arith.muli %scan3A_306, %mul3A_542 : i32
        %add3A_544 = arith.constant 7 : i32
        %add3A_545 = arith.addi %mul3A_543, %add3A_544 : i32
        %broadcast_in_dim3A_546 = vector.broadcast %add3A_545 : i32 to vector<16xi32>
        %gather3A_547 = tpu.vector_load_idx %arg10[%broadcast_in_dim3A_221, %broadcast_in_dim3A_546] : memref<250x80xf32, #tpu.memory_space<vmem>>[vector<16xi32>, vector<16xi32>], vector<16xf32>,
        %get3A_548 = arith.index_cast %add3A_545 : i32 to index
        %get3A_549 = arith.constant 0 : index
        %get3A_550 = tpu.vector_load %arg13[%get3A_548, %get3A_549] {strides = array<i32>} : memref<80x64xf32, #tpu.memory_space<vmem>>, vector<16xf32>,
        %mul3A_551 = arith.mulf %get3A_550, %gather3A_547 : vector<16xf32>
        %swap3A_552 = arith.index_cast %add3A_545 : i32 to index
        %swap3A_553 = arith.constant 0 : index
        %swap3A_554 = tpu.vector_load %arg13[%swap3A_552, %swap3A_553] {strides = array<i32>} : memref<80x64xf32, #tpu.memory_space<vmem>>, vector<16xf32>,
        tpu.vector_store %arg13[%swap3A_552, %swap3A_553], %mul3A_551 {strides = array<i32>} : memref<80x64xf32, #tpu.memory_space<vmem>>, vector<16xf32>,
        %get3A_555 = arith.index_cast %add3A_545 : i32 to index
        %get3A_556 = arith.constant 16 : index
        %get3A_557 = tpu.vector_load %arg13[%get3A_555, %get3A_556] {strides = array<i32>} : memref<80x64xf32, #tpu.memory_space<vmem>>, vector<16xf32>,
        %mul3A_558 = arith.mulf %get3A_557, %gather3A_547 : vector<16xf32>
        %swap3A_559 = arith.index_cast %add3A_545 : i32 to index
        %swap3A_560 = arith.constant 16 : index
        %swap3A_561 = tpu.vector_load %arg13[%swap3A_559, %swap3A_560] {strides = array<i32>} : memref<80x64xf32, #tpu.memory_space<vmem>>, vector<16xf32>,
        tpu.vector_store %arg13[%swap3A_559, %swap3A_560], %mul3A_558 {strides = array<i32>} : memref<80x64xf32, #tpu.memory_space<vmem>>, vector<16xf32>,
        %get3A_562 = arith.index_cast %add3A_545 : i32 to index
        %get3A_563 = arith.constant 32 : index
        %get3A_564 = tpu.vector_load %arg13[%get3A_562, %get3A_563] {strides = array<i32>} : memref<80x64xf32, #tpu.memory_space<vmem>>, vector<16xf32>,
        %mul3A_565 = arith.mulf %get3A_564, %gather3A_547 : vector<16xf32>
        %swap3A_566 = arith.index_cast %add3A_545 : i32 to index
        %swap3A_567 = arith.constant 32 : index
        %swap3A_568 = tpu.vector_load %arg13[%swap3A_566, %swap3A_567] {strides = array<i32>} : memref<80x64xf32, #tpu.memory_space<vmem>>, vector<16xf32>,
        tpu.vector_store %arg13[%swap3A_566, %swap3A_567], %mul3A_565 {strides = array<i32>} : memref<80x64xf32, #tpu.memory_space<vmem>>, vector<16xf32>,
        %get3A_569 = arith.index_cast %add3A_545 : i32 to index
        %get3A_570 = arith.constant 48 : index
        %get3A_571 = tpu.vector_load %arg13[%get3A_569, %get3A_570] {strides = array<i32>} : memref<80x64xf32, #tpu.memory_space<vmem>>, vector<16xf32>,
        %mul3A_572 = arith.mulf %get3A_571, %gather3A_547 : vector<16xf32>
        %swap3A_573 = arith.index_cast %add3A_545 : i32 to index
        %swap3A_574 = arith.constant 48 : index
        %swap3A_575 = tpu.vector_load %arg13[%swap3A_573, %swap3A_574] {strides = array<i32>} : memref<80x64xf32, #tpu.memory_space<vmem>>, vector<16xf32>,
        tpu.vector_store %arg13[%swap3A_573, %swap3A_574], %mul3A_572 {strides = array<i32>} : memref<80x64xf32, #tpu.memory_space<vmem>>, vector<16xf32>,
      }
      %scan3A_227 = arith.constant 10 : i32
      %dma_start3A_228 = arith.constant 0 : i32
      %dma_start3A_229 = tpu.memref_slice %arg8[%add3A_201, %dma_start3A_228] : memref<250x80xi32, #tpu.memory_space<vmem>> -> memref<1x80xi32, #tpu.memory_space<vmem>>
      %dma_start3A_230 = tpu.memref_squeeze %dma_start3A_229 : memref<1x80xi32, #tpu.memory_space<vmem>> -> memref<80xi32, #tpu.memory_space<vmem>>
      %dma_start3A_231 = arith.constant 0 : i32
      %dma_start3A_232 = arith.constant 0 : i32
      %dma_start3A_233 = tpu.memref_slice %arg16[%dma_start3A_231, %dma_start3A_232] : memref<10240x64xf32, #tpu.memory_space<vmem_shared>> -> memref<10240x64xf32, #tpu.memory_space<vmem_shared>>
      tpu.enqueue_indirect_dma source(%arg13 : memref<80x64xf32, #tpu.memory_space<vmem>>) target(%dma_start3A_233 : memref<10240x64xf32, #tpu.memory_space<vmem_shared>>) offsets(%dma_start3A_230 : memref<80xi32, #tpu.memory_space<vmem>>) semaphore(%arg24 : memref<!tpu.dma_semaphore, #tpu.memory_space<semaphore_mem>>) {add = true}
      %mul3A_234 = arith.constant 5 : i32
      %mul3A_235 = arith.muli %scan3A_127, %mul3A_234 : i32
      %add3A_236 = arith.constant 3 : i32
      %add3A_237 = arith.addi %mul3A_235, %add3A_236 : i32
      %ge3A_238 = arith.constant 2 : i32
      %ge3A_239 = arith.cmpi sge, %add3A_237, %ge3A_238 : i32
      %convert_element_type3A_240 = arith.extui %ge3A_239 : i1 to i32
      %cond3A_241 = arith.constant 0 : i32
      %cond3A_242 = arith.cmpi ne, %convert_element_type3A_240, %cond3A_241 : i32
      scf.if %cond3A_242 {
        %dma_wait3A_306 = arith.constant 0 : i32
        %dma_wait3A_307 = arith.constant 0 : i32
        %dma_wait3A_308 = tpu.memref_slice %arg8[%dma_wait3A_306, %dma_wait3A_307] : memref<250x80xi32, #tpu.memory_space<vmem>> -> memref<1x80xi32, #tpu.memory_space<vmem>>
        %dma_wait3A_309 = tpu.memref_squeeze %dma_wait3A_308 : memref<1x80xi32, #tpu.memory_space<vmem>> -> memref<80xi32, #tpu.memory_space<vmem>>
        %dma_wait3A_310 = arith.constant 0 : i32
        %dma_wait3A_311 = arith.constant 0 : i32
        %dma_wait3A_312 = tpu.memref_slice %arg16[%dma_wait3A_310, %dma_wait3A_311] : memref<10240x64xf32, #tpu.memory_space<vmem_shared>> -> memref<10240x64xf32, #tpu.memory_space<vmem_shared>>
        tpu.wait_indirect_dma semaphore(%arg23 : memref<!tpu.dma_semaphore, #tpu.memory_space<semaphore_mem>>) src(%arg12 : memref<80x64xf32, #tpu.memory_space<vmem>>) dst(%dma_wait3A_312 : memref<10240x64xf32, #tpu.memory_space<vmem_shared>>)
      } else {
      }
      %add3A_243 = arith.constant 3 : i32
      %add3A_244 = arith.addi %add3A_237, %add3A_243 : i32
      %lt3A_245 = arith.constant 250 : i32
      %lt3A_246 = arith.cmpi slt, %add3A_244, %lt3A_245 : i32
      %convert_element_type3A_247 = arith.extui %lt3A_246 : i1 to i32
      %cond3A_248 = arith.constant 0 : i32
      %cond3A_249 = arith.cmpi ne, %convert_element_type3A_247, %cond3A_248 : i32
      scf.if %cond3A_249 {
        %add3A_306 = arith.constant 3 : i32
        %add3A_307 = arith.addi %add3A_237, %add3A_306 : i32
        %dma_start3A_308 = arith.constant 0 : i32
        %dma_start3A_309 = tpu.memref_slice %arg9[%add3A_307, %dma_start3A_308] : memref<250x80xi32, #tpu.memory_space<vmem>> -> memref<1x80xi32, #tpu.memory_space<vmem>>
        %dma_start3A_310 = tpu.memref_squeeze %dma_start3A_309 : memref<1x80xi32, #tpu.memory_space<vmem>> -> memref<80xi32, #tpu.memory_space<vmem>>
        %dma_start3A_311 = arith.constant 0 : i32
        %dma_start3A_312 = arith.constant 0 : i32
        %dma_start3A_313 = tpu.memref_slice %arg2[%dma_start3A_311, %dma_start3A_312] : memref<20000x64xf32, #tpu.memory_space<hbm>> -> memref<20000x64xf32, #tpu.memory_space<hbm>>
        tpu.enqueue_indirect_dma source(%dma_start3A_313 : memref<20000x64xf32, #tpu.memory_space<hbm>>) target(%arg12 : memref<80x64xf32, #tpu.memory_space<vmem>>) offsets(%dma_start3A_310 : memref<80xi32, #tpu.memory_space<vmem>>) semaphore(%arg18 : memref<!tpu.dma_semaphore, #tpu.memory_space<semaphore_mem>>)
      } else {
      }
      %dma_wait3A_250 = arith.constant 0 : i32
      %dma_wait3A_251 = arith.constant 0 : i32
      %dma_wait3A_252 = tpu.memref_slice %arg9[%dma_wait3A_250, %dma_wait3A_251] : memref<250x80xi32, #tpu.memory_space<vmem>> -> memref<1x80xi32, #tpu.memory_space<vmem>>
      %dma_wait3A_253 = tpu.memref_squeeze %dma_wait3A_252 : memref<1x80xi32, #tpu.memory_space<vmem>> -> memref<80xi32, #tpu.memory_space<vmem>>
      %dma_wait3A_254 = arith.constant 0 : i32
      %dma_wait3A_255 = arith.constant 0 : i32
      %dma_wait3A_256 = tpu.memref_slice %arg2[%dma_wait3A_254, %dma_wait3A_255] : memref<20000x64xf32, #tpu.memory_space<hbm>> -> memref<20000x64xf32, #tpu.memory_space<hbm>>
      tpu.wait_indirect_dma semaphore(%arg20 : memref<!tpu.dma_semaphore, #tpu.memory_space<semaphore_mem>>) src(%dma_wait3A_256 : memref<20000x64xf32, #tpu.memory_space<hbm>>) dst(%arg14 : memref<80x64xf32, #tpu.memory_space<vmem>>)
      %broadcast_in_dim3A_257 = vector.broadcast %add3A_237 : i32 to vector<16xi32>
      %scan3A_258 = arith.constant 0 : i32
      %scan3A_259 = arith.constant 0 : i32
      %scan3A_260 = arith.constant 10 : i32
      %scan3A_261 = arith.addi %scan3A_259, %scan3A_260 : i32
      %scan3A_262 = arith.constant 1 : i32
      scf.for %scan3A_306 = %scan3A_259 to %scan3A_261 step %scan3A_262  : i32 {
        %mul3A_307 = arith.constant 8 : i32
        %mul3A_308 = arith.muli %scan3A_306, %mul3A_307 : i32
        %add3A_309 = arith.constant 0 : i32
        %add3A_310 = arith.addi %mul3A_308, %add3A_309 : i32
        %broadcast_in_dim3A_311 = vector.broadcast %add3A_310 : i32 to vector<16xi32>
        %gather3A = tpu.vector_load_idx %arg10[%broadcast_in_dim3A_257, %broadcast_in_dim3A_311] : memref<250x80xf32, #tpu.memory_space<vmem>>[vector<16xi32>, vector<16xi32>], vector<16xf32>,
        %get3A = arith.index_cast %add3A_310 : i32 to index
        %get3A_312 = arith.constant 0 : index
        %get3A_313 = tpu.vector_load %arg14[%get3A, %get3A_312] {strides = array<i32>} : memref<80x64xf32, #tpu.memory_space<vmem>>, vector<16xf32>,
        %mul3A_314 = arith.mulf %get3A_313, %gather3A : vector<16xf32>
        %swap3A = arith.index_cast %add3A_310 : i32 to index
        %swap3A_315 = arith.constant 0 : index
        %swap3A_316 = tpu.vector_load %arg14[%swap3A, %swap3A_315] {strides = array<i32>} : memref<80x64xf32, #tpu.memory_space<vmem>>, vector<16xf32>,
        tpu.vector_store %arg14[%swap3A, %swap3A_315], %mul3A_314 {strides = array<i32>} : memref<80x64xf32, #tpu.memory_space<vmem>>, vector<16xf32>,
        %get3A_317 = arith.index_cast %add3A_310 : i32 to index
        %get3A_318 = arith.constant 16 : index
        %get3A_319 = tpu.vector_load %arg14[%get3A_317, %get3A_318] {strides = array<i32>} : memref<80x64xf32, #tpu.memory_space<vmem>>, vector<16xf32>,
        %mul3A_320 = arith.mulf %get3A_319, %gather3A : vector<16xf32>
        %swap3A_321 = arith.index_cast %add3A_310 : i32 to index
        %swap3A_322 = arith.constant 16 : index
        %swap3A_323 = tpu.vector_load %arg14[%swap3A_321, %swap3A_322] {strides = array<i32>} : memref<80x64xf32, #tpu.memory_space<vmem>>, vector<16xf32>,
        tpu.vector_store %arg14[%swap3A_321, %swap3A_322], %mul3A_320 {strides = array<i32>} : memref<80x64xf32, #tpu.memory_space<vmem>>, vector<16xf32>,
        %get3A_324 = arith.index_cast %add3A_310 : i32 to index
        %get3A_325 = arith.constant 32 : index
        %get3A_326 = tpu.vector_load %arg14[%get3A_324, %get3A_325] {strides = array<i32>} : memref<80x64xf32, #tpu.memory_space<vmem>>, vector<16xf32>,
        %mul3A_327 = arith.mulf %get3A_326, %gather3A : vector<16xf32>
        %swap3A_328 = arith.index_cast %add3A_310 : i32 to index
        %swap3A_329 = arith.constant 32 : index
        %swap3A_330 = tpu.vector_load %arg14[%swap3A_328, %swap3A_329] {strides = array<i32>} : memref<80x64xf32, #tpu.memory_space<vmem>>, vector<16xf32>,
        tpu.vector_store %arg14[%swap3A_328, %swap3A_329], %mul3A_327 {strides = array<i32>} : memref<80x64xf32, #tpu.memory_space<vmem>>, vector<16xf32>,
        %get3A_331 = arith.index_cast %add3A_310 : i32 to index
        %get3A_332 = arith.constant 48 : index
        %get3A_333 = tpu.vector_load %arg14[%get3A_331, %get3A_332] {strides = array<i32>} : memref<80x64xf32, #tpu.memory_space<vmem>>, vector<16xf32>,
        %mul3A_334 = arith.mulf %get3A_333, %gather3A : vector<16xf32>
        %swap3A_335 = arith.index_cast %add3A_310 : i32 to index
        %swap3A_336 = arith.constant 48 : index
        %swap3A_337 = tpu.vector_load %arg14[%swap3A_335, %swap3A_336] {strides = array<i32>} : memref<80x64xf32, #tpu.memory_space<vmem>>, vector<16xf32>,
        tpu.vector_store %arg14[%swap3A_335, %swap3A_336], %mul3A_334 {strides = array<i32>} : memref<80x64xf32, #tpu.memory_space<vmem>>, vector<16xf32>,
        %mul3A_338 = arith.constant 8 : i32
        %mul3A_339 = arith.muli %scan3A_306, %mul3A_338 : i32
        %add3A_340 = arith.constant 1 : i32
        %add3A_341 = arith.addi %mul3A_339, %add3A_340 : i32
        %broadcast_in_dim3A_342 = vector.broadcast %add3A_341 : i32 to vector<16xi32>
        %gather3A_343 = tpu.vector_load_idx %arg10[%broadcast_in_dim3A_257, %broadcast_in_dim3A_342] : memref<250x80xf32, #tpu.memory_space<vmem>>[vector<16xi32>, vector<16xi32>], vector<16xf32>,
        %get3A_344 = arith.index_cast %add3A_341 : i32 to index
        %get3A_345 = arith.constant 0 : index
        %get3A_346 = tpu.vector_load %arg14[%get3A_344, %get3A_345] {strides = array<i32>} : memref<80x64xf32, #tpu.memory_space<vmem>>, vector<16xf32>,
        %mul3A_347 = arith.mulf %get3A_346, %gather3A_343 : vector<16xf32>
        %swap3A_348 = arith.index_cast %add3A_341 : i32 to index
        %swap3A_349 = arith.constant 0 : index
        %swap3A_350 = tpu.vector_load %arg14[%swap3A_348, %swap3A_349] {strides = array<i32>} : memref<80x64xf32, #tpu.memory_space<vmem>>, vector<16xf32>,
        tpu.vector_store %arg14[%swap3A_348, %swap3A_349], %mul3A_347 {strides = array<i32>} : memref<80x64xf32, #tpu.memory_space<vmem>>, vector<16xf32>,
        %get3A_351 = arith.index_cast %add3A_341 : i32 to index
        %get3A_352 = arith.constant 16 : index
        %get3A_353 = tpu.vector_load %arg14[%get3A_351, %get3A_352] {strides = array<i32>} : memref<80x64xf32, #tpu.memory_space<vmem>>, vector<16xf32>,
        %mul3A_354 = arith.mulf %get3A_353, %gather3A_343 : vector<16xf32>
        %swap3A_355 = arith.index_cast %add3A_341 : i32 to index
        %swap3A_356 = arith.constant 16 : index
        %swap3A_357 = tpu.vector_load %arg14[%swap3A_355, %swap3A_356] {strides = array<i32>} : memref<80x64xf32, #tpu.memory_space<vmem>>, vector<16xf32>,
        tpu.vector_store %arg14[%swap3A_355, %swap3A_356], %mul3A_354 {strides = array<i32>} : memref<80x64xf32, #tpu.memory_space<vmem>>, vector<16xf32>,
        %get3A_358 = arith.index_cast %add3A_341 : i32 to index
        %get3A_359 = arith.constant 32 : index
        %get3A_360 = tpu.vector_load %arg14[%get3A_358, %get3A_359] {strides = array<i32>} : memref<80x64xf32, #tpu.memory_space<vmem>>, vector<16xf32>,
        %mul3A_361 = arith.mulf %get3A_360, %gather3A_343 : vector<16xf32>
        %swap3A_362 = arith.index_cast %add3A_341 : i32 to index
        %swap3A_363 = arith.constant 32 : index
        %swap3A_364 = tpu.vector_load %arg14[%swap3A_362, %swap3A_363] {strides = array<i32>} : memref<80x64xf32, #tpu.memory_space<vmem>>, vector<16xf32>,
        tpu.vector_store %arg14[%swap3A_362, %swap3A_363], %mul3A_361 {strides = array<i32>} : memref<80x64xf32, #tpu.memory_space<vmem>>, vector<16xf32>,
        %get3A_365 = arith.index_cast %add3A_341 : i32 to index
        %get3A_366 = arith.constant 48 : index
        %get3A_367 = tpu.vector_load %arg14[%get3A_365, %get3A_366] {strides = array<i32>} : memref<80x64xf32, #tpu.memory_space<vmem>>, vector<16xf32>,
        %mul3A_368 = arith.mulf %get3A_367, %gather3A_343 : vector<16xf32>
        %swap3A_369 = arith.index_cast %add3A_341 : i32 to index
        %swap3A_370 = arith.constant 48 : index
        %swap3A_371 = tpu.vector_load %arg14[%swap3A_369, %swap3A_370] {strides = array<i32>} : memref<80x64xf32, #tpu.memory_space<vmem>>, vector<16xf32>,
        tpu.vector_store %arg14[%swap3A_369, %swap3A_370], %mul3A_368 {strides = array<i32>} : memref<80x64xf32, #tpu.memory_space<vmem>>, vector<16xf32>,
        %mul3A_372 = arith.constant 8 : i32
        %mul3A_373 = arith.muli %scan3A_306, %mul3A_372 : i32
        %add3A_374 = arith.constant 2 : i32
        %add3A_375 = arith.addi %mul3A_373, %add3A_374 : i32
        %broadcast_in_dim3A_376 = vector.broadcast %add3A_375 : i32 to vector<16xi32>
        %gather3A_377 = tpu.vector_load_idx %arg10[%broadcast_in_dim3A_257, %broadcast_in_dim3A_376] : memref<250x80xf32, #tpu.memory_space<vmem>>[vector<16xi32>, vector<16xi32>], vector<16xf32>,
        %get3A_378 = arith.index_cast %add3A_375 : i32 to index
        %get3A_379 = arith.constant 0 : index
        %get3A_380 = tpu.vector_load %arg14[%get3A_378, %get3A_379] {strides = array<i32>} : memref<80x64xf32, #tpu.memory_space<vmem>>, vector<16xf32>,
        %mul3A_381 = arith.mulf %get3A_380, %gather3A_377 : vector<16xf32>
        %swap3A_382 = arith.index_cast %add3A_375 : i32 to index
        %swap3A_383 = arith.constant 0 : index
        %swap3A_384 = tpu.vector_load %arg14[%swap3A_382, %swap3A_383] {strides = array<i32>} : memref<80x64xf32, #tpu.memory_space<vmem>>, vector<16xf32>,
        tpu.vector_store %arg14[%swap3A_382, %swap3A_383], %mul3A_381 {strides = array<i32>} : memref<80x64xf32, #tpu.memory_space<vmem>>, vector<16xf32>,
        %get3A_385 = arith.index_cast %add3A_375 : i32 to index
        %get3A_386 = arith.constant 16 : index
        %get3A_387 = tpu.vector_load %arg14[%get3A_385, %get3A_386] {strides = array<i32>} : memref<80x64xf32, #tpu.memory_space<vmem>>, vector<16xf32>,
        %mul3A_388 = arith.mulf %get3A_387, %gather3A_377 : vector<16xf32>
        %swap3A_389 = arith.index_cast %add3A_375 : i32 to index
        %swap3A_390 = arith.constant 16 : index
        %swap3A_391 = tpu.vector_load %arg14[%swap3A_389, %swap3A_390] {strides = array<i32>} : memref<80x64xf32, #tpu.memory_space<vmem>>, vector<16xf32>,
        tpu.vector_store %arg14[%swap3A_389, %swap3A_390], %mul3A_388 {strides = array<i32>} : memref<80x64xf32, #tpu.memory_space<vmem>>, vector<16xf32>,
        %get3A_392 = arith.index_cast %add3A_375 : i32 to index
        %get3A_393 = arith.constant 32 : index
        %get3A_394 = tpu.vector_load %arg14[%get3A_392, %get3A_393] {strides = array<i32>} : memref<80x64xf32, #tpu.memory_space<vmem>>, vector<16xf32>,
        %mul3A_395 = arith.mulf %get3A_394, %gather3A_377 : vector<16xf32>
        %swap3A_396 = arith.index_cast %add3A_375 : i32 to index
        %swap3A_397 = arith.constant 32 : index
        %swap3A_398 = tpu.vector_load %arg14[%swap3A_396, %swap3A_397] {strides = array<i32>} : memref<80x64xf32, #tpu.memory_space<vmem>>, vector<16xf32>,
        tpu.vector_store %arg14[%swap3A_396, %swap3A_397], %mul3A_395 {strides = array<i32>} : memref<80x64xf32, #tpu.memory_space<vmem>>, vector<16xf32>,
        %get3A_399 = arith.index_cast %add3A_375 : i32 to index
        %get3A_400 = arith.constant 48 : index
        %get3A_401 = tpu.vector_load %arg14[%get3A_399, %get3A_400] {strides = array<i32>} : memref<80x64xf32, #tpu.memory_space<vmem>>, vector<16xf32>,
        %mul3A_402 = arith.mulf %get3A_401, %gather3A_377 : vector<16xf32>
        %swap3A_403 = arith.index_cast %add3A_375 : i32 to index
        %swap3A_404 = arith.constant 48 : index
        %swap3A_405 = tpu.vector_load %arg14[%swap3A_403, %swap3A_404] {strides = array<i32>} : memref<80x64xf32, #tpu.memory_space<vmem>>, vector<16xf32>,
        tpu.vector_store %arg14[%swap3A_403, %swap3A_404], %mul3A_402 {strides = array<i32>} : memref<80x64xf32, #tpu.memory_space<vmem>>, vector<16xf32>,
        %mul3A_406 = arith.constant 8 : i32
        %mul3A_407 = arith.muli %scan3A_306, %mul3A_406 : i32
        %add3A_408 = arith.constant 3 : i32
        %add3A_409 = arith.addi %mul3A_407, %add3A_408 : i32
        %broadcast_in_dim3A_410 = vector.broadcast %add3A_409 : i32 to vector<16xi32>
        %gather3A_411 = tpu.vector_load_idx %arg10[%broadcast_in_dim3A_257, %broadcast_in_dim3A_410] : memref<250x80xf32, #tpu.memory_space<vmem>>[vector<16xi32>, vector<16xi32>], vector<16xf32>,
        %get3A_412 = arith.index_cast %add3A_409 : i32 to index
        %get3A_413 = arith.constant 0 : index
        %get3A_414 = tpu.vector_load %arg14[%get3A_412, %get3A_413] {strides = array<i32>} : memref<80x64xf32, #tpu.memory_space<vmem>>, vector<16xf32>,
        %mul3A_415 = arith.mulf %get3A_414, %gather3A_411 : vector<16xf32>
        %swap3A_416 = arith.index_cast %add3A_409 : i32 to index
        %swap3A_417 = arith.constant 0 : index
        %swap3A_418 = tpu.vector_load %arg14[%swap3A_416, %swap3A_417] {strides = array<i32>} : memref<80x64xf32, #tpu.memory_space<vmem>>, vector<16xf32>,
        tpu.vector_store %arg14[%swap3A_416, %swap3A_417], %mul3A_415 {strides = array<i32>} : memref<80x64xf32, #tpu.memory_space<vmem>>, vector<16xf32>,
        %get3A_419 = arith.index_cast %add3A_409 : i32 to index
        %get3A_420 = arith.constant 16 : index
        %get3A_421 = tpu.vector_load %arg14[%get3A_419, %get3A_420] {strides = array<i32>} : memref<80x64xf32, #tpu.memory_space<vmem>>, vector<16xf32>,
        %mul3A_422 = arith.mulf %get3A_421, %gather3A_411 : vector<16xf32>
        %swap3A_423 = arith.index_cast %add3A_409 : i32 to index
        %swap3A_424 = arith.constant 16 : index
        %swap3A_425 = tpu.vector_load %arg14[%swap3A_423, %swap3A_424] {strides = array<i32>} : memref<80x64xf32, #tpu.memory_space<vmem>>, vector<16xf32>,
        tpu.vector_store %arg14[%swap3A_423, %swap3A_424], %mul3A_422 {strides = array<i32>} : memref<80x64xf32, #tpu.memory_space<vmem>>, vector<16xf32>,
        %get3A_426 = arith.index_cast %add3A_409 : i32 to index
        %get3A_427 = arith.constant 32 : index
        %get3A_428 = tpu.vector_load %arg14[%get3A_426, %get3A_427] {strides = array<i32>} : memref<80x64xf32, #tpu.memory_space<vmem>>, vector<16xf32>,
        %mul3A_429 = arith.mulf %get3A_428, %gather3A_411 : vector<16xf32>
        %swap3A_430 = arith.index_cast %add3A_409 : i32 to index
        %swap3A_431 = arith.constant 32 : index
        %swap3A_432 = tpu.vector_load %arg14[%swap3A_430, %swap3A_431] {strides = array<i32>} : memref<80x64xf32, #tpu.memory_space<vmem>>, vector<16xf32>,
        tpu.vector_store %arg14[%swap3A_430, %swap3A_431], %mul3A_429 {strides = array<i32>} : memref<80x64xf32, #tpu.memory_space<vmem>>, vector<16xf32>,
        %get3A_433 = arith.index_cast %add3A_409 : i32 to index
        %get3A_434 = arith.constant 48 : index
        %get3A_435 = tpu.vector_load %arg14[%get3A_433, %get3A_434] {strides = array<i32>} : memref<80x64xf32, #tpu.memory_space<vmem>>, vector<16xf32>,
        %mul3A_436 = arith.mulf %get3A_435, %gather3A_411 : vector<16xf32>
        %swap3A_437 = arith.index_cast %add3A_409 : i32 to index
        %swap3A_438 = arith.constant 48 : index
        %swap3A_439 = tpu.vector_load %arg14[%swap3A_437, %swap3A_438] {strides = array<i32>} : memref<80x64xf32, #tpu.memory_space<vmem>>, vector<16xf32>,
        tpu.vector_store %arg14[%swap3A_437, %swap3A_438], %mul3A_436 {strides = array<i32>} : memref<80x64xf32, #tpu.memory_space<vmem>>, vector<16xf32>,
        %mul3A_440 = arith.constant 8 : i32
        %mul3A_441 = arith.muli %scan3A_306, %mul3A_440 : i32
        %add3A_442 = arith.constant 4 : i32
        %add3A_443 = arith.addi %mul3A_441, %add3A_442 : i32
        %broadcast_in_dim3A_444 = vector.broadcast %add3A_443 : i32 to vector<16xi32>
        %gather3A_445 = tpu.vector_load_idx %arg10[%broadcast_in_dim3A_257, %broadcast_in_dim3A_444] : memref<250x80xf32, #tpu.memory_space<vmem>>[vector<16xi32>, vector<16xi32>], vector<16xf32>,
        %get3A_446 = arith.index_cast %add3A_443 : i32 to index
        %get3A_447 = arith.constant 0 : index
        %get3A_448 = tpu.vector_load %arg14[%get3A_446, %get3A_447] {strides = array<i32>} : memref<80x64xf32, #tpu.memory_space<vmem>>, vector<16xf32>,
        %mul3A_449 = arith.mulf %get3A_448, %gather3A_445 : vector<16xf32>
        %swap3A_450 = arith.index_cast %add3A_443 : i32 to index
        %swap3A_451 = arith.constant 0 : index
        %swap3A_452 = tpu.vector_load %arg14[%swap3A_450, %swap3A_451] {strides = array<i32>} : memref<80x64xf32, #tpu.memory_space<vmem>>, vector<16xf32>,
        tpu.vector_store %arg14[%swap3A_450, %swap3A_451], %mul3A_449 {strides = array<i32>} : memref<80x64xf32, #tpu.memory_space<vmem>>, vector<16xf32>,
        %get3A_453 = arith.index_cast %add3A_443 : i32 to index
        %get3A_454 = arith.constant 16 : index
        %get3A_455 = tpu.vector_load %arg14[%get3A_453, %get3A_454] {strides = array<i32>} : memref<80x64xf32, #tpu.memory_space<vmem>>, vector<16xf32>,
        %mul3A_456 = arith.mulf %get3A_455, %gather3A_445 : vector<16xf32>
        %swap3A_457 = arith.index_cast %add3A_443 : i32 to index
        %swap3A_458 = arith.constant 16 : index
        %swap3A_459 = tpu.vector_load %arg14[%swap3A_457, %swap3A_458] {strides = array<i32>} : memref<80x64xf32, #tpu.memory_space<vmem>>, vector<16xf32>,
        tpu.vector_store %arg14[%swap3A_457, %swap3A_458], %mul3A_456 {strides = array<i32>} : memref<80x64xf32, #tpu.memory_space<vmem>>, vector<16xf32>,
        %get3A_460 = arith.index_cast %add3A_443 : i32 to index
        %get3A_461 = arith.constant 32 : index
        %get3A_462 = tpu.vector_load %arg14[%get3A_460, %get3A_461] {strides = array<i32>} : memref<80x64xf32, #tpu.memory_space<vmem>>, vector<16xf32>,
        %mul3A_463 = arith.mulf %get3A_462, %gather3A_445 : vector<16xf32>
        %swap3A_464 = arith.index_cast %add3A_443 : i32 to index
        %swap3A_465 = arith.constant 32 : index
        %swap3A_466 = tpu.vector_load %arg14[%swap3A_464, %swap3A_465] {strides = array<i32>} : memref<80x64xf32, #tpu.memory_space<vmem>>, vector<16xf32>,
        tpu.vector_store %arg14[%swap3A_464, %swap3A_465], %mul3A_463 {strides = array<i32>} : memref<80x64xf32, #tpu.memory_space<vmem>>, vector<16xf32>,
        %get3A_467 = arith.index_cast %add3A_443 : i32 to index
        %get3A_468 = arith.constant 48 : index
        %get3A_469 = tpu.vector_load %arg14[%get3A_467, %get3A_468] {strides = array<i32>} : memref<80x64xf32, #tpu.memory_space<vmem>>, vector<16xf32>,
        %mul3A_470 = arith.mulf %get3A_469, %gather3A_445 : vector<16xf32>
        %swap3A_471 = arith.index_cast %add3A_443 : i32 to index
        %swap3A_472 = arith.constant 48 : index
        %swap3A_473 = tpu.vector_load %arg14[%swap3A_471, %swap3A_472] {strides = array<i32>} : memref<80x64xf32, #tpu.memory_space<vmem>>, vector<16xf32>,
        tpu.vector_store %arg14[%swap3A_471, %swap3A_472], %mul3A_470 {strides = array<i32>} : memref<80x64xf32, #tpu.memory_space<vmem>>, vector<16xf32>,
        %mul3A_474 = arith.constant 8 : i32
        %mul3A_475 = arith.muli %scan3A_306, %mul3A_474 : i32
        %add3A_476 = arith.constant 5 : i32
        %add3A_477 = arith.addi %mul3A_475, %add3A_476 : i32
        %broadcast_in_dim3A_478 = vector.broadcast %add3A_477 : i32 to vector<16xi32>
        %gather3A_479 = tpu.vector_load_idx %arg10[%broadcast_in_dim3A_257, %broadcast_in_dim3A_478] : memref<250x80xf32, #tpu.memory_space<vmem>>[vector<16xi32>, vector<16xi32>], vector<16xf32>,
        %get3A_480 = arith.index_cast %add3A_477 : i32 to index
        %get3A_481 = arith.constant 0 : index
        %get3A_482 = tpu.vector_load %arg14[%get3A_480, %get3A_481] {strides = array<i32>} : memref<80x64xf32, #tpu.memory_space<vmem>>, vector<16xf32>,
        %mul3A_483 = arith.mulf %get3A_482, %gather3A_479 : vector<16xf32>
        %swap3A_484 = arith.index_cast %add3A_477 : i32 to index
        %swap3A_485 = arith.constant 0 : index
        %swap3A_486 = tpu.vector_load %arg14[%swap3A_484, %swap3A_485] {strides = array<i32>} : memref<80x64xf32, #tpu.memory_space<vmem>>, vector<16xf32>,
        tpu.vector_store %arg14[%swap3A_484, %swap3A_485], %mul3A_483 {strides = array<i32>} : memref<80x64xf32, #tpu.memory_space<vmem>>, vector<16xf32>,
        %get3A_487 = arith.index_cast %add3A_477 : i32 to index
        %get3A_488 = arith.constant 16 : index
        %get3A_489 = tpu.vector_load %arg14[%get3A_487, %get3A_488] {strides = array<i32>} : memref<80x64xf32, #tpu.memory_space<vmem>>, vector<16xf32>,
        %mul3A_490 = arith.mulf %get3A_489, %gather3A_479 : vector<16xf32>
        %swap3A_491 = arith.index_cast %add3A_477 : i32 to index
        %swap3A_492 = arith.constant 16 : index
        %swap3A_493 = tpu.vector_load %arg14[%swap3A_491, %swap3A_492] {strides = array<i32>} : memref<80x64xf32, #tpu.memory_space<vmem>>, vector<16xf32>,
        tpu.vector_store %arg14[%swap3A_491, %swap3A_492], %mul3A_490 {strides = array<i32>} : memref<80x64xf32, #tpu.memory_space<vmem>>, vector<16xf32>,
        %get3A_494 = arith.index_cast %add3A_477 : i32 to index
        %get3A_495 = arith.constant 32 : index
        %get3A_496 = tpu.vector_load %arg14[%get3A_494, %get3A_495] {strides = array<i32>} : memref<80x64xf32, #tpu.memory_space<vmem>>, vector<16xf32>,
        %mul3A_497 = arith.mulf %get3A_496, %gather3A_479 : vector<16xf32>
        %swap3A_498 = arith.index_cast %add3A_477 : i32 to index
        %swap3A_499 = arith.constant 32 : index
        %swap3A_500 = tpu.vector_load %arg14[%swap3A_498, %swap3A_499] {strides = array<i32>} : memref<80x64xf32, #tpu.memory_space<vmem>>, vector<16xf32>,
        tpu.vector_store %arg14[%swap3A_498, %swap3A_499], %mul3A_497 {strides = array<i32>} : memref<80x64xf32, #tpu.memory_space<vmem>>, vector<16xf32>,
        %get3A_501 = arith.index_cast %add3A_477 : i32 to index
        %get3A_502 = arith.constant 48 : index
        %get3A_503 = tpu.vector_load %arg14[%get3A_501, %get3A_502] {strides = array<i32>} : memref<80x64xf32, #tpu.memory_space<vmem>>, vector<16xf32>,
        %mul3A_504 = arith.mulf %get3A_503, %gather3A_479 : vector<16xf32>
        %swap3A_505 = arith.index_cast %add3A_477 : i32 to index
        %swap3A_506 = arith.constant 48 : index
        %swap3A_507 = tpu.vector_load %arg14[%swap3A_505, %swap3A_506] {strides = array<i32>} : memref<80x64xf32, #tpu.memory_space<vmem>>, vector<16xf32>,
        tpu.vector_store %arg14[%swap3A_505, %swap3A_506], %mul3A_504 {strides = array<i32>} : memref<80x64xf32, #tpu.memory_space<vmem>>, vector<16xf32>,
        %mul3A_508 = arith.constant 8 : i32
        %mul3A_509 = arith.muli %scan3A_306, %mul3A_508 : i32
        %add3A_510 = arith.constant 6 : i32
        %add3A_511 = arith.addi %mul3A_509, %add3A_510 : i32
        %broadcast_in_dim3A_512 = vector.broadcast %add3A_511 : i32 to vector<16xi32>
        %gather3A_513 = tpu.vector_load_idx %arg10[%broadcast_in_dim3A_257, %broadcast_in_dim3A_512] : memref<250x80xf32, #tpu.memory_space<vmem>>[vector<16xi32>, vector<16xi32>], vector<16xf32>,
        %get3A_514 = arith.index_cast %add3A_511 : i32 to index
        %get3A_515 = arith.constant 0 : index
        %get3A_516 = tpu.vector_load %arg14[%get3A_514, %get3A_515] {strides = array<i32>} : memref<80x64xf32, #tpu.memory_space<vmem>>, vector<16xf32>,
        %mul3A_517 = arith.mulf %get3A_516, %gather3A_513 : vector<16xf32>
        %swap3A_518 = arith.index_cast %add3A_511 : i32 to index
        %swap3A_519 = arith.constant 0 : index
        %swap3A_520 = tpu.vector_load %arg14[%swap3A_518, %swap3A_519] {strides = array<i32>} : memref<80x64xf32, #tpu.memory_space<vmem>>, vector<16xf32>,
        tpu.vector_store %arg14[%swap3A_518, %swap3A_519], %mul3A_517 {strides = array<i32>} : memref<80x64xf32, #tpu.memory_space<vmem>>, vector<16xf32>,
        %get3A_521 = arith.index_cast %add3A_511 : i32 to index
        %get3A_522 = arith.constant 16 : index
        %get3A_523 = tpu.vector_load %arg14[%get3A_521, %get3A_522] {strides = array<i32>} : memref<80x64xf32, #tpu.memory_space<vmem>>, vector<16xf32>,
        %mul3A_524 = arith.mulf %get3A_523, %gather3A_513 : vector<16xf32>
        %swap3A_525 = arith.index_cast %add3A_511 : i32 to index
        %swap3A_526 = arith.constant 16 : index
        %swap3A_527 = tpu.vector_load %arg14[%swap3A_525, %swap3A_526] {strides = array<i32>} : memref<80x64xf32, #tpu.memory_space<vmem>>, vector<16xf32>,
        tpu.vector_store %arg14[%swap3A_525, %swap3A_526], %mul3A_524 {strides = array<i32>} : memref<80x64xf32, #tpu.memory_space<vmem>>, vector<16xf32>,
        %get3A_528 = arith.index_cast %add3A_511 : i32 to index
        %get3A_529 = arith.constant 32 : index
        %get3A_530 = tpu.vector_load %arg14[%get3A_528, %get3A_529] {strides = array<i32>} : memref<80x64xf32, #tpu.memory_space<vmem>>, vector<16xf32>,
        %mul3A_531 = arith.mulf %get3A_530, %gather3A_513 : vector<16xf32>
        %swap3A_532 = arith.index_cast %add3A_511 : i32 to index
        %swap3A_533 = arith.constant 32 : index
        %swap3A_534 = tpu.vector_load %arg14[%swap3A_532, %swap3A_533] {strides = array<i32>} : memref<80x64xf32, #tpu.memory_space<vmem>>, vector<16xf32>,
        tpu.vector_store %arg14[%swap3A_532, %swap3A_533], %mul3A_531 {strides = array<i32>} : memref<80x64xf32, #tpu.memory_space<vmem>>, vector<16xf32>,
        %get3A_535 = arith.index_cast %add3A_511 : i32 to index
        %get3A_536 = arith.constant 48 : index
        %get3A_537 = tpu.vector_load %arg14[%get3A_535, %get3A_536] {strides = array<i32>} : memref<80x64xf32, #tpu.memory_space<vmem>>, vector<16xf32>,
        %mul3A_538 = arith.mulf %get3A_537, %gather3A_513 : vector<16xf32>
        %swap3A_539 = arith.index_cast %add3A_511 : i32 to index
        %swap3A_540 = arith.constant 48 : index
        %swap3A_541 = tpu.vector_load %arg14[%swap3A_539, %swap3A_540] {strides = array<i32>} : memref<80x64xf32, #tpu.memory_space<vmem>>, vector<16xf32>,
        tpu.vector_store %arg14[%swap3A_539, %swap3A_540], %mul3A_538 {strides = array<i32>} : memref<80x64xf32, #tpu.memory_space<vmem>>, vector<16xf32>,
        %mul3A_542 = arith.constant 8 : i32
        %mul3A_543 = arith.muli %scan3A_306, %mul3A_542 : i32
        %add3A_544 = arith.constant 7 : i32
        %add3A_545 = arith.addi %mul3A_543, %add3A_544 : i32
        %broadcast_in_dim3A_546 = vector.broadcast %add3A_545 : i32 to vector<16xi32>
        %gather3A_547 = tpu.vector_load_idx %arg10[%broadcast_in_dim3A_257, %broadcast_in_dim3A_546] : memref<250x80xf32, #tpu.memory_space<vmem>>[vector<16xi32>, vector<16xi32>], vector<16xf32>,
        %get3A_548 = arith.index_cast %add3A_545 : i32 to index
        %get3A_549 = arith.constant 0 : index
        %get3A_550 = tpu.vector_load %arg14[%get3A_548, %get3A_549] {strides = array<i32>} : memref<80x64xf32, #tpu.memory_space<vmem>>, vector<16xf32>,
        %mul3A_551 = arith.mulf %get3A_550, %gather3A_547 : vector<16xf32>
        %swap3A_552 = arith.index_cast %add3A_545 : i32 to index
        %swap3A_553 = arith.constant 0 : index
        %swap3A_554 = tpu.vector_load %arg14[%swap3A_552, %swap3A_553] {strides = array<i32>} : memref<80x64xf32, #tpu.memory_space<vmem>>, vector<16xf32>,
        tpu.vector_store %arg14[%swap3A_552, %swap3A_553], %mul3A_551 {strides = array<i32>} : memref<80x64xf32, #tpu.memory_space<vmem>>, vector<16xf32>,
        %get3A_555 = arith.index_cast %add3A_545 : i32 to index
        %get3A_556 = arith.constant 16 : index
        %get3A_557 = tpu.vector_load %arg14[%get3A_555, %get3A_556] {strides = array<i32>} : memref<80x64xf32, #tpu.memory_space<vmem>>, vector<16xf32>,
        %mul3A_558 = arith.mulf %get3A_557, %gather3A_547 : vector<16xf32>
        %swap3A_559 = arith.index_cast %add3A_545 : i32 to index
        %swap3A_560 = arith.constant 16 : index
        %swap3A_561 = tpu.vector_load %arg14[%swap3A_559, %swap3A_560] {strides = array<i32>} : memref<80x64xf32, #tpu.memory_space<vmem>>, vector<16xf32>,
        tpu.vector_store %arg14[%swap3A_559, %swap3A_560], %mul3A_558 {strides = array<i32>} : memref<80x64xf32, #tpu.memory_space<vmem>>, vector<16xf32>,
        %get3A_562 = arith.index_cast %add3A_545 : i32 to index
        %get3A_563 = arith.constant 32 : index
        %get3A_564 = tpu.vector_load %arg14[%get3A_562, %get3A_563] {strides = array<i32>} : memref<80x64xf32, #tpu.memory_space<vmem>>, vector<16xf32>,
        %mul3A_565 = arith.mulf %get3A_564, %gather3A_547 : vector<16xf32>
        %swap3A_566 = arith.index_cast %add3A_545 : i32 to index
        %swap3A_567 = arith.constant 32 : index
        %swap3A_568 = tpu.vector_load %arg14[%swap3A_566, %swap3A_567] {strides = array<i32>} : memref<80x64xf32, #tpu.memory_space<vmem>>, vector<16xf32>,
        tpu.vector_store %arg14[%swap3A_566, %swap3A_567], %mul3A_565 {strides = array<i32>} : memref<80x64xf32, #tpu.memory_space<vmem>>, vector<16xf32>,
        %get3A_569 = arith.index_cast %add3A_545 : i32 to index
        %get3A_570 = arith.constant 48 : index
        %get3A_571 = tpu.vector_load %arg14[%get3A_569, %get3A_570] {strides = array<i32>} : memref<80x64xf32, #tpu.memory_space<vmem>>, vector<16xf32>,
        %mul3A_572 = arith.mulf %get3A_571, %gather3A_547 : vector<16xf32>
        %swap3A_573 = arith.index_cast %add3A_545 : i32 to index
        %swap3A_574 = arith.constant 48 : index
        %swap3A_575 = tpu.vector_load %arg14[%swap3A_573, %swap3A_574] {strides = array<i32>} : memref<80x64xf32, #tpu.memory_space<vmem>>, vector<16xf32>,
        tpu.vector_store %arg14[%swap3A_573, %swap3A_574], %mul3A_572 {strides = array<i32>} : memref<80x64xf32, #tpu.memory_space<vmem>>, vector<16xf32>,
      }
      %scan3A_263 = arith.constant 10 : i32
      %dma_start3A_264 = arith.constant 0 : i32
      %dma_start3A_265 = tpu.memref_slice %arg8[%add3A_237, %dma_start3A_264] : memref<250x80xi32, #tpu.memory_space<vmem>> -> memref<1x80xi32, #tpu.memory_space<vmem>>
      %dma_start3A_266 = tpu.memref_squeeze %dma_start3A_265 : memref<1x80xi32, #tpu.memory_space<vmem>> -> memref<80xi32, #tpu.memory_space<vmem>>
      %dma_start3A_267 = arith.constant 0 : i32
      %dma_start3A_268 = arith.constant 0 : i32
      %dma_start3A_269 = tpu.memref_slice %arg16[%dma_start3A_267, %dma_start3A_268] : memref<10240x64xf32, #tpu.memory_space<vmem_shared>> -> memref<10240x64xf32, #tpu.memory_space<vmem_shared>>
      tpu.enqueue_indirect_dma source(%arg14 : memref<80x64xf32, #tpu.memory_space<vmem>>) target(%dma_start3A_269 : memref<10240x64xf32, #tpu.memory_space<vmem_shared>>) offsets(%dma_start3A_266 : memref<80xi32, #tpu.memory_space<vmem>>) semaphore(%arg25 : memref<!tpu.dma_semaphore, #tpu.memory_space<semaphore_mem>>) {add = true}
      %mul3A_270 = arith.constant 5 : i32
      %mul3A_271 = arith.muli %scan3A_127, %mul3A_270 : i32
      %add3A_272 = arith.constant 4 : i32
      %add3A_273 = arith.addi %mul3A_271, %add3A_272 : i32
      %ge3A_274 = arith.constant 2 : i32
      %ge3A_275 = arith.cmpi sge, %add3A_273, %ge3A_274 : i32
      %convert_element_type3A_276 = arith.extui %ge3A_275 : i1 to i32
      %cond3A_277 = arith.constant 0 : i32
      %cond3A_278 = arith.cmpi ne, %convert_element_type3A_276, %cond3A_277 : i32
      scf.if %cond3A_278 {
        %dma_wait3A_306 = arith.constant 0 : i32
        %dma_wait3A_307 = arith.constant 0 : i32
        %dma_wait3A_308 = tpu.memref_slice %arg8[%dma_wait3A_306, %dma_wait3A_307] : memref<250x80xi32, #tpu.memory_space<vmem>> -> memref<1x80xi32, #tpu.memory_space<vmem>>
        %dma_wait3A_309 = tpu.memref_squeeze %dma_wait3A_308 : memref<1x80xi32, #tpu.memory_space<vmem>> -> memref<80xi32, #tpu.memory_space<vmem>>
        %dma_wait3A_310 = arith.constant 0 : i32
        %dma_wait3A_311 = arith.constant 0 : i32
        %dma_wait3A_312 = tpu.memref_slice %arg16[%dma_wait3A_310, %dma_wait3A_311] : memref<10240x64xf32, #tpu.memory_space<vmem_shared>> -> memref<10240x64xf32, #tpu.memory_space<vmem_shared>>
        tpu.wait_indirect_dma semaphore(%arg24 : memref<!tpu.dma_semaphore, #tpu.memory_space<semaphore_mem>>) src(%arg13 : memref<80x64xf32, #tpu.memory_space<vmem>>) dst(%dma_wait3A_312 : memref<10240x64xf32, #tpu.memory_space<vmem_shared>>)
      } else {
      }
      %add3A_279 = arith.constant 3 : i32
      %add3A_280 = arith.addi %add3A_273, %add3A_279 : i32
      %lt3A_281 = arith.constant 250 : i32
      %lt3A_282 = arith.cmpi slt, %add3A_280, %lt3A_281 : i32
      %convert_element_type3A_283 = arith.extui %lt3A_282 : i1 to i32
      %cond3A_284 = arith.constant 0 : i32
      %cond3A_285 = arith.cmpi ne, %convert_element_type3A_283, %cond3A_284 : i32
      scf.if %cond3A_285 {
        %add3A_306 = arith.constant 3 : i32
        %add3A_307 = arith.addi %add3A_273, %add3A_306 : i32
        %dma_start3A_308 = arith.constant 0 : i32
        %dma_start3A_309 = tpu.memref_slice %arg9[%add3A_307, %dma_start3A_308] : memref<250x80xi32, #tpu.memory_space<vmem>> -> memref<1x80xi32, #tpu.memory_space<vmem>>
        %dma_start3A_310 = tpu.memref_squeeze %dma_start3A_309 : memref<1x80xi32, #tpu.memory_space<vmem>> -> memref<80xi32, #tpu.memory_space<vmem>>
        %dma_start3A_311 = arith.constant 0 : i32
        %dma_start3A_312 = arith.constant 0 : i32
        %dma_start3A_313 = tpu.memref_slice %arg2[%dma_start3A_311, %dma_start3A_312] : memref<20000x64xf32, #tpu.memory_space<hbm>> -> memref<20000x64xf32, #tpu.memory_space<hbm>>
        tpu.enqueue_indirect_dma source(%dma_start3A_313 : memref<20000x64xf32, #tpu.memory_space<hbm>>) target(%arg13 : memref<80x64xf32, #tpu.memory_space<vmem>>) offsets(%dma_start3A_310 : memref<80xi32, #tpu.memory_space<vmem>>) semaphore(%arg19 : memref<!tpu.dma_semaphore, #tpu.memory_space<semaphore_mem>>)
      } else {
      }
      %dma_wait3A_286 = arith.constant 0 : i32
      %dma_wait3A_287 = arith.constant 0 : i32
      %dma_wait3A_288 = tpu.memref_slice %arg9[%dma_wait3A_286, %dma_wait3A_287] : memref<250x80xi32, #tpu.memory_space<vmem>> -> memref<1x80xi32, #tpu.memory_space<vmem>>
      %dma_wait3A_289 = tpu.memref_squeeze %dma_wait3A_288 : memref<1x80xi32, #tpu.memory_space<vmem>> -> memref<80xi32, #tpu.memory_space<vmem>>
      %dma_wait3A_290 = arith.constant 0 : i32
      %dma_wait3A_291 = arith.constant 0 : i32
      %dma_wait3A_292 = tpu.memref_slice %arg2[%dma_wait3A_290, %dma_wait3A_291] : memref<20000x64xf32, #tpu.memory_space<hbm>> -> memref<20000x64xf32, #tpu.memory_space<hbm>>
      tpu.wait_indirect_dma semaphore(%arg21 : memref<!tpu.dma_semaphore, #tpu.memory_space<semaphore_mem>>) src(%dma_wait3A_292 : memref<20000x64xf32, #tpu.memory_space<hbm>>) dst(%arg15 : memref<80x64xf32, #tpu.memory_space<vmem>>)
      %broadcast_in_dim3A_293 = vector.broadcast %add3A_273 : i32 to vector<16xi32>
      %scan3A_294 = arith.constant 0 : i32
      %scan3A_295 = arith.constant 0 : i32
      %scan3A_296 = arith.constant 10 : i32
      %scan3A_297 = arith.addi %scan3A_295, %scan3A_296 : i32
      %scan3A_298 = arith.constant 1 : i32
      scf.for %scan3A_306 = %scan3A_295 to %scan3A_297 step %scan3A_298  : i32 {
        %mul3A_307 = arith.constant 8 : i32
        %mul3A_308 = arith.muli %scan3A_306, %mul3A_307 : i32
        %add3A_309 = arith.constant 0 : i32
        %add3A_310 = arith.addi %mul3A_308, %add3A_309 : i32
        %broadcast_in_dim3A_311 = vector.broadcast %add3A_310 : i32 to vector<16xi32>
        %gather3A = tpu.vector_load_idx %arg10[%broadcast_in_dim3A_293, %broadcast_in_dim3A_311] : memref<250x80xf32, #tpu.memory_space<vmem>>[vector<16xi32>, vector<16xi32>], vector<16xf32>,
        %get3A = arith.index_cast %add3A_310 : i32 to index
        %get3A_312 = arith.constant 0 : index
        %get3A_313 = tpu.vector_load %arg15[%get3A, %get3A_312] {strides = array<i32>} : memref<80x64xf32, #tpu.memory_space<vmem>>, vector<16xf32>,
        %mul3A_314 = arith.mulf %get3A_313, %gather3A : vector<16xf32>
        %swap3A = arith.index_cast %add3A_310 : i32 to index
        %swap3A_315 = arith.constant 0 : index
        %swap3A_316 = tpu.vector_load %arg15[%swap3A, %swap3A_315] {strides = array<i32>} : memref<80x64xf32, #tpu.memory_space<vmem>>, vector<16xf32>,
        tpu.vector_store %arg15[%swap3A, %swap3A_315], %mul3A_314 {strides = array<i32>} : memref<80x64xf32, #tpu.memory_space<vmem>>, vector<16xf32>,
        %get3A_317 = arith.index_cast %add3A_310 : i32 to index
        %get3A_318 = arith.constant 16 : index
        %get3A_319 = tpu.vector_load %arg15[%get3A_317, %get3A_318] {strides = array<i32>} : memref<80x64xf32, #tpu.memory_space<vmem>>, vector<16xf32>,
        %mul3A_320 = arith.mulf %get3A_319, %gather3A : vector<16xf32>
        %swap3A_321 = arith.index_cast %add3A_310 : i32 to index
        %swap3A_322 = arith.constant 16 : index
        %swap3A_323 = tpu.vector_load %arg15[%swap3A_321, %swap3A_322] {strides = array<i32>} : memref<80x64xf32, #tpu.memory_space<vmem>>, vector<16xf32>,
        tpu.vector_store %arg15[%swap3A_321, %swap3A_322], %mul3A_320 {strides = array<i32>} : memref<80x64xf32, #tpu.memory_space<vmem>>, vector<16xf32>,
        %get3A_324 = arith.index_cast %add3A_310 : i32 to index
        %get3A_325 = arith.constant 32 : index
        %get3A_326 = tpu.vector_load %arg15[%get3A_324, %get3A_325] {strides = array<i32>} : memref<80x64xf32, #tpu.memory_space<vmem>>, vector<16xf32>,
        %mul3A_327 = arith.mulf %get3A_326, %gather3A : vector<16xf32>
        %swap3A_328 = arith.index_cast %add3A_310 : i32 to index
        %swap3A_329 = arith.constant 32 : index
        %swap3A_330 = tpu.vector_load %arg15[%swap3A_328, %swap3A_329] {strides = array<i32>} : memref<80x64xf32, #tpu.memory_space<vmem>>, vector<16xf32>,
        tpu.vector_store %arg15[%swap3A_328, %swap3A_329], %mul3A_327 {strides = array<i32>} : memref<80x64xf32, #tpu.memory_space<vmem>>, vector<16xf32>,
        %get3A_331 = arith.index_cast %add3A_310 : i32 to index
        %get3A_332 = arith.constant 48 : index
        %get3A_333 = tpu.vector_load %arg15[%get3A_331, %get3A_332] {strides = array<i32>} : memref<80x64xf32, #tpu.memory_space<vmem>>, vector<16xf32>,
        %mul3A_334 = arith.mulf %get3A_333, %gather3A : vector<16xf32>
        %swap3A_335 = arith.index_cast %add3A_310 : i32 to index
        %swap3A_336 = arith.constant 48 : index
        %swap3A_337 = tpu.vector_load %arg15[%swap3A_335, %swap3A_336] {strides = array<i32>} : memref<80x64xf32, #tpu.memory_space<vmem>>, vector<16xf32>,
        tpu.vector_store %arg15[%swap3A_335, %swap3A_336], %mul3A_334 {strides = array<i32>} : memref<80x64xf32, #tpu.memory_space<vmem>>, vector<16xf32>,
        %mul3A_338 = arith.constant 8 : i32
        %mul3A_339 = arith.muli %scan3A_306, %mul3A_338 : i32
        %add3A_340 = arith.constant 1 : i32
        %add3A_341 = arith.addi %mul3A_339, %add3A_340 : i32
        %broadcast_in_dim3A_342 = vector.broadcast %add3A_341 : i32 to vector<16xi32>
        %gather3A_343 = tpu.vector_load_idx %arg10[%broadcast_in_dim3A_293, %broadcast_in_dim3A_342] : memref<250x80xf32, #tpu.memory_space<vmem>>[vector<16xi32>, vector<16xi32>], vector<16xf32>,
        %get3A_344 = arith.index_cast %add3A_341 : i32 to index
        %get3A_345 = arith.constant 0 : index
        %get3A_346 = tpu.vector_load %arg15[%get3A_344, %get3A_345] {strides = array<i32>} : memref<80x64xf32, #tpu.memory_space<vmem>>, vector<16xf32>,
        %mul3A_347 = arith.mulf %get3A_346, %gather3A_343 : vector<16xf32>
        %swap3A_348 = arith.index_cast %add3A_341 : i32 to index
        %swap3A_349 = arith.constant 0 : index
        %swap3A_350 = tpu.vector_load %arg15[%swap3A_348, %swap3A_349] {strides = array<i32>} : memref<80x64xf32, #tpu.memory_space<vmem>>, vector<16xf32>,
        tpu.vector_store %arg15[%swap3A_348, %swap3A_349], %mul3A_347 {strides = array<i32>} : memref<80x64xf32, #tpu.memory_space<vmem>>, vector<16xf32>,
        %get3A_351 = arith.index_cast %add3A_341 : i32 to index
        %get3A_352 = arith.constant 16 : index
        %get3A_353 = tpu.vector_load %arg15[%get3A_351, %get3A_352] {strides = array<i32>} : memref<80x64xf32, #tpu.memory_space<vmem>>, vector<16xf32>,
        %mul3A_354 = arith.mulf %get3A_353, %gather3A_343 : vector<16xf32>
        %swap3A_355 = arith.index_cast %add3A_341 : i32 to index
        %swap3A_356 = arith.constant 16 : index
        %swap3A_357 = tpu.vector_load %arg15[%swap3A_355, %swap3A_356] {strides = array<i32>} : memref<80x64xf32, #tpu.memory_space<vmem>>, vector<16xf32>,
        tpu.vector_store %arg15[%swap3A_355, %swap3A_356], %mul3A_354 {strides = array<i32>} : memref<80x64xf32, #tpu.memory_space<vmem>>, vector<16xf32>,
        %get3A_358 = arith.index_cast %add3A_341 : i32 to index
        %get3A_359 = arith.constant 32 : index
        %get3A_360 = tpu.vector_load %arg15[%get3A_358, %get3A_359] {strides = array<i32>} : memref<80x64xf32, #tpu.memory_space<vmem>>, vector<16xf32>,
        %mul3A_361 = arith.mulf %get3A_360, %gather3A_343 : vector<16xf32>
        %swap3A_362 = arith.index_cast %add3A_341 : i32 to index
        %swap3A_363 = arith.constant 32 : index
        %swap3A_364 = tpu.vector_load %arg15[%swap3A_362, %swap3A_363] {strides = array<i32>} : memref<80x64xf32, #tpu.memory_space<vmem>>, vector<16xf32>,
        tpu.vector_store %arg15[%swap3A_362, %swap3A_363], %mul3A_361 {strides = array<i32>} : memref<80x64xf32, #tpu.memory_space<vmem>>, vector<16xf32>,
        %get3A_365 = arith.index_cast %add3A_341 : i32 to index
        %get3A_366 = arith.constant 48 : index
        %get3A_367 = tpu.vector_load %arg15[%get3A_365, %get3A_366] {strides = array<i32>} : memref<80x64xf32, #tpu.memory_space<vmem>>, vector<16xf32>,
        %mul3A_368 = arith.mulf %get3A_367, %gather3A_343 : vector<16xf32>
        %swap3A_369 = arith.index_cast %add3A_341 : i32 to index
        %swap3A_370 = arith.constant 48 : index
        %swap3A_371 = tpu.vector_load %arg15[%swap3A_369, %swap3A_370] {strides = array<i32>} : memref<80x64xf32, #tpu.memory_space<vmem>>, vector<16xf32>,
        tpu.vector_store %arg15[%swap3A_369, %swap3A_370], %mul3A_368 {strides = array<i32>} : memref<80x64xf32, #tpu.memory_space<vmem>>, vector<16xf32>,
        %mul3A_372 = arith.constant 8 : i32
        %mul3A_373 = arith.muli %scan3A_306, %mul3A_372 : i32
        %add3A_374 = arith.constant 2 : i32
        %add3A_375 = arith.addi %mul3A_373, %add3A_374 : i32
        %broadcast_in_dim3A_376 = vector.broadcast %add3A_375 : i32 to vector<16xi32>
        %gather3A_377 = tpu.vector_load_idx %arg10[%broadcast_in_dim3A_293, %broadcast_in_dim3A_376] : memref<250x80xf32, #tpu.memory_space<vmem>>[vector<16xi32>, vector<16xi32>], vector<16xf32>,
        %get3A_378 = arith.index_cast %add3A_375 : i32 to index
        %get3A_379 = arith.constant 0 : index
        %get3A_380 = tpu.vector_load %arg15[%get3A_378, %get3A_379] {strides = array<i32>} : memref<80x64xf32, #tpu.memory_space<vmem>>, vector<16xf32>,
        %mul3A_381 = arith.mulf %get3A_380, %gather3A_377 : vector<16xf32>
        %swap3A_382 = arith.index_cast %add3A_375 : i32 to index
        %swap3A_383 = arith.constant 0 : index
        %swap3A_384 = tpu.vector_load %arg15[%swap3A_382, %swap3A_383] {strides = array<i32>} : memref<80x64xf32, #tpu.memory_space<vmem>>, vector<16xf32>,
        tpu.vector_store %arg15[%swap3A_382, %swap3A_383], %mul3A_381 {strides = array<i32>} : memref<80x64xf32, #tpu.memory_space<vmem>>, vector<16xf32>,
        %get3A_385 = arith.index_cast %add3A_375 : i32 to index
        %get3A_386 = arith.constant 16 : index
        %get3A_387 = tpu.vector_load %arg15[%get3A_385, %get3A_386] {strides = array<i32>} : memref<80x64xf32, #tpu.memory_space<vmem>>, vector<16xf32>,
        %mul3A_388 = arith.mulf %get3A_387, %gather3A_377 : vector<16xf32>
        %swap3A_389 = arith.index_cast %add3A_375 : i32 to index
        %swap3A_390 = arith.constant 16 : index
        %swap3A_391 = tpu.vector_load %arg15[%swap3A_389, %swap3A_390] {strides = array<i32>} : memref<80x64xf32, #tpu.memory_space<vmem>>, vector<16xf32>,
        tpu.vector_store %arg15[%swap3A_389, %swap3A_390], %mul3A_388 {strides = array<i32>} : memref<80x64xf32, #tpu.memory_space<vmem>>, vector<16xf32>,
        %get3A_392 = arith.index_cast %add3A_375 : i32 to index
        %get3A_393 = arith.constant 32 : index
        %get3A_394 = tpu.vector_load %arg15[%get3A_392, %get3A_393] {strides = array<i32>} : memref<80x64xf32, #tpu.memory_space<vmem>>, vector<16xf32>,
        %mul3A_395 = arith.mulf %get3A_394, %gather3A_377 : vector<16xf32>
        %swap3A_396 = arith.index_cast %add3A_375 : i32 to index
        %swap3A_397 = arith.constant 32 : index
        %swap3A_398 = tpu.vector_load %arg15[%swap3A_396, %swap3A_397] {strides = array<i32>} : memref<80x64xf32, #tpu.memory_space<vmem>>, vector<16xf32>,
        tpu.vector_store %arg15[%swap3A_396, %swap3A_397], %mul3A_395 {strides = array<i32>} : memref<80x64xf32, #tpu.memory_space<vmem>>, vector<16xf32>,
        %get3A_399 = arith.index_cast %add3A_375 : i32 to index
        %get3A_400 = arith.constant 48 : index
        %get3A_401 = tpu.vector_load %arg15[%get3A_399, %get3A_400] {strides = array<i32>} : memref<80x64xf32, #tpu.memory_space<vmem>>, vector<16xf32>,
        %mul3A_402 = arith.mulf %get3A_401, %gather3A_377 : vector<16xf32>
        %swap3A_403 = arith.index_cast %add3A_375 : i32 to index
        %swap3A_404 = arith.constant 48 : index
        %swap3A_405 = tpu.vector_load %arg15[%swap3A_403, %swap3A_404] {strides = array<i32>} : memref<80x64xf32, #tpu.memory_space<vmem>>, vector<16xf32>,
        tpu.vector_store %arg15[%swap3A_403, %swap3A_404], %mul3A_402 {strides = array<i32>} : memref<80x64xf32, #tpu.memory_space<vmem>>, vector<16xf32>,
        %mul3A_406 = arith.constant 8 : i32
        %mul3A_407 = arith.muli %scan3A_306, %mul3A_406 : i32
        %add3A_408 = arith.constant 3 : i32
        %add3A_409 = arith.addi %mul3A_407, %add3A_408 : i32
        %broadcast_in_dim3A_410 = vector.broadcast %add3A_409 : i32 to vector<16xi32>
        %gather3A_411 = tpu.vector_load_idx %arg10[%broadcast_in_dim3A_293, %broadcast_in_dim3A_410] : memref<250x80xf32, #tpu.memory_space<vmem>>[vector<16xi32>, vector<16xi32>], vector<16xf32>,
        %get3A_412 = arith.index_cast %add3A_409 : i32 to index
        %get3A_413 = arith.constant 0 : index
        %get3A_414 = tpu.vector_load %arg15[%get3A_412, %get3A_413] {strides = array<i32>} : memref<80x64xf32, #tpu.memory_space<vmem>>, vector<16xf32>,
        %mul3A_415 = arith.mulf %get3A_414, %gather3A_411 : vector<16xf32>
        %swap3A_416 = arith.index_cast %add3A_409 : i32 to index
        %swap3A_417 = arith.constant 0 : index
        %swap3A_418 = tpu.vector_load %arg15[%swap3A_416, %swap3A_417] {strides = array<i32>} : memref<80x64xf32, #tpu.memory_space<vmem>>, vector<16xf32>,
        tpu.vector_store %arg15[%swap3A_416, %swap3A_417], %mul3A_415 {strides = array<i32>} : memref<80x64xf32, #tpu.memory_space<vmem>>, vector<16xf32>,
        %get3A_419 = arith.index_cast %add3A_409 : i32 to index
        %get3A_420 = arith.constant 16 : index
        %get3A_421 = tpu.vector_load %arg15[%get3A_419, %get3A_420] {strides = array<i32>} : memref<80x64xf32, #tpu.memory_space<vmem>>, vector<16xf32>,
        %mul3A_422 = arith.mulf %get3A_421, %gather3A_411 : vector<16xf32>
        %swap3A_423 = arith.index_cast %add3A_409 : i32 to index
        %swap3A_424 = arith.constant 16 : index
        %swap3A_425 = tpu.vector_load %arg15[%swap3A_423, %swap3A_424] {strides = array<i32>} : memref<80x64xf32, #tpu.memory_space<vmem>>, vector<16xf32>,
        tpu.vector_store %arg15[%swap3A_423, %swap3A_424], %mul3A_422 {strides = array<i32>} : memref<80x64xf32, #tpu.memory_space<vmem>>, vector<16xf32>,
        %get3A_426 = arith.index_cast %add3A_409 : i32 to index
        %get3A_427 = arith.constant 32 : index
        %get3A_428 = tpu.vector_load %arg15[%get3A_426, %get3A_427] {strides = array<i32>} : memref<80x64xf32, #tpu.memory_space<vmem>>, vector<16xf32>,
        %mul3A_429 = arith.mulf %get3A_428, %gather3A_411 : vector<16xf32>
        %swap3A_430 = arith.index_cast %add3A_409 : i32 to index
        %swap3A_431 = arith.constant 32 : index
        %swap3A_432 = tpu.vector_load %arg15[%swap3A_430, %swap3A_431] {strides = array<i32>} : memref<80x64xf32, #tpu.memory_space<vmem>>, vector<16xf32>,
        tpu.vector_store %arg15[%swap3A_430, %swap3A_431], %mul3A_429 {strides = array<i32>} : memref<80x64xf32, #tpu.memory_space<vmem>>, vector<16xf32>,
        %get3A_433 = arith.index_cast %add3A_409 : i32 to index
        %get3A_434 = arith.constant 48 : index
        %get3A_435 = tpu.vector_load %arg15[%get3A_433, %get3A_434] {strides = array<i32>} : memref<80x64xf32, #tpu.memory_space<vmem>>, vector<16xf32>,
        %mul3A_436 = arith.mulf %get3A_435, %gather3A_411 : vector<16xf32>
        %swap3A_437 = arith.index_cast %add3A_409 : i32 to index
        %swap3A_438 = arith.constant 48 : index
        %swap3A_439 = tpu.vector_load %arg15[%swap3A_437, %swap3A_438] {strides = array<i32>} : memref<80x64xf32, #tpu.memory_space<vmem>>, vector<16xf32>,
        tpu.vector_store %arg15[%swap3A_437, %swap3A_438], %mul3A_436 {strides = array<i32>} : memref<80x64xf32, #tpu.memory_space<vmem>>, vector<16xf32>,
        %mul3A_440 = arith.constant 8 : i32
        %mul3A_441 = arith.muli %scan3A_306, %mul3A_440 : i32
        %add3A_442 = arith.constant 4 : i32
        %add3A_443 = arith.addi %mul3A_441, %add3A_442 : i32
        %broadcast_in_dim3A_444 = vector.broadcast %add3A_443 : i32 to vector<16xi32>
        %gather3A_445 = tpu.vector_load_idx %arg10[%broadcast_in_dim3A_293, %broadcast_in_dim3A_444] : memref<250x80xf32, #tpu.memory_space<vmem>>[vector<16xi32>, vector<16xi32>], vector<16xf32>,
        %get3A_446 = arith.index_cast %add3A_443 : i32 to index
        %get3A_447 = arith.constant 0 : index
        %get3A_448 = tpu.vector_load %arg15[%get3A_446, %get3A_447] {strides = array<i32>} : memref<80x64xf32, #tpu.memory_space<vmem>>, vector<16xf32>,
        %mul3A_449 = arith.mulf %get3A_448, %gather3A_445 : vector<16xf32>
        %swap3A_450 = arith.index_cast %add3A_443 : i32 to index
        %swap3A_451 = arith.constant 0 : index
        %swap3A_452 = tpu.vector_load %arg15[%swap3A_450, %swap3A_451] {strides = array<i32>} : memref<80x64xf32, #tpu.memory_space<vmem>>, vector<16xf32>,
        tpu.vector_store %arg15[%swap3A_450, %swap3A_451], %mul3A_449 {strides = array<i32>} : memref<80x64xf32, #tpu.memory_space<vmem>>, vector<16xf32>,
        %get3A_453 = arith.index_cast %add3A_443 : i32 to index
        %get3A_454 = arith.constant 16 : index
        %get3A_455 = tpu.vector_load %arg15[%get3A_453, %get3A_454] {strides = array<i32>} : memref<80x64xf32, #tpu.memory_space<vmem>>, vector<16xf32>,
        %mul3A_456 = arith.mulf %get3A_455, %gather3A_445 : vector<16xf32>
        %swap3A_457 = arith.index_cast %add3A_443 : i32 to index
        %swap3A_458 = arith.constant 16 : index
        %swap3A_459 = tpu.vector_load %arg15[%swap3A_457, %swap3A_458] {strides = array<i32>} : memref<80x64xf32, #tpu.memory_space<vmem>>, vector<16xf32>,
        tpu.vector_store %arg15[%swap3A_457, %swap3A_458], %mul3A_456 {strides = array<i32>} : memref<80x64xf32, #tpu.memory_space<vmem>>, vector<16xf32>,
        %get3A_460 = arith.index_cast %add3A_443 : i32 to index
        %get3A_461 = arith.constant 32 : index
        %get3A_462 = tpu.vector_load %arg15[%get3A_460, %get3A_461] {strides = array<i32>} : memref<80x64xf32, #tpu.memory_space<vmem>>, vector<16xf32>,
        %mul3A_463 = arith.mulf %get3A_462, %gather3A_445 : vector<16xf32>
        %swap3A_464 = arith.index_cast %add3A_443 : i32 to index
        %swap3A_465 = arith.constant 32 : index
        %swap3A_466 = tpu.vector_load %arg15[%swap3A_464, %swap3A_465] {strides = array<i32>} : memref<80x64xf32, #tpu.memory_space<vmem>>, vector<16xf32>,
        tpu.vector_store %arg15[%swap3A_464, %swap3A_465], %mul3A_463 {strides = array<i32>} : memref<80x64xf32, #tpu.memory_space<vmem>>, vector<16xf32>,
        %get3A_467 = arith.index_cast %add3A_443 : i32 to index
        %get3A_468 = arith.constant 48 : index
        %get3A_469 = tpu.vector_load %arg15[%get3A_467, %get3A_468] {strides = array<i32>} : memref<80x64xf32, #tpu.memory_space<vmem>>, vector<16xf32>,
        %mul3A_470 = arith.mulf %get3A_469, %gather3A_445 : vector<16xf32>
        %swap3A_471 = arith.index_cast %add3A_443 : i32 to index
        %swap3A_472 = arith.constant 48 : index
        %swap3A_473 = tpu.vector_load %arg15[%swap3A_471, %swap3A_472] {strides = array<i32>} : memref<80x64xf32, #tpu.memory_space<vmem>>, vector<16xf32>,
        tpu.vector_store %arg15[%swap3A_471, %swap3A_472], %mul3A_470 {strides = array<i32>} : memref<80x64xf32, #tpu.memory_space<vmem>>, vector<16xf32>,
        %mul3A_474 = arith.constant 8 : i32
        %mul3A_475 = arith.muli %scan3A_306, %mul3A_474 : i32
        %add3A_476 = arith.constant 5 : i32
        %add3A_477 = arith.addi %mul3A_475, %add3A_476 : i32
        %broadcast_in_dim3A_478 = vector.broadcast %add3A_477 : i32 to vector<16xi32>
        %gather3A_479 = tpu.vector_load_idx %arg10[%broadcast_in_dim3A_293, %broadcast_in_dim3A_478] : memref<250x80xf32, #tpu.memory_space<vmem>>[vector<16xi32>, vector<16xi32>], vector<16xf32>,
        %get3A_480 = arith.index_cast %add3A_477 : i32 to index
        %get3A_481 = arith.constant 0 : index
        %get3A_482 = tpu.vector_load %arg15[%get3A_480, %get3A_481] {strides = array<i32>} : memref<80x64xf32, #tpu.memory_space<vmem>>, vector<16xf32>,
        %mul3A_483 = arith.mulf %get3A_482, %gather3A_479 : vector<16xf32>
        %swap3A_484 = arith.index_cast %add3A_477 : i32 to index
        %swap3A_485 = arith.constant 0 : index
        %swap3A_486 = tpu.vector_load %arg15[%swap3A_484, %swap3A_485] {strides = array<i32>} : memref<80x64xf32, #tpu.memory_space<vmem>>, vector<16xf32>,
        tpu.vector_store %arg15[%swap3A_484, %swap3A_485], %mul3A_483 {strides = array<i32>} : memref<80x64xf32, #tpu.memory_space<vmem>>, vector<16xf32>,
        %get3A_487 = arith.index_cast %add3A_477 : i32 to index
        %get3A_488 = arith.constant 16 : index
        %get3A_489 = tpu.vector_load %arg15[%get3A_487, %get3A_488] {strides = array<i32>} : memref<80x64xf32, #tpu.memory_space<vmem>>, vector<16xf32>,
        %mul3A_490 = arith.mulf %get3A_489, %gather3A_479 : vector<16xf32>
        %swap3A_491 = arith.index_cast %add3A_477 : i32 to index
        %swap3A_492 = arith.constant 16 : index
        %swap3A_493 = tpu.vector_load %arg15[%swap3A_491, %swap3A_492] {strides = array<i32>} : memref<80x64xf32, #tpu.memory_space<vmem>>, vector<16xf32>,
        tpu.vector_store %arg15[%swap3A_491, %swap3A_492], %mul3A_490 {strides = array<i32>} : memref<80x64xf32, #tpu.memory_space<vmem>>, vector<16xf32>,
        %get3A_494 = arith.index_cast %add3A_477 : i32 to index
        %get3A_495 = arith.constant 32 : index
        %get3A_496 = tpu.vector_load %arg15[%get3A_494, %get3A_495] {strides = array<i32>} : memref<80x64xf32, #tpu.memory_space<vmem>>, vector<16xf32>,
        %mul3A_497 = arith.mulf %get3A_496, %gather3A_479 : vector<16xf32>
        %swap3A_498 = arith.index_cast %add3A_477 : i32 to index
        %swap3A_499 = arith.constant 32 : index
        %swap3A_500 = tpu.vector_load %arg15[%swap3A_498, %swap3A_499] {strides = array<i32>} : memref<80x64xf32, #tpu.memory_space<vmem>>, vector<16xf32>,
        tpu.vector_store %arg15[%swap3A_498, %swap3A_499], %mul3A_497 {strides = array<i32>} : memref<80x64xf32, #tpu.memory_space<vmem>>, vector<16xf32>,
        %get3A_501 = arith.index_cast %add3A_477 : i32 to index
        %get3A_502 = arith.constant 48 : index
        %get3A_503 = tpu.vector_load %arg15[%get3A_501, %get3A_502] {strides = array<i32>} : memref<80x64xf32, #tpu.memory_space<vmem>>, vector<16xf32>,
        %mul3A_504 = arith.mulf %get3A_503, %gather3A_479 : vector<16xf32>
        %swap3A_505 = arith.index_cast %add3A_477 : i32 to index
        %swap3A_506 = arith.constant 48 : index
        %swap3A_507 = tpu.vector_load %arg15[%swap3A_505, %swap3A_506] {strides = array<i32>} : memref<80x64xf32, #tpu.memory_space<vmem>>, vector<16xf32>,
        tpu.vector_store %arg15[%swap3A_505, %swap3A_506], %mul3A_504 {strides = array<i32>} : memref<80x64xf32, #tpu.memory_space<vmem>>, vector<16xf32>,
        %mul3A_508 = arith.constant 8 : i32
        %mul3A_509 = arith.muli %scan3A_306, %mul3A_508 : i32
        %add3A_510 = arith.constant 6 : i32
        %add3A_511 = arith.addi %mul3A_509, %add3A_510 : i32
        %broadcast_in_dim3A_512 = vector.broadcast %add3A_511 : i32 to vector<16xi32>
        %gather3A_513 = tpu.vector_load_idx %arg10[%broadcast_in_dim3A_293, %broadcast_in_dim3A_512] : memref<250x80xf32, #tpu.memory_space<vmem>>[vector<16xi32>, vector<16xi32>], vector<16xf32>,
        %get3A_514 = arith.index_cast %add3A_511 : i32 to index
        %get3A_515 = arith.constant 0 : index
        %get3A_516 = tpu.vector_load %arg15[%get3A_514, %get3A_515] {strides = array<i32>} : memref<80x64xf32, #tpu.memory_space<vmem>>, vector<16xf32>,
        %mul3A_517 = arith.mulf %get3A_516, %gather3A_513 : vector<16xf32>
        %swap3A_518 = arith.index_cast %add3A_511 : i32 to index
        %swap3A_519 = arith.constant 0 : index
        %swap3A_520 = tpu.vector_load %arg15[%swap3A_518, %swap3A_519] {strides = array<i32>} : memref<80x64xf32, #tpu.memory_space<vmem>>, vector<16xf32>,
        tpu.vector_store %arg15[%swap3A_518, %swap3A_519], %mul3A_517 {strides = array<i32>} : memref<80x64xf32, #tpu.memory_space<vmem>>, vector<16xf32>,
        %get3A_521 = arith.index_cast %add3A_511 : i32 to index
        %get3A_522 = arith.constant 16 : index
        %get3A_523 = tpu.vector_load %arg15[%get3A_521, %get3A_522] {strides = array<i32>} : memref<80x64xf32, #tpu.memory_space<vmem>>, vector<16xf32>,
        %mul3A_524 = arith.mulf %get3A_523, %gather3A_513 : vector<16xf32>
        %swap3A_525 = arith.index_cast %add3A_511 : i32 to index
        %swap3A_526 = arith.constant 16 : index
        %swap3A_527 = tpu.vector_load %arg15[%swap3A_525, %swap3A_526] {strides = array<i32>} : memref<80x64xf32, #tpu.memory_space<vmem>>, vector<16xf32>,
        tpu.vector_store %arg15[%swap3A_525, %swap3A_526], %mul3A_524 {strides = array<i32>} : memref<80x64xf32, #tpu.memory_space<vmem>>, vector<16xf32>,
        %get3A_528 = arith.index_cast %add3A_511 : i32 to index
        %get3A_529 = arith.constant 32 : index
        %get3A_530 = tpu.vector_load %arg15[%get3A_528, %get3A_529] {strides = array<i32>} : memref<80x64xf32, #tpu.memory_space<vmem>>, vector<16xf32>,
        %mul3A_531 = arith.mulf %get3A_530, %gather3A_513 : vector<16xf32>
        %swap3A_532 = arith.index_cast %add3A_511 : i32 to index
        %swap3A_533 = arith.constant 32 : index
        %swap3A_534 = tpu.vector_load %arg15[%swap3A_532, %swap3A_533] {strides = array<i32>} : memref<80x64xf32, #tpu.memory_space<vmem>>, vector<16xf32>,
        tpu.vector_store %arg15[%swap3A_532, %swap3A_533], %mul3A_531 {strides = array<i32>} : memref<80x64xf32, #tpu.memory_space<vmem>>, vector<16xf32>,
        %get3A_535 = arith.index_cast %add3A_511 : i32 to index
        %get3A_536 = arith.constant 48 : index
        %get3A_537 = tpu.vector_load %arg15[%get3A_535, %get3A_536] {strides = array<i32>} : memref<80x64xf32, #tpu.memory_space<vmem>>, vector<16xf32>,
        %mul3A_538 = arith.mulf %get3A_537, %gather3A_513 : vector<16xf32>
        %swap3A_539 = arith.index_cast %add3A_511 : i32 to index
        %swap3A_540 = arith.constant 48 : index
        %swap3A_541 = tpu.vector_load %arg15[%swap3A_539, %swap3A_540] {strides = array<i32>} : memref<80x64xf32, #tpu.memory_space<vmem>>, vector<16xf32>,
        tpu.vector_store %arg15[%swap3A_539, %swap3A_540], %mul3A_538 {strides = array<i32>} : memref<80x64xf32, #tpu.memory_space<vmem>>, vector<16xf32>,
        %mul3A_542 = arith.constant 8 : i32
        %mul3A_543 = arith.muli %scan3A_306, %mul3A_542 : i32
        %add3A_544 = arith.constant 7 : i32
        %add3A_545 = arith.addi %mul3A_543, %add3A_544 : i32
        %broadcast_in_dim3A_546 = vector.broadcast %add3A_545 : i32 to vector<16xi32>
        %gather3A_547 = tpu.vector_load_idx %arg10[%broadcast_in_dim3A_293, %broadcast_in_dim3A_546] : memref<250x80xf32, #tpu.memory_space<vmem>>[vector<16xi32>, vector<16xi32>], vector<16xf32>,
        %get3A_548 = arith.index_cast %add3A_545 : i32 to index
        %get3A_549 = arith.constant 0 : index
        %get3A_550 = tpu.vector_load %arg15[%get3A_548, %get3A_549] {strides = array<i32>} : memref<80x64xf32, #tpu.memory_space<vmem>>, vector<16xf32>,
        %mul3A_551 = arith.mulf %get3A_550, %gather3A_547 : vector<16xf32>
        %swap3A_552 = arith.index_cast %add3A_545 : i32 to index
        %swap3A_553 = arith.constant 0 : index
        %swap3A_554 = tpu.vector_load %arg15[%swap3A_552, %swap3A_553] {strides = array<i32>} : memref<80x64xf32, #tpu.memory_space<vmem>>, vector<16xf32>,
        tpu.vector_store %arg15[%swap3A_552, %swap3A_553], %mul3A_551 {strides = array<i32>} : memref<80x64xf32, #tpu.memory_space<vmem>>, vector<16xf32>,
        %get3A_555 = arith.index_cast %add3A_545 : i32 to index
        %get3A_556 = arith.constant 16 : index
        %get3A_557 = tpu.vector_load %arg15[%get3A_555, %get3A_556] {strides = array<i32>} : memref<80x64xf32, #tpu.memory_space<vmem>>, vector<16xf32>,
        %mul3A_558 = arith.mulf %get3A_557, %gather3A_547 : vector<16xf32>
        %swap3A_559 = arith.index_cast %add3A_545 : i32 to index
        %swap3A_560 = arith.constant 16 : index
        %swap3A_561 = tpu.vector_load %arg15[%swap3A_559, %swap3A_560] {strides = array<i32>} : memref<80x64xf32, #tpu.memory_space<vmem>>, vector<16xf32>,
        tpu.vector_store %arg15[%swap3A_559, %swap3A_560], %mul3A_558 {strides = array<i32>} : memref<80x64xf32, #tpu.memory_space<vmem>>, vector<16xf32>,
        %get3A_562 = arith.index_cast %add3A_545 : i32 to index
        %get3A_563 = arith.constant 32 : index
        %get3A_564 = tpu.vector_load %arg15[%get3A_562, %get3A_563] {strides = array<i32>} : memref<80x64xf32, #tpu.memory_space<vmem>>, vector<16xf32>,
        %mul3A_565 = arith.mulf %get3A_564, %gather3A_547 : vector<16xf32>
        %swap3A_566 = arith.index_cast %add3A_545 : i32 to index
        %swap3A_567 = arith.constant 32 : index
        %swap3A_568 = tpu.vector_load %arg15[%swap3A_566, %swap3A_567] {strides = array<i32>} : memref<80x64xf32, #tpu.memory_space<vmem>>, vector<16xf32>,
        tpu.vector_store %arg15[%swap3A_566, %swap3A_567], %mul3A_565 {strides = array<i32>} : memref<80x64xf32, #tpu.memory_space<vmem>>, vector<16xf32>,
        %get3A_569 = arith.index_cast %add3A_545 : i32 to index
        %get3A_570 = arith.constant 48 : index
        %get3A_571 = tpu.vector_load %arg15[%get3A_569, %get3A_570] {strides = array<i32>} : memref<80x64xf32, #tpu.memory_space<vmem>>, vector<16xf32>,
        %mul3A_572 = arith.mulf %get3A_571, %gather3A_547 : vector<16xf32>
        %swap3A_573 = arith.index_cast %add3A_545 : i32 to index
        %swap3A_574 = arith.constant 48 : index
        %swap3A_575 = tpu.vector_load %arg15[%swap3A_573, %swap3A_574] {strides = array<i32>} : memref<80x64xf32, #tpu.memory_space<vmem>>, vector<16xf32>,
        tpu.vector_store %arg15[%swap3A_573, %swap3A_574], %mul3A_572 {strides = array<i32>} : memref<80x64xf32, #tpu.memory_space<vmem>>, vector<16xf32>,
      }
      %scan3A_299 = arith.constant 10 : i32
      %dma_start3A_300 = arith.constant 0 : i32
      %dma_start3A_301 = tpu.memref_slice %arg8[%add3A_273, %dma_start3A_300] : memref<250x80xi32, #tpu.memory_space<vmem>> -> memref<1x80xi32, #tpu.memory_space<vmem>>
      %dma_start3A_302 = tpu.memref_squeeze %dma_start3A_301 : memref<1x80xi32, #tpu.memory_space<vmem>> -> memref<80xi32, #tpu.memory_space<vmem>>
      %dma_start3A_303 = arith.constant 0 : i32
      %dma_start3A_304 = arith.constant 0 : i32
      %dma_start3A_305 = tpu.memref_slice %arg16[%dma_start3A_303, %dma_start3A_304] : memref<10240x64xf32, #tpu.memory_space<vmem_shared>> -> memref<10240x64xf32, #tpu.memory_space<vmem_shared>>
      tpu.enqueue_indirect_dma source(%arg15 : memref<80x64xf32, #tpu.memory_space<vmem>>) target(%dma_start3A_305 : memref<10240x64xf32, #tpu.memory_space<vmem_shared>>) offsets(%dma_start3A_302 : memref<80xi32, #tpu.memory_space<vmem>>) semaphore(%arg26 : memref<!tpu.dma_semaphore, #tpu.memory_space<semaphore_mem>>) {add = true}
    }
    %scan3A_107 = arith.constant 50 : i32
    %dma_wait3A_108 = arith.constant 0 : i32
    %dma_wait3A_109 = arith.constant 0 : i32
    %dma_wait3A_110 = tpu.memref_slice %arg8[%dma_wait3A_108, %dma_wait3A_109] : memref<250x80xi32, #tpu.memory_space<vmem>> -> memref<1x80xi32, #tpu.memory_space<vmem>>
    %dma_wait3A_111 = tpu.memref_squeeze %dma_wait3A_110 : memref<1x80xi32, #tpu.memory_space<vmem>> -> memref<80xi32, #tpu.memory_space<vmem>>
    %dma_wait3A_112 = arith.constant 0 : i32
    %dma_wait3A_113 = arith.constant 0 : i32
    %dma_wait3A_114 = tpu.memref_slice %arg16[%dma_wait3A_112, %dma_wait3A_113] : memref<10240x64xf32, #tpu.memory_space<vmem_shared>> -> memref<10240x64xf32, #tpu.memory_space<vmem_shared>>
    tpu.wait_indirect_dma semaphore(%arg25 : memref<!tpu.dma_semaphore, #tpu.memory_space<semaphore_mem>>) src(%arg14 : memref<80x64xf32, #tpu.memory_space<vmem>>) dst(%dma_wait3A_114 : memref<10240x64xf32, #tpu.memory_space<vmem_shared>>)
    %dma_wait3A_115 = arith.constant 0 : i32
    %dma_wait3A_116 = arith.constant 0 : i32
    %dma_wait3A_117 = tpu.memref_slice %arg8[%dma_wait3A_115, %dma_wait3A_116] : memref<250x80xi32, #tpu.memory_space<vmem>> -> memref<1x80xi32, #tpu.memory_space<vmem>>
    %dma_wait3A_118 = tpu.memref_squeeze %dma_wait3A_117 : memref<1x80xi32, #tpu.memory_space<vmem>> -> memref<80xi32, #tpu.memory_space<vmem>>
    %dma_wait3A_119 = arith.constant 0 : i32
    %dma_wait3A_120 = arith.constant 0 : i32
    %dma_wait3A_121 = tpu.memref_slice %arg16[%dma_wait3A_119, %dma_wait3A_120] : memref<10240x64xf32, #tpu.memory_space<vmem_shared>> -> memref<10240x64xf32, #tpu.memory_space<vmem_shared>>
    tpu.wait_indirect_dma semaphore(%arg26 : memref<!tpu.dma_semaphore, #tpu.memory_space<semaphore_mem>>) src(%arg15 : memref<80x64xf32, #tpu.memory_space<vmem>>) dst(%dma_wait3A_121 : memref<10240x64xf32, #tpu.memory_space<vmem_shared>>)
    %barrier3A_122 = arith.constant 0 : index
    tpu.barrier barrier_id(%barrier3A_122)
    %mul3A_123 = arith.constant 640 : i32
    %mul3A_124 = arith.muli %arg1, %mul3A_123 : i32
    %mul3A_125 = arith.constant 640 : i32
    %mul3A_126 = arith.muli %arg1, %mul3A_125 : i32
    "tpu.region"() ({
      %run_scoped3A = tpu.sem_alloc : memref<!tpu.dma_semaphore, #tpu.memory_space<semaphore_mem>>
      %dma_start3A_127 = arith.constant 0 : i32
      %dma_start3A_128 = tpu.memref_slice %arg7[%arg0, %mul3A_126, %dma_start3A_127] : memref<2x10240x64xf32, #tpu.memory_space<hbm>> -> memref<1x640x64xf32, #tpu.memory_space<hbm>>
      %dma_start3A_129 = tpu.memref_squeeze %dma_start3A_128 : memref<1x640x64xf32, #tpu.memory_space<hbm>> -> memref<640x64xf32, #tpu.memory_space<hbm>>
      %dma_start3A_130 = arith.constant 0 : i32
      %dma_start3A_131 = tpu.memref_slice %arg16[%mul3A_124, %dma_start3A_130] : memref<10240x64xf32, #tpu.memory_space<vmem_shared>> -> memref<640x64xf32, #tpu.memory_space<vmem_shared>>
      tpu.enqueue_dma source(%dma_start3A_131 : memref<640x64xf32, #tpu.memory_space<vmem_shared>>) target(%dma_start3A_129 : memref<640x64xf32, #tpu.memory_space<hbm>>) target_semaphore(%run_scoped3A : memref<!tpu.dma_semaphore, #tpu.memory_space<semaphore_mem>>)
      %dma_wait3A_132 = arith.constant 0 : i32
      %dma_wait3A_133 = tpu.memref_slice %arg7[%arg0, %mul3A_126, %dma_wait3A_132] : memref<2x10240x64xf32, #tpu.memory_space<hbm>> -> memref<1x640x64xf32, #tpu.memory_space<hbm>>
      %dma_wait3A_134 = tpu.memref_squeeze %dma_wait3A_133 : memref<1x640x64xf32, #tpu.memory_space<hbm>> -> memref<640x64xf32, #tpu.memory_space<hbm>>
      %dma_wait3A_135 = arith.constant 0 : i32
      %dma_wait3A_136 = tpu.memref_slice %arg16[%mul3A_124, %dma_wait3A_135] : memref<10240x64xf32, #tpu.memory_space<vmem_shared>> -> memref<640x64xf32, #tpu.memory_space<vmem_shared>>
      tpu.wait_dma2 semaphore(%run_scoped3A : memref<!tpu.dma_semaphore, #tpu.memory_space<semaphore_mem>>) src(%dma_wait3A_136 : memref<640x64xf32, #tpu.memory_space<vmem_shared>>) dst(%dma_wait3A_134 : memref<640x64xf32, #tpu.memory_space<hbm>>)
      tpu.yield
    }) : () -> ()
    return
  }
}

</mosaic_0001>

<sc_bundles>
// kernel: kernel.3.cloned.1.call-start
scs
__scs_entry_jumppad:
0x0: {  	(pc) =	sbr.rel $0x88, $3  }
0x1: {  	(tag) =	ssettag $0x0;
	lr =	simm.s32 $0x1  }
0x2: {  	[smem:$0x3F9E] =	sst lr;
	_ =	strace $0xD0000000  }
0x3: {  	_ = 	snop  }
0x4: {  	_ = 	snop  }
0x5: {  	_ = 	snop  }
0x6: {  	_ = 	snop  }
0x7: {  	_ = 	snop  }
__scs_overlays_trampoline_lowered:
0x8: {  	[smem:$0x3FAD] =	sst s0  }
0x9: {  	[smem:$0x3FAE] =	sst s1  }
0xa: {  	[smem:$0x3FAF] =	sst s2  }
0xb: {  	[smem:$0x3FB0] =	sst s3  }
0xc: {  	[smem:$0x3FB1] =	sst s4  }
0xd: {  	[smem:$0x3FB2] =	sst s5  }
0xe: {  	[smem:$0x3FB3] =	sst s6  }
0xf: {  	[smem:$0x3FB4] =	sst s7  }
0x10: {  	[smem:$0x3FB5] =	sst s8  }
0x11: {  	[smem:$0x3FB6] =	sst s9;
	s0 =	simm.s32 @!p0 $0x0  }
0x12: {  	s1 =	sld [smem:$0x3F9C];
	s0 =	simm.s32 @p0 $0x1  }
0x13: {  	[smem:$0x3FB7] =	sst s0;
	s0 =	simm.s32 @!p1 $0x0  }
0x14: {  	s2 =	sld [smem:$0x3F9B];
	s0 =	simm.s32 @p1 $0x1  }
0x15: {  	[smem:$0x3FB8] =	sst s0;
	s0 =	simm.s32 @!p2 $0x0  }
0x16: {  	s3 =	sld [smem:$0x3FDB];
	s0 =	simm.s32 @p2 $0x1  }
0x17: {  	s4 =	simm.s32 $0x1BF5;
	[smem:$0x3FBA] =	sst s0  }
0x18: {  	s0 =	sld [smem:$0x3F9D];
	_ =	swait.ge [sflag:s4], $0x0  }
0x19: {  	s7 =	sld [smem:$0x3F9E]  }
0x1a: {  	s8 =	sadd.s32 $0xFFFFE003, lr  }
0x1b: {  	s9 =	sadd.s32 $0xFFFFFEF7, lr;
	s5 =	simm.s32 $0xFFFFFFFF;
	p2 =	slt.u32 s8, $0xFFFFF086  }
0x1c: {  	p1 =	slt.u32 s9, $0xF7A;
	s5 =	simm.s32 @!p2 $0x0  }
0x1d: {  	s5 =	simm.s32 @p1 $0x1;
	p0 =	seq.s32 s7, s2  }
0x1e: {  	s7 =	smul.u32 @!p0 $0xF7A, s2;
	p2 =	seq.s32 @!p0 s5, $0x0  }
0x1f: {  	s9 =	smul.u32 $0xF7A, s1;
	s8 =	simm.s32 @!p0 $0x1BF5;
	p2 =	por !p2, p0  }
0x20: {  	[sflag:s8] =	ssyncset.s32 @!p0 $0xFFFFF086;
	s6 =	sadd.s32 @!p0 s3, s7;
	s7 =	simm.s32 @!p0 $0x108  }
0x21: {  	s3 =	sadd.s32 s3, s9;
	s6 =	sadd.s32 @!p0 $0x88, s6;
	s7 =	simm.s32 @p2 $0x1082  }
0x22: {  	[simem:s7], [sflag:s8] =	dma.local @!p0 [hbm:s6], $0xF7A  }
0x23: {  	s9 =	sor.u32 $0xD0000000, s2;
	s6 =	simm.s32 $0x108;
	_ =	swait.ge @!p0 [sflag:s8], $0x0  }
0x24: {  	s3 =	sadd.s32 $0x88, s3;
	s6 =	simm.s32 @!p1 $0x1082;
	[sflag:s4] =	ssyncset.s32 $0xFFFFF086  }
0x25: {  	[simem:s6], [sflag:s4] =	dma.local [hbm:s3], $0xF7A  }
0x26: {  	[smem:$0x3F9E] =	sst s1;
	(tag) =	ssettag s2;
	_ =	strace s9  }
0x27: {  	s1 =	sld [smem:$0x3FAE]  }
0x28: {  	s2 =	sld [smem:$0x3FAF]  }
0x29: {  	s4 =	sld [smem:$0x3FB1]  }
0x2a: {  	p0 =	seq.s32 s5, $0x0;
	s5 =	sld [smem:$0x3FB2]  }
0x2b: {  	s6 =	sld [smem:$0x3FB3]  }
0x2c: {  	s7 =	sld [smem:$0x3FB4]  }
0x2d: {  	s3 =	simm.s32 $0x108;
	s8 =	sld [smem:$0x3FB5]  }
0x2e: {  	s3 =	simm.s32 @!p0 $0x1082;
	s9 =	sld [smem:$0x3FB6]  }
0x2f: {  	lr =	sadd.s32 s0, s3;
	s0 =	sld [smem:$0x3FAD]  }
0x30: {  	s3 =	sld [smem:$0x3FB0]  }
0x31: {  	[smem:$0x3FB9] =	sst s10  }
0x32: {  	s10 =	sld [smem:$0x3FB7];
	_ =	sdelay $0x3  }
0x33: {  	p0 =	seq.s32 s10, $0x1;
	s10 =	sld [smem:$0x3FB9];
	_ =	sdelay $0x3  }
0x34: {  	[smem:$0x3FB9] =	sst s10  }
0x35: {  	s10 =	sld [smem:$0x3FB8];
	_ =	sdelay $0x3  }
0x36: {  	p1 =	seq.s32 s10, $0x1;
	s10 =	sld [smem:$0x3FB9];
	_ =	sdelay $0x3  }
0x37: {  	[smem:$0x3FB9] =	sst s10  }
0x38: {  	s10 =	sld [smem:$0x3FBA]  }
0x39: {  	_ = 	snop;
	(pc) =	sbr.ind lr, $3  }
0x3a: {  	_ = 	snop  }
0x3b: {  	_ = 	snop  }
0x3c: {  	p2 =	seq.s32 s10, $0x1;
	s10 =	sld [smem:$0x3FB9]  }
0x3d: {  	_ =	shalt  }
0x3e: {  	_ =	shalt  }
0x3f: {  	_ =	shalt  }
0x40: {  	_ =	shalt  }
0x41: {  	_ =	shalt  }
0x42: {  	_ =	shalt  }
0x43: {  	_ =	shalt  }
0x44: {  	_ =	shalt  }
0x45: {  	_ =	shalt  }
0x46: {  	_ =	shalt  }
0x47: {  	_ =	shalt  }
0x48: {  	_ =	shalt  }
0x49: {  	_ =	shalt  }
0x4a: {  	_ =	shalt  }
0x4b: {  	_ =	shalt  }
0x4c: {  	_ =	shalt  }
0x4d: {  	_ =	shalt  }
0x4e: {  	_ =	shalt  }
0x4f: {  	_ =	shalt  }
0x50: {  	_ =	shalt  }
0x51: {  	_ =	shalt  }
0x52: {  	_ =	shalt  }
0x53: {  	_ =	shalt  }
0x54: {  	_ =	shalt  }
0x55: {  	_ =	shalt  }
0x56: {  	_ =	shalt  }
0x57: {  	_ =	shalt  }
0x58: {  	_ =	shalt  }
0x59: {  	_ =	shalt  }
0x5a: {  	_ =	shalt  }
0x5b: {  	_ =	shalt  }
0x5c: {  	_ =	shalt  }
0x5d: {  	_ =	shalt  }
0x5e: {  	_ =	shalt  }
0x5f: {  	_ =	shalt  }
0x60: {  	_ =	shalt  }
0x61: {  	_ =	shalt  }
0x62: {  	_ =	shalt  }
0x63: {  	_ =	shalt  }
0x64: {  	_ =	shalt  }
0x65: {  	_ =	shalt  }
0x66: {  	_ =	shalt  }
0x67: {  	_ =	shalt  }
0x68: {  	_ =	shalt  }
0x69: {  	_ =	shalt  }
0x6a: {  	_ =	shalt  }
0x6b: {  	_ =	shalt  }
0x6c: {  	_ =	shalt  }
0x6d: {  	_ =	shalt  }
0x6e: {  	_ =	shalt  }
0x6f: {  	_ =	shalt  }
0x70: {  	_ =	shalt  }
0x71: {  	_ =	shalt  }
0x72: {  	_ =	shalt  }
0x73: {  	_ =	shalt  }
0x74: {  	_ =	shalt  }
0x75: {  	_ =	shalt  }
0x76: {  	_ =	shalt  }
0x77: {  	_ =	shalt  }
0x78: {  	_ =	shalt  }
0x79: {  	_ =	shalt  }
0x7a: {  	_ =	shalt  }
0x7b: {  	_ =	shalt  }
0x7c: {  	_ =	shalt  }
0x7d: {  	_ =	shalt  }
0x7e: {  	_ =	shalt  }
0x7f: {  	_ =	shalt  }
0x80: {  	_ =	shalt  }
0x81: {  	_ =	shalt  }
0x82: {  	_ =	shalt  }
0x83: {  	_ =	shalt  }
0x84: {  	_ =	shalt  }
0x85: {  	_ =	shalt  }
0x86: {  	_ =	shalt  }
0x87: {  	_ =	shalt  }
.Lfunc_end0:
.L_simem_size_0:
called_computation_lowered:
.L_overlay_start_0:
0x88: {  	s2 =	sld [smem:$0x3FD9]  }
0x89: {  	s3 =	sld [smem:$0x3FFE];
	_ =	sdelay $0x1  }
0x8a: {  	s1 =	srdreg.scid  }
0x8b: {  	s0 =	sand.u32 $0x1, s1  }
0x8c: {  	s17 =	sshll.u32 s0, $0xA;
	s2 =	sadd.s32 s3, s2  }
0x8d: {  	s2 =	sadd.s32 s2, s17  }
0x8e: {  	[smem:$0x3FC5] =	sst s2  }
0x8f: {  	_ = 	snop  }
0x90: {  	s2 =	sld [smem:$0x3FC7]  }
0x91: {  	s18 =	sld [smem:$0x3FD0];
	(tm) =	ssettm $0x1  }
0x92: {  	s4 =	sld [smem:$0x3FFB];
	_ =	sdelay $0x3  }
0x93: {  	_ =	strace s4  }
0x94: {  	s4 =	sld [smem:$0x3FFC];
	_ =	sdelay $0x3  }
0x95: {  	_ =	strace s4  }
0x96: {  	s4 =	sld [smem:$0x3FFD];
	_ =	sdelay $0x3  }
0x97: {  	_ =	strace s4  }
0x98: {  	_ =	strace $0x8FFFFFFF  }
0x99: {  	s19 =	sld [smem:$0x3FDB];
	_ =	sdelay $0x1  }
0x9a: {  	s5 =	simm.s32 $_scs_section_size  }
0x9b: {  	s6 =	simm.s32 $_size__tile_overlayer_lowered;
	s7 =	simm.s32 $_tile_overlayer_lowered  }
0x9c: {  	s22 =	simm.s32 $0x1BFF;
	s21 =	sshll.u32 s7, $0x1;
	s4 =	sadd.s32 s5, s19  }
0x9d: {  	s8 =	simm.s32 $0x0;
	s20 =	sshll.u32 s6, $0x1;
	s6 =	sadd.s32 s21, s4  }
0x9e: {  	[timem:s8], [sflag:s22] =	dma.local [hbm:s6], s20  }
0x9f: {  	_ =	swait.ge [sflag:s22], s20  }
0xa0: {  	s5 =	ssub.s32 $0x0, s20;
	[sflag:s22] =	ssyncset.done $0x0  }
0xa1: {  	[sflag:s22] =	ssyncadd.s32 s5;
	_ =	sdelay $0x1  }
0xa2: {  	s23 =	simm.s32 $0x1B8B  }
0xa3: {  	_ =	swait.ge [sflag:s23], $0x1  }
0xa4: {  	[sflag:s23] =	ssyncset.done $0x0  }
0xa5: {  	s25 =	simm.s32 $0x1B8E;
	s24 =	sld [smem:$0x3FFE];
	[sflag:s23] =	ssyncadd.s32 $0xFFFFFFFF  }
0xa6: {  	s26 =	simm.s32 $execute0_lowered;
	[smem:$0x3FD2] =	sst s25  }
0xa7: {  	s6 =	sshll.u32 s26, $0x1;
	_ =	strace $0x80000046;
	[dreg:$0x1] =	wrdreg $0xFFFFFFFF  }
0xa8: {  	s28 =	simm.s32 $_size_execute0_lowered;
	s4 =	sadd.s32 s4, s6;
	[dreg:$0x0] =	wrdreg $0x0  }
0xa9: {  	s6 =	sshll.u32 s28, $0x1;
	[dreg:$0x2] =	wrdreg s4  }
0xaa: {  	[dreg:$0x3] =	wrdreg s6  }
0xab: {  	[dreg:$0x4] =	wrdreg $0xC0  }
0xac: {  	_ =	task [dreg:s8], $0x5FFFF  }
0xad: {  	[dreg:$0x1] =	wrdreg $0xFFFFFFFF  }
0xae: {  	[dreg:$0x0] =	wrdreg $0x60  }
0xaf: {  	[dreg:$0x2] =	wrdreg s18  }
0xb0: {  	[dreg:$0x3] =	wrdreg s24  }
0xb1: {  	[dreg:$0x4] =	wrdreg s2  }
0xb2: {  	[dreg:$0x5] =	wrdreg $0x14E600  }
0xb3: {  	[dreg:$0x6] =	wrdreg $0x9  }
0xb4: {  	_ =	task.clear_ibuf [dreg:s8], $0x7FFFF;
	_ =	strace $0x90000046  }
0xb5: {  	s29 =	simm.s32 $0x9;
	_ =	strace $0x80000048  }
0xb6: {  	_ =	swait.ge [sflag:s29], $0x1  }
0xb7: {  	[sflag:s29] =	ssyncadd.s32 $0xFFFFFFFF  }
0xb8: {  	_ =	strace $0x90000048  }
0xb9: {  	_ =	sfence  }
0xba: {  	s30 =	sld [smem:$0x0];
	_ =	sdelay $0x2  }
0xbb: {  	s31 =	sshll.u32 s1, $0xD;
	s1 =	sshrl.u32 s1, $0x2  }
0xbc: {  	s3 =	sand.u32 $0x4000, s31;
	s1 =	sadd.s32 s1, s30  }
0xbd: {  	s0 =	sor.u32 s3, s0;
	s1 =	sshll.u32 s1, $0x11  }
0xbe: {  	s0 =	sor.u32 s1, s0  }
0xbf: {  	s0 =	sadd.s32 $0x8F2B, s0  }
0xc0: {  	[sflag:s0] =	ssyncadd.remote.s32 $0x1  }
0xc1: {  	_ =	sfence.sel $0xFFFF  }
0xc2: {  	[dreg:$0x0] =	wrdreg $0xFFFFFFFF;
	(pc) =	sbr.abs _section_cstart, $3  }
0xc3: {  	[dreg:$0x1] =	wrdreg $0xFFFFFFFF  }
0xc4: {  	_ =	task.clear_ibuf [dreg:s8], $0x2FFFF;
	_ =	strace $0x9FFFFFFF  }
0xc5: {  	(tm) =	ssettm $0x7FFFFFFF  }
tec
execute0_lowered:
.L_overlay_start_1:
0x0: {  	(tag) =	ssettag $0x1  }
0x1: {  	s1 =	rddreg [dreg:$0x0]  }
0x2: {  	s0 =	rddreg [dreg:$0x1]  }
0x3: {  	s2 =	rddreg [dreg:$0x2]  }
0x4: {  	s3 =	rddreg [dreg:$0x3]  }
0x5: {  	s9 =	stileid.u32;
	s4 =	srdreg.scid;
	s6 =	simm.s32 $0x0  }
0x6: {  	s28 =	simm.s32 $0xFE60;
	s30 =	simm.s32 $0x11260;
	s5 =	smul.u32 $0xA000, s9  }
0x7: {  	s31 =	simm.s32 $0x12660;
	s29 =	simm.s32 $0x7;
	s7 =	smul.u32 $0x9C4, s9  }
0x8: {  	s4 =	sand.u32 $0x1, s4;
	[smem:$0x7FF] =	sst s6;
	s9 =	smul.u32 $0x28000, s9  }
0x9: {  	_ =	strace $0x80000047;
	s8 =	ssub.s32 $0x2, s4;
	s10 =	sadd.s32 s7, s0  }
0xa: {  	s11 =	sshrl.u32 s8, $0x1;
	s16 =	sshrl.u32 s9, $0x2;
	s2 =	sadd.s32 s2, s7  }
0xb: {  	s15 =	ssub.s32 s8, s11;
	s17 =	sadd.s32 $0x400, s10;
	[dreg:$0x6] =	wrdreg s2  }
0xc: {  	s18 =	sadd.s32 s16, s3;
	s8 =	sadd.s32 s5, s3;
	[dreg:$0x5] =	wrdreg s17  }
0xd: {  	s14 =	smul.u32 $0xA0000, s4;
	s19 =	sadd.s32 $0x1400, s18;
	[dreg:$0x7] =	wrdreg s8  }
0xe: {  	p0 =	seq.s32 s4, $0x1;
	s20 =	sadd.s32 $0x2800, s18;
	[dreg:$0x8] =	wrdreg s19  }
0xf: {  	s9 =	simm.s32 $0x4E20;
	s21 =	sadd.s32 $0x3C00, s18;
	[dreg:$0x9] =	wrdreg s20  }
0x10: {  	s6 =	sadd.s32 s5, s14;
	s22 =	sadd.s32 $0x5000, s18;
	[dreg:$0xa] =	wrdreg s21  }
0x11: {  	s2 =	simm.s32 $0x14000;
	s23 =	sadd.s32 $0x6400, s18;
	[dreg:$0xb] =	wrdreg s22  }
0x12: {  	s5 =	simm.s32 $0x5;
	s24 =	sadd.s32 $0x7800, s18;
	[dreg:$0xc] =	wrdreg s23  }
0x13: {  	s6 =	sshrl.u32 s6, $0x3;
	s4 =	sadd.s32 $0x8C00, s18;
	[dreg:$0xd] =	wrdreg s24  }
0x14: {  	s2 =	simm.s32 @!p0 $0xA200;
	s25 =	smax.u32 s15, $0x1;
	[dreg:$0xe] =	wrdreg s4  }
0x15: {  	s18 =	simm.s32 $0x8;
	s0 =	sadd.s32 s6, s0;
	[dreg:$0x10] =	wrdreg s25  }
0x16: {  	s26 =	sadd.s32 s2, s10;
	s19 =	simm.s32 $0x9C40;
	s20 =	simm.s32 $0xEA60  }
0x17: {  	s10 =	simm.s32 $0xB;
	s22 =	simm.s32 $0x1;
	s23 =	simm.s32 $0x2  }
0x18: {  	s24 =	simm.s32 $0x3;
	s25 =	simm.s32 $0x50;
	s2 =	simm.s32 $0x4  }
0x19: {  	v1 =	vimm.s32 $0x0;
	vm0 =	vcmask $0x300;
	s6 =	simm.s32 $0x0;
	s0 =	sadd.s32 $0x1DE00, s0;
	[dreg:$0x11] =	wrdreg s26  }
0x1a: {  	v0 =	vimm.f32 $0.0e+00;
	v1 =	vsel vm0, $0x3, v1;
	s26 =	simm.s32 $0x6;
	[dreg:$0xf] =	wrdreg s0;
	s0 =	simm.s32 $0x13A60  }
.LBB2_1:
0x1b: {  	s4 =	simm.s32 $0x0;
	s16 =	rddreg [dreg:$0x5]  }
0x1c: {  	[tilespmem:s4], [sflag:$0x1] =	stream.linear.gather [hbm4b:s16+s4], $0x4E20, $0x38;
	[tilespmem:$0x1EE60] =	vst v63  }
0x1d: {  	s17 =	rddreg [dreg:$0x11]  }
0x1e: {  	[tilespmem:s9], [sflag:$0x2] =	stream.linear.gather [hbm4b:s17+s4], $0x4E20, $0x38;
	[tilespmem:$0x1EE60] =	vst v63  }
0x1f: {  	s21 =	rddreg [dreg:$0x6]  }
0x20: {  	[tilespmem:s19], [sflag:$0x3] =	stream.linear.gather [hbm4b:s21+s4], $0x4E20, $0x38;
	[tilespmem:$0x1EE60] =	vst v63  }
0x21: {  	[dreg:$0x12] =	wrdreg s6;
	s6 =	simm.s32 $0x100;
	s4 =	simm.s32 $0x0  }
.LBB2_2:
0x22: {  	p0 =	sne.s32 s6, $0x4F00;
	[tilespmem:s4+$0xEA90] =	vst v0;
	s7 =	smov.u32 s6;
	s6 =	sadd.s32 $0x100, s6  }
.Ltmp0:
0x23: {  	[tilespmem:s4+$0xEA80] =	vst v0;
	(pc) =	sbr.rel @p0 .LBB2_2-.Ltmp0, $3  }
0x24: {  	[tilespmem:s4+$0xEA60] =	vst v0  }
0x25: {  	[tilespmem:s4+$0xEA70] =	vst v0;
	_ =	sdelay $0x1  }
0x26: {  	s4 =	sshra.s32 s7, $0x2  }
0x27: {  	[tilespmem:s4+$0xEA90] =	vst v0  }
0x28: {  	[tilespmem:s4+$0xEA80] =	vst v0  }
0x29: {  	[tilespmem:s4+$0xEA60] =	vst v0  }
0x2a: {  	[tilespmem:s4+$0xEA70] =	vst v0  }
0x2b: {  	[spmem:s8] =	stream.linear.scatter [tilespmem:s20], [sflag:$0xB], $0x1400, $0x38;
	[tilespmem:$0x1EE60] =	vst v63  }
0x2c: {  	_ =	swait.ge [sflag:s10], $0x1400  }
0x2d: {  	[sflag:s10] =	ssyncset.done $0x0  }
0x2e: {  	s8 =	rddreg [dreg:$0x8];
	[sflag:s10] =	ssyncadd.s32 $0xFFFFEC00  }
0x2f: {  	[spmem:s8] =	stream.linear.scatter [tilespmem:s20], [sflag:$0xB], $0x1400, $0x38;
	[tilespmem:$0x1EE60] =	vst v63  }
0x30: {  	_ =	swait.ge [sflag:s10], $0x1400  }
0x31: {  	[sflag:s10] =	ssyncset.done $0x0  }
0x32: {  	s11 =	rddreg [dreg:$0x9];
	[sflag:s10] =	ssyncadd.s32 $0xFFFFEC00  }
0x33: {  	[spmem:s11] =	stream.linear.scatter [tilespmem:s20], [sflag:$0xB], $0x1400, $0x38;
	[tilespmem:$0x1EE60] =	vst v63  }
0x34: {  	_ =	swait.ge [sflag:s10], $0x1400  }
0x35: {  	[sflag:s10] =	ssyncset.done $0x0  }
0x36: {  	s12 =	rddreg [dreg:$0xa];
	[sflag:s10] =	ssyncadd.s32 $0xFFFFEC00  }
0x37: {  	[spmem:s12] =	stream.linear.scatter [tilespmem:s20], [sflag:$0xB], $0x1400, $0x38;
	[tilespmem:$0x1EE60] =	vst v63  }
0x38: {  	_ =	swait.ge [sflag:s10], $0x1400  }
0x39: {  	[sflag:s10] =	ssyncset.done $0x0  }
0x3a: {  	s13 =	rddreg [dreg:$0xb];
	[sflag:s10] =	ssyncadd.s32 $0xFFFFEC00  }
0x3b: {  	[spmem:s13] =	stream.linear.scatter [tilespmem:s20], [sflag:$0xB], $0x1400, $0x38;
	[tilespmem:$0x1EE60] =	vst v63  }
0x3c: {  	_ =	swait.ge [sflag:s10], $0x1400  }
0x3d: {  	[sflag:s10] =	ssyncset.done $0x0  }
0x3e: {  	s14 =	rddreg [dreg:$0xc];
	[sflag:s10] =	ssyncadd.s32 $0xFFFFEC00  }
0x3f: {  	[spmem:s14] =	stream.linear.scatter [tilespmem:s20], [sflag:$0xB], $0x1400, $0x38;
	[tilespmem:$0x1EE60] =	vst v63  }
0x40: {  	_ =	swait.ge [sflag:s10], $0x1400  }
0x41: {  	[sflag:s10] =	ssyncset.done $0x0  }
0x42: {  	s15 =	rddreg [dreg:$0xd];
	[sflag:s10] =	ssyncadd.s32 $0xFFFFEC00  }
0x43: {  	[spmem:s15] =	stream.linear.scatter [tilespmem:s20], [sflag:$0xB], $0x1400, $0x38;
	[tilespmem:$0x1EE60] =	vst v63  }
0x44: {  	_ =	swait.ge [sflag:s10], $0x1400  }
0x45: {  	[sflag:s10] =	ssyncset.done $0x0  }
0x46: {  	s16 =	rddreg [dreg:$0xe];
	[sflag:s10] =	ssyncadd.s32 $0xFFFFEC00  }
0x47: {  	[spmem:s16] =	stream.linear.scatter [tilespmem:s20], [sflag:$0xB], $0x1400, $0x38;
	[tilespmem:$0x1EE60] =	vst v63  }
0x48: {  	_ =	swait.ge [sflag:s10], $0x1400  }
0x49: {  	[sflag:s10] =	ssyncset.done $0x0  }
0x4a: {  	[sflag:s10] =	ssyncadd.s32 $0xFFFFEC00  }
0x4b: {  	_ =	swait.ge [sflag:s22], $0x4E20  }
0x4c: {  	[sflag:s22] =	ssyncset.done $0x0  }
0x4d: {  	[sflag:s22] =	ssyncadd.s32 $0xFFFFB1E0  }
0x4e: {  	_ =	swait.ge [sflag:s23], $0x4E20  }
0x4f: {  	[sflag:s23] =	ssyncset.done $0x0  }
0x50: {  	[sflag:s23] =	ssyncadd.s32 $0xFFFFB1E0  }
0x51: {  	_ =	swait.ge [sflag:s24], $0x4E20  }
0x52: {  	[sflag:s24] =	ssyncset.done $0x0  }
0x53: {  	[sflag:s24] =	ssyncadd.s32 $0xFFFFB1E0  }
0x54: {  	[bflag:$0x0] =	sbarrier.arrive $0xFFFF  }
0x55: {  	[tilespmem:s20], [sflag:$0x1] =	stream.indirect.gather [hbm4b:s1+s25], $0x40, s9, s25, $0xb8;
	[tilespmem:$0x1EE60] =	vst v63  }
0x56: {  	s17 =	simm.s32 $0x4E70  }
0x57: {  	[tilespmem:s28], [sflag:$0x2] =	stream.indirect.gather [hbm4b:s1+s25], $0x40, s17, s25, $0xb8;
	[tilespmem:$0x1EE60] =	vst v63  }
0x58: {  	s21 =	simm.s32 $0x4EC0;
	s10 =	simm.s32 $0x0  }
0x59: {  	[tilespmem:s30], [sflag:$0x3] =	stream.indirect.gather [hbm4b:s1+s25], $0x40, s21, s25, $0xb8;
	[tilespmem:$0x1EE60] =	vst v63  }
.LBB2_4:
0x5a: {  	s15 =	smul.u32 $0x5, s10  }
0x5b: {  	s4 =	simm.s32 $0x0  }
0x5c: {  	p0 =	seq.s32 s10, $0x0;
	v3 =	vmov s4;
	v2 =	vmov s15;
	s13 =	sadd.s32 $0x3, s15  }
0x5d: {  	s4 =	simm.s32 @!p0 $0x9;
	v3 =	vshrl.u32 v3, $0x3;
	v2 =	vmul.u32 $0x50, v2;
	s6 =	smul.u32 $0x140, s13  }
0x5e: {  	_ =	swait.ge @!p0 [sflag:s4], $0x1400;
	v3 =	vshll.u32 v3, v1  }
0x5f: {  	[sflag:s4] =	ssyncset.done @!p0 $0x0;
	v3 =	vadd.s32 v2, v3;
	s11 =	sshra.s32 s6, $0x2  }
0x60: {  	[sflag:s4] =	ssyncadd.s32 @!p0 $0xFFFFEC00;
	v3 =	vbroadcast v3, $0x0;
	s8 =	sadd.s32 $0x4E20, s11  }
0x61: {  	[tilespmem:s31], [sflag:$0x4] =	stream.indirect.gather [hbm4b:s1+s25], $0x40, s8, s25, $0xb8;
	[tilespmem:$0x1EE60] =	vst v63  }
0x62: {  	_ =	swait.ge [sflag:s22], $0x1400  }
0x63: {  	[sflag:s22] =	ssyncset.done $0x0  }
0x64: {  	s12 =	simm.s32 $0xEB60;
	[sflag:s22] =	ssyncadd.s32 $0xFFFFEC00  }
0x65: {  	v5 =	vld [tilespmem:s12+$0xFFFFFF10]  }
0x66: {  	s9 =	simm.s32 $0x1;
	v4 =	vld.idx.msk [tilespmem:v3+s19+$0x0], $0xffff  }
0x67: {  	v6 =	vld [tilespmem:s12+$0xFFFFFF30];
	v3 =	vmov s9  }
0x68: {  	v8 =	vld [tilespmem:s12+$0xFFFFFF00];
	v7 =	vshrl.u32 v3, $0x3  }
0x69: {  	v9 =	vld [tilespmem:s12+$0xFFFFFF20];
	v3 =	vor.u32 $0x1, v2;
	v7 =	vshll.u32 v7, v1  }
0x6a: {  	v7 =	vadd.s32 v7, v3  }
0x6b: {  	v7 =	vbroadcast v7, $0x0;
	v5 =	vmul.f32 v5, v4  }
0x6c: {  	v6 =	vmul.f32 v6, v4  }
0x6d: {  	v8 =	vmul.f32 v8, v4;
	[tilespmem:s12+$0xFFFFFF10] =	vst v5  }
0x6e: {  	v4 =	vmul.f32 v9, v4;
	[tilespmem:s12+$0xFFFFFF30] =	vst v6  }
0x6f: {  	[tilespmem:s12+$0xFFFFFF00] =	vst v8  }
0x70: {  	v10 =	vld [tilespmem:s12+$0xFFFFFF50];
	[tilespmem:s12+$0xFFFFFF20] =	vst v4  }
0x71: {  	s14 =	simm.s32 $0x2;
	v5 =	vld.idx.msk [tilespmem:v7+s19+$0x0], $0xffff  }
0x72: {  	v4 =	vmov s14;
	v6 =	vld [tilespmem:s12+$0xFFFFFF70]  }
0x73: {  	v8 =	vld [tilespmem:s12+$0xFFFFFF60];
	v7 =	vshrl.u32 v4, $0x3  }
0x74: {  	v9 =	vld [tilespmem:s12+$0xFFFFFF40];
	v4 =	vor.u32 $0x2, v2;
	v7 =	vshll.u32 v7, v1  }
0x75: {  	v7 =	vadd.s32 v7, v4  }
0x76: {  	v7 =	vbroadcast v7, $0x0;
	v10 =	vmul.f32 v10, v5  }
0x77: {  	v6 =	vmul.f32 v6, v5  }
0x78: {  	v8 =	vmul.f32 v8, v5;
	[tilespmem:s12+$0xFFFFFF50] =	vst v10  }
0x79: {  	v5 =	vmul.f32 v9, v5;
	[tilespmem:s12+$0xFFFFFF70] =	vst v6  }
0x7a: {  	[tilespmem:s12+$0xFFFFFF60] =	vst v8  }
0x7b: {  	v11 =	vld [tilespmem:s12+$0xFFFFFF80];
	[tilespmem:s12+$0xFFFFFF40] =	vst v5  }
0x7c: {  	s16 =	simm.s32 $0x3;
	v6 =	vld.idx.msk [tilespmem:v7+s19+$0x0], $0xffff  }
0x7d: {  	v5 =	vmov s16;
	v7 =	vld [tilespmem:s12+$0xFFFFFFB0]  }
0x7e: {  	v12 =	vld [tilespmem:s12+$0xFFFFFF90];
	v8 =	vshrl.u32 v5, $0x3  }
0x7f: {  	v9 =	vld [tilespmem:s12+$0xFFFFFFA0];
	v5 =	vor.u32 $0x3, v2;
	v8 =	vshll.u32 v8, v1  }
0x80: {  	v8 =	vadd.s32 v8, v5  }
0x81: {  	v8 =	vbroadcast v8, $0x0;
	v10 =	vmul.f32 v11, v6  }
0x82: {  	v7 =	vmul.f32 v7, v6  }
0x83: {  	v11 =	vmul.f32 v12, v6;
	[tilespmem:s12+$0xFFFFFF80] =	vst v10  }
0x84: {  	v6 =	vmul.f32 v9, v6;
	[tilespmem:s12+$0xFFFFFFB0] =	vst v7  }
0x85: {  	[tilespmem:s12+$0xFFFFFF90] =	vst v11  }
0x86: {  	v10 =	vld [tilespmem:s12+$0xFFFFFFF0];
	[tilespmem:s12+$0xFFFFFFA0] =	vst v6  }
0x87: {  	s17 =	simm.s32 $0x4;
	v6 =	vld.idx.msk [tilespmem:v8+s19+$0x0], $0xffff  }
0x88: {  	v7 =	vmov s17;
	v8 =	vld [tilespmem:s12+$0xFFFFFFE0]  }
0x89: {  	v9 =	vld [tilespmem:s12+$0xFFFFFFD0];
	v11 =	vshrl.u32 v7, $0x3  }
0x8a: {  	v12 =	vld [tilespmem:s12+$0xFFFFFFC0];
	v7 =	vor.u32 $0x4, v2;
	v11 =	vshll.u32 v11, v1  }
0x8b: {  	v11 =	vadd.s32 v11, v7  }
0x8c: {  	v13 =	vbroadcast v11, $0x0;
	v10 =	vmul.f32 v10, v6  }
0x8d: {  	v8 =	vmul.f32 v8, v6  }
0x8e: {  	v9 =	vmul.f32 v9, v6;
	[tilespmem:s12+$0xFFFFFFF0] =	vst v10  }
0x8f: {  	s21 =	simm.s32 $0x5;
	v14 =	vld [tilespmem:s12+$0x20];
	v6 =	vmul.f32 v12, v6;
	[tilespmem:s12+$0xFFFFFFE0] =	vst v8  }
0x90: {  	v15 =	vld [tilespmem:s12+$0x10];
	v8 =	vmov s21;
	[tilespmem:s12+$0xFFFFFFD0] =	vst v9  }
0x91: {  	v11 =	vld [tilespmem:s12+$0x0];
	[tilespmem:s12+$0xFFFFFFC0] =	vst v6;
	v8 =	vshrl.u32 v8, $0x3  }
0x92: {  	v9 =	vor.u32 $0x5, v2;
	v6 =	vshll.u32 v8, v1;
	v13 =	vld.idx.msk [tilespmem:v13+s19+$0x0], $0xffff  }
0x93: {  	v10 =	vld [tilespmem:s12+$0x30];
	v12 =	vadd.s32 v6, v9  }
0x94: {  	s4 =	simm.s32 $0xEB60;
	s6 =	simm.s32 $0x7;
	s8 =	simm.s32 $0xF;
	v8 =	vor.u32 $0x6, v2;
	v6 =	vor.u32 $0x7, v2;
	v12 =	vbroadcast v12, $0x0  }
.LBB2_5:
0x95: {  	p1 =	sne.s32 s8, $0x4F  }
0x96: {  	s12 =	sadd.s32 $0x200, s12;
	s7 =	smov.u32 s8;
	s8 =	sadd.s32 $0x8, s8  }
0x97: {  	v14 =	vmul.f32 v14, v13;
	v15 =	vmul.f32 v15, v13  }
0x98: {  	v11 =	vmul.f32 v11, v13;
	v10 =	vmul.f32 v10, v13;
	v13 =	vld [tilespmem:s4+$0x70]  }
0x99: {  	[tilespmem:s4+$0x10] =	vst v15;
	v15 =	vld [tilespmem:s4+$0x40]  }
0x9a: {  	[tilespmem:s4+$0x0] =	vst v11  }
0x9b: {  	[tilespmem:s4+$0x20] =	vst v14  }
0x9c: {  	[tilespmem:s4+$0x30] =	vst v10;
	v10 =	vld [tilespmem:s4+$0x60]  }
0x9d: {  	v11 =	vld.idx.msk [tilespmem:v12+s19+$0x0], $0xffff  }
0x9e: {  	v12 =	vld [tilespmem:s4+$0x50]  }
0x9f: {  	s9 =	sadd.s32 $0xFFFFFFFF, s6  }
0xa0: {  	v14 =	vmov s9  }
0xa1: {  	v14 =	vshrl.u32 v14, $0x3  }
0xa2: {  	v14 =	vshll.u32 v14, v1  }
0xa3: {  	v14 =	vadd.s32 v14, v8;
	v10 =	vmul.f32 v10, v11;
	v12 =	vmul.f32 v12, v11  }
0xa4: {  	v14 =	vbroadcast v14, $0x0;
	v15 =	vmul.f32 v15, v11  }
0xa5: {  	[tilespmem:s4+$0x60] =	vst v10;
	v10 =	vmul.f32 v13, v11  }
0xa6: {  	[tilespmem:s4+$0x50] =	vst v12;
	v11 =	vld [tilespmem:s4+$0xB0]  }
0xa7: {  	[tilespmem:s4+$0x40] =	vst v15  }
0xa8: {  	s9 =	sadd.s32 $0xFFFFFFF9, s7  }
0xa9: {  	v12 =	vmov s9;
	[tilespmem:s4+$0x70] =	vst v10;
	v10 =	vld [tilespmem:s4+$0x90]  }
0xaa: {  	v12 =	vshrl.u32 v12, $0x3;
	v13 =	vld.idx.msk [tilespmem:v14+s19+$0x0], $0xffff  }
0xab: {  	v12 =	vshll.u32 v12, v1;
	v14 =	vld [tilespmem:s4+$0xA0]  }
0xac: {  	v12 =	vadd.s32 v2, v12;
	v15 =	vld [tilespmem:s4+$0x80]  }
0xad: {  	v16 =	vmov s6;
	s6 =	smov.u32 s7;
	v12 =	vbroadcast v12, $0x0  }
0xae: {  	v16 =	vshrl.u32 v16, $0x3  }
0xaf: {  	v16 =	vshll.u32 v16, v1  }
0xb0: {  	v16 =	vadd.s32 v16, v6;
	v11 =	vmul.f32 v11, v13;
	v14 =	vmul.f32 v14, v13  }
0xb1: {  	v16 =	vbroadcast v16, $0x0;
	v15 =	vmul.f32 v15, v13;
	v17 =	vld [tilespmem:s4+$0xD0]  }
0xb2: {  	v10 =	vmul.f32 v10, v13;
	v18 =	vld [tilespmem:s12+$0xFFFFFF30];
	[tilespmem:s4+$0xA0] =	vst v14  }
0xb3: {  	[tilespmem:s4+$0x80] =	vst v15  }
0xb4: {  	s7 =	sadd.s32 $0xFFFFFFFA, s6;
	[tilespmem:s4+$0x90] =	vst v10;
	v10 =	vld [tilespmem:s4+$0xC0]  }
0xb5: {  	v13 =	vmov s7;
	[tilespmem:s4+$0xB0] =	vst v11  }
0xb6: {  	v11 =	vshrl.u32 v13, $0x3;
	v13 =	vld [tilespmem:s4+$0xF0]  }
0xb7: {  	v11 =	vshll.u32 v11, v1;
	v14 =	vld.idx.msk [tilespmem:v16+s19+$0x0], $0xffff  }
0xb8: {  	v11 =	vadd.s32 v11, v3  }
0xb9: {  	v11 =	vbroadcast v11, $0x0;
	v15 =	vld [tilespmem:s4+$0xE0];
	_ =	sdelay $0x3  }
0xba: {  	v10 =	vmul.f32 v10, v14;
	v16 =	vmul.f32 v17, v14  }
0xbb: {  	v13 =	vmul.f32 v13, v14;
	v15 =	vmul.f32 v15, v14  }
0xbc: {  	v14 =	vld [tilespmem:s12+$0xFFFFFF20];
	[tilespmem:s4+$0xC0] =	vst v10  }
0xbd: {  	[tilespmem:s4+$0xE0] =	vst v15  }
0xbe: {  	[tilespmem:s4+$0xF0] =	vst v13  }
0xbf: {  	[tilespmem:s4+$0xD0] =	vst v16;
	s4 =	smov.u32 s12  }
0xc0: {  	v10 =	vld.idx.msk [tilespmem:v12+s19+$0x0], $0xffff  }
0xc1: {  	v12 =	vld [tilespmem:s12+$0xFFFFFF10]  }
0xc2: {  	v13 =	vld [tilespmem:s12+$0xFFFFFF00];
	_ =	sdelay $0x1  }
0xc3: {  	v15 =	vld [tilespmem:s12+$0xFFFFFF50];
	_ =	sdelay $0x1  }
0xc4: {  	s7 =	sadd.s32 $0xFFFFFFFB, s6;
	v14 =	vmul.f32 v14, v10;
	v12 =	vmul.f32 v12, v10  }
0xc5: {  	v16 =	vmov s7;
	v13 =	vmul.f32 v13, v10;
	v10 =	vmul.f32 v18, v10  }
0xc6: {  	v16 =	vshrl.u32 v16, $0x3;
	[tilespmem:s12+$0xFFFFFF10] =	vst v12;
	v12 =	vld [tilespmem:s12+$0xFFFFFF70]  }
0xc7: {  	[tilespmem:s12+$0xFFFFFF30] =	vst v10;
	v10 =	vshll.u32 v16, v1  }
0xc8: {  	[tilespmem:s12+$0xFFFFFF00] =	vst v13;
	v10 =	vadd.s32 v10, v4  }
0xc9: {  	[tilespmem:s12+$0xFFFFFF20] =	vst v14  }
0xca: {  	v10 =	vbroadcast v10, $0x0;
	v11 =	vld.idx.msk [tilespmem:v11+s19+$0x0], $0xffff  }
0xcb: {  	v13 =	vld [tilespmem:s12+$0xFFFFFF40]  }
0xcc: {  	v14 =	vld [tilespmem:s12+$0xFFFFFF60];
	_ =	sdelay $0x2  }
0xcd: {  	v16 =	vld [tilespmem:s12+$0xFFFFFF90]  }
0xce: {  	v15 =	vmul.f32 v15, v11;
	v13 =	vmul.f32 v13, v11  }
0xcf: {  	s7 =	sadd.s32 $0xFFFFFFFC, s6;
	v14 =	vmul.f32 v14, v11;
	v11 =	vmul.f32 v12, v11;
	v12 =	vld [tilespmem:s12+$0xFFFFFF80]  }
0xd0: {  	[tilespmem:s12+$0xFFFFFF50] =	vst v15;
	v15 =	vmov s7  }
0xd1: {  	[tilespmem:s12+$0xFFFFFF70] =	vst v11;
	v11 =	vshrl.u32 v15, $0x3  }
0xd2: {  	[tilespmem:s12+$0xFFFFFF60] =	vst v14;
	v11 =	vshll.u32 v11, v1  }
0xd3: {  	[tilespmem:s12+$0xFFFFFF40] =	vst v13;
	v13 =	vld [tilespmem:s12+$0xFFFFFFA0];
	v11 =	vadd.s32 v11, v5  }
0xd4: {  	v10 =	vld.idx.msk [tilespmem:v10+s19+$0x0], $0xffff  }
0xd5: {  	v14 =	vld [tilespmem:s12+$0xFFFFFFB0]  }
0xd6: {  	v11 =	vbroadcast v11, $0x0;
	_ =	sdelay $0x3  }
0xd7: {  	v12 =	vmul.f32 v12, v10;
	v14 =	vmul.f32 v14, v10  }
0xd8: {  	v15 =	vmul.f32 v16, v10;
	v10 =	vmul.f32 v13, v10  }
0xd9: {  	[tilespmem:s12+$0xFFFFFF80] =	vst v12;
	v12 =	vld [tilespmem:s12+$0xFFFFFFF0]  }
0xda: {  	[tilespmem:s12+$0xFFFFFFB0] =	vst v14;
	v13 =	vld [tilespmem:s12+$0xFFFFFFD0]  }
0xdb: {  	[tilespmem:s12+$0xFFFFFF90] =	vst v15  }
0xdc: {  	[tilespmem:s12+$0xFFFFFFA0] =	vst v10;
	v10 =	vld [tilespmem:s12+$0xFFFFFFC0]  }
0xdd: {  	s7 =	sadd.s32 $0xFFFFFFFD, s6;
	v14 =	vld [tilespmem:s12+$0xFFFFFFE0]  }
0xde: {  	v15 =	vmov s7;
	v11 =	vld.idx.msk [tilespmem:v11+s19+$0x0], $0xffff  }
0xdf: {  	v15 =	vshrl.u32 v15, $0x3  }
0xe0: {  	v15 =	vshll.u32 v15, v1  }
0xe1: {  	v15 =	vadd.s32 v15, v7  }
0xe2: {  	v15 =	vbroadcast v15, $0x0;
	_ =	sdelay $0x1  }
0xe3: {  	v16 =	vmul.f32 v10, v11;
	v10 =	vmul.f32 v12, v11  }
0xe4: {  	v12 =	vmul.f32 v13, v11;
	v11 =	vmul.f32 v14, v11  }
0xe5: {  	[tilespmem:s12+$0xFFFFFFF0] =	vst v10;
	v10 =	vld [tilespmem:s12+$0x30]  }
0xe6: {  	[tilespmem:s12+$0xFFFFFFE0] =	vst v11;
	v11 =	vld [tilespmem:s12+$0x0]  }
0xe7: {  	[tilespmem:s12+$0xFFFFFFD0] =	vst v12  }
0xe8: {  	s7 =	sadd.s32 $0xFFFFFFFE, s6;
	[tilespmem:s12+$0xFFFFFFC0] =	vst v16  }
0xe9: {  	v12 =	vmov s7;
	v14 =	vld [tilespmem:s12+$0x20]  }
.Ltmp1:
0xea: {  	v12 =	vshrl.u32 v12, $0x3;
	v13 =	vld.idx.msk [tilespmem:v15+s19+$0x0], $0xffff;
	(pc) =	sbr.rel @p1 .LBB2_5-.Ltmp1, $3  }
0xeb: {  	v12 =	vshll.u32 v12, v1;
	v15 =	vld [tilespmem:s12+$0x10]  }
0xec: {  	v12 =	vadd.s32 v12, v9;
	_ =	sdelay $0x1  }
0xed: {  	v12 =	vbroadcast v12, $0x0  }
0xee: {  	v3 =	vmul.f32 v11, v13  }
0xef: {  	v2 =	vmul.f32 v15, v13  }
0xf0: {  	v4 =	vmul.f32 v14, v13;
	[tilespmem:s4+$0x0] =	vst v3  }
0xf1: {  	[tilespmem:s4+$0x10] =	vst v2;
	v2 =	vmul.f32 v10, v13  }
0xf2: {  	[tilespmem:s4+$0x20] =	vst v4  }
0xf3: {  	[tilespmem:s4+$0x30] =	vst v2;
	v2 =	vld [tilespmem:s4+$0x60]  }
0xf4: {  	s7 =	sadd.s32 $0xFFFFFFFF, s6;
	v3 =	vld.idx.msk [tilespmem:v12+s19+$0x0], $0xffff  }
0xf5: {  	v7 =	vmov s7;
	v4 =	vld [tilespmem:s4+$0x50]  }
0xf6: {  	v5 =	vld [tilespmem:s4+$0x40];
	v7 =	vshrl.u32 v7, $0x3  }
0xf7: {  	v9 =	vld [tilespmem:s4+$0x70];
	v7 =	vshll.u32 v7, v1  }
0xf8: {  	v7 =	vadd.s32 v7, v8  }
0xf9: {  	v7 =	vbroadcast v7, $0x0;
	v2 =	vmul.f32 v2, v3  }
0xfa: {  	v4 =	vmul.f32 v4, v3  }
0xfb: {  	v5 =	vmul.f32 v5, v3;
	[tilespmem:s4+$0x60] =	vst v2  }
0xfc: {  	v2 =	vmul.f32 v9, v3;
	[tilespmem:s4+$0x50] =	vst v4  }
0xfd: {  	[tilespmem:s4+$0x40] =	vst v5  }
0xfe: {  	v3 =	vld [tilespmem:s4+$0xA0];
	[tilespmem:s4+$0x70] =	vst v2  }
0xff: {  	v2 =	vld.idx.msk [tilespmem:v7+s19+$0x0], $0xffff  }
0x100: {  	v4 =	vld [tilespmem:s4+$0x80];
	v7 =	vmov s6  }
0x101: {  	v5 =	vld [tilespmem:s4+$0x90];
	v7 =	vshrl.u32 v7, $0x3  }
0x102: {  	v8 =	vld [tilespmem:s4+$0xB0];
	v7 =	vshll.u32 v7, v1  }
0x103: {  	v6 =	vadd.s32 v7, v6  }
0x104: {  	v6 =	vbroadcast v6, $0x0;
	v3 =	vmul.f32 v3, v2  }
0x105: {  	v4 =	vmul.f32 v4, v2  }
0x106: {  	v5 =	vmul.f32 v5, v2;
	[tilespmem:s4+$0xA0] =	vst v3  }
0x107: {  	v2 =	vmul.f32 v8, v2;
	[tilespmem:s4+$0x80] =	vst v4  }
0x108: {  	[tilespmem:s4+$0x90] =	vst v5  }
0x109: {  	v3 =	vld [tilespmem:s4+$0xC0];
	[tilespmem:s4+$0xB0] =	vst v2  }
0x10a: {  	v2 =	vld.idx.msk [tilespmem:v6+s19+$0x0], $0xffff  }
0x10b: {  	v4 =	vld [tilespmem:s4+$0xE0]  }
0x10c: {  	v5 =	vld [tilespmem:s4+$0xF0]  }
0x10d: {  	v7 =	vld [tilespmem:s4+$0xD0];
	_ =	sdelay $0x1  }
0x10e: {  	v3 =	vmul.f32 v3, v2  }
0x10f: {  	v4 =	vmul.f32 v4, v2  }
0x110: {  	v5 =	vmul.f32 v5, v2;
	[tilespmem:s4+$0xC0] =	vst v3  }
0x111: {  	s16 =	smul.u32 $0x640, s10;
	v2 =	vmul.f32 v7, v2;
	[tilespmem:s4+$0xE0] =	vst v4  }
0x112: {  	s17 =	sadd.s32 $0x1, s15;
	s14 =	sadd.s32 $0x4, s15;
	s7 =	simm.s32 $0x0;
	[tilespmem:s4+$0xF0] =	vst v5  }
0x113: {  	s8 =	smul.u32 $0x140, s14;
	s6 =	sshra.s32 s16, $0x2;
	[tilespmem:s4+$0xD0] =	vst v2;
	v2 =	vmov s17;
	v3 =	vmov s7;
	s4 =	simm.s32 @!p0 $0xA  }
0x114: {  	[spmem:s3] =	stream.indirect.scatter.add.f32 [tilespmem:s20], [sflag:$0x6], $0x40, s6, s25, $0xb8;
	v2 =	vmul.u32 $0x50, v2;
	v3 =	vshrl.u32 v3, $0x3;
	[tilespmem:$0x1EE60] =	vst v63  }
0x115: {  	v3 =	vshll.u32 v3, v1;
	_ =	swait.ge @!p0 [sflag:s4], $0x1400  }
0x116: {  	s12 =	sshra.s32 s8, $0x2;
	v3 =	vadd.s32 v2, v3;
	[sflag:s4] =	ssyncset.done @!p0 $0x0  }
0x117: {  	s9 =	sadd.s32 $0x4E20, s12;
	v3 =	vbroadcast v3, $0x0;
	[sflag:s4] =	ssyncadd.s32 @!p0 $0xFFFFEC00  }
0x118: {  	[tilespmem:s0], [sflag:$0x5] =	stream.indirect.gather [hbm4b:s1+s25], $0x40, s9, s25, $0xb8;
	[tilespmem:$0x1EE60] =	vst v63  }
0x119: {  	_ =	swait.ge [sflag:s23], $0x1400  }
0x11a: {  	[sflag:s23] =	ssyncset.done $0x0  }
0x11b: {  	s4 =	simm.s32 $0xFF60;
	[sflag:s23] =	ssyncadd.s32 $0xFFFFEC00  }
0x11c: {  	v5 =	vld [tilespmem:s4+$0xFFFFFF10]  }
0x11d: {  	s21 =	simm.s32 $0x1;
	v4 =	vld.idx.msk [tilespmem:v3+s19+$0x0], $0xffff  }
0x11e: {  	v6 =	vld [tilespmem:s4+$0xFFFFFF30];
	v3 =	vmov s21  }
0x11f: {  	v8 =	vld [tilespmem:s4+$0xFFFFFF00];
	v7 =	vshrl.u32 v3, $0x3  }
0x120: {  	v9 =	vld [tilespmem:s4+$0xFFFFFF20];
	v3 =	vor.u32 $0x1, v2;
	v7 =	vshll.u32 v7, v1  }
0x121: {  	v7 =	vadd.s32 v7, v3  }
0x122: {  	v7 =	vbroadcast v7, $0x0;
	v5 =	vmul.f32 v5, v4  }
0x123: {  	v6 =	vmul.f32 v6, v4  }
0x124: {  	v8 =	vmul.f32 v8, v4;
	[tilespmem:s4+$0xFFFFFF10] =	vst v5  }
0x125: {  	v4 =	vmul.f32 v9, v4;
	[tilespmem:s4+$0xFFFFFF30] =	vst v6  }
0x126: {  	[tilespmem:s4+$0xFFFFFF00] =	vst v8  }
0x127: {  	v10 =	vld [tilespmem:s4+$0xFFFFFF50];
	[tilespmem:s4+$0xFFFFFF20] =	vst v4  }
0x128: {  	s7 =	simm.s32 $0x2;
	v5 =	vld.idx.msk [tilespmem:v7+s19+$0x0], $0xffff  }
0x129: {  	v4 =	vmov s7;
	v6 =	vld [tilespmem:s4+$0xFFFFFF70]  }
0x12a: {  	v8 =	vld [tilespmem:s4+$0xFFFFFF60];
	v7 =	vshrl.u32 v4, $0x3  }
0x12b: {  	v9 =	vld [tilespmem:s4+$0xFFFFFF40];
	v4 =	vor.u32 $0x2, v2;
	v7 =	vshll.u32 v7, v1  }
0x12c: {  	v7 =	vadd.s32 v7, v4  }
0x12d: {  	v7 =	vbroadcast v7, $0x0;
	v10 =	vmul.f32 v10, v5  }
0x12e: {  	v6 =	vmul.f32 v6, v5  }
0x12f: {  	v8 =	vmul.f32 v8, v5;
	[tilespmem:s4+$0xFFFFFF50] =	vst v10  }
0x130: {  	v5 =	vmul.f32 v9, v5;
	[tilespmem:s4+$0xFFFFFF70] =	vst v6  }
0x131: {  	[tilespmem:s4+$0xFFFFFF60] =	vst v8  }
0x132: {  	v11 =	vld [tilespmem:s4+$0xFFFFFF80];
	[tilespmem:s4+$0xFFFFFF40] =	vst v5  }
0x133: {  	s8 =	simm.s32 $0x3;
	v6 =	vld.idx.msk [tilespmem:v7+s19+$0x0], $0xffff  }
0x134: {  	v5 =	vmov s8;
	v7 =	vld [tilespmem:s4+$0xFFFFFFB0]  }
0x135: {  	v12 =	vld [tilespmem:s4+$0xFFFFFF90];
	v8 =	vshrl.u32 v5, $0x3  }
0x136: {  	v9 =	vld [tilespmem:s4+$0xFFFFFFA0];
	v5 =	vor.u32 $0x3, v2;
	v8 =	vshll.u32 v8, v1  }
0x137: {  	v8 =	vadd.s32 v8, v5  }
0x138: {  	v8 =	vbroadcast v8, $0x0;
	v10 =	vmul.f32 v11, v6  }
0x139: {  	v7 =	vmul.f32 v7, v6  }
0x13a: {  	v11 =	vmul.f32 v12, v6;
	[tilespmem:s4+$0xFFFFFF80] =	vst v10  }
0x13b: {  	v6 =	vmul.f32 v9, v6;
	[tilespmem:s4+$0xFFFFFFB0] =	vst v7  }
0x13c: {  	[tilespmem:s4+$0xFFFFFF90] =	vst v11  }
0x13d: {  	v10 =	vld [tilespmem:s4+$0xFFFFFFF0];
	[tilespmem:s4+$0xFFFFFFA0] =	vst v6  }
0x13e: {  	s9 =	simm.s32 $0x4;
	v6 =	vld.idx.msk [tilespmem:v8+s19+$0x0], $0xffff  }
0x13f: {  	v7 =	vmov s9;
	v8 =	vld [tilespmem:s4+$0xFFFFFFE0]  }
0x140: {  	v9 =	vld [tilespmem:s4+$0xFFFFFFD0];
	v11 =	vshrl.u32 v7, $0x3  }
0x141: {  	v12 =	vld [tilespmem:s4+$0xFFFFFFC0];
	v7 =	vor.u32 $0x4, v2;
	v11 =	vshll.u32 v11, v1  }
0x142: {  	v11 =	vadd.s32 v11, v7  }
0x143: {  	v13 =	vbroadcast v11, $0x0;
	v10 =	vmul.f32 v10, v6  }
0x144: {  	v8 =	vmul.f32 v8, v6  }
0x145: {  	v9 =	vmul.f32 v9, v6;
	[tilespmem:s4+$0xFFFFFFF0] =	vst v10  }
0x146: {  	v14 =	vld [tilespmem:s4+$0x20];
	s21 =	simm.s32 $0x5;
	v6 =	vmul.f32 v12, v6;
	[tilespmem:s4+$0xFFFFFFE0] =	vst v8  }
0x147: {  	v15 =	vld [tilespmem:s4+$0x10];
	v8 =	vmov s21;
	[tilespmem:s4+$0xFFFFFFD0] =	vst v9  }
0x148: {  	v11 =	vld [tilespmem:s4+$0x0];
	[tilespmem:s4+$0xFFFFFFC0] =	vst v6;
	v8 =	vshrl.u32 v8, $0x3  }
0x149: {  	v9 =	vor.u32 $0x5, v2;
	v6 =	vshll.u32 v8, v1;
	v13 =	vld.idx.msk [tilespmem:v13+s19+$0x0], $0xffff  }
0x14a: {  	v10 =	vld [tilespmem:s4+$0x30];
	v12 =	vadd.s32 v6, v9  }
0x14b: {  	s6 =	simm.s32 $0xFF60;
	s7 =	simm.s32 $0xF;
	s8 =	simm.s32 $0x7;
	v8 =	vor.u32 $0x6, v2;
	v6 =	vor.u32 $0x7, v2;
	v12 =	vbroadcast v12, $0x0  }
.LBB2_7:
0x14c: {  	p0 =	sne.s32 s7, $0x4F  }
0x14d: {  	s4 =	sadd.s32 $0x200, s4;
	s9 =	smov.u32 s7;
	s7 =	sadd.s32 $0x8, s7  }
0x14e: {  	v14 =	vmul.f32 v14, v13;
	v15 =	vmul.f32 v15, v13  }
0x14f: {  	v11 =	vmul.f32 v11, v13;
	v10 =	vmul.f32 v10, v13;
	v13 =	vld [tilespmem:s6+$0x70]  }
0x150: {  	[tilespmem:s6+$0x10] =	vst v15;
	v15 =	vld [tilespmem:s6+$0x40]  }
0x151: {  	[tilespmem:s6+$0x0] =	vst v11  }
0x152: {  	[tilespmem:s6+$0x20] =	vst v14  }
0x153: {  	[tilespmem:s6+$0x30] =	vst v10;
	v10 =	vld [tilespmem:s6+$0x60]  }
0x154: {  	v11 =	vld.idx.msk [tilespmem:v12+s19+$0x0], $0xffff  }
0x155: {  	v12 =	vld [tilespmem:s6+$0x50]  }
0x156: {  	s21 =	sadd.s32 $0xFFFFFFFF, s8  }
0x157: {  	v14 =	vmov s21  }
0x158: {  	v14 =	vshrl.u32 v14, $0x3  }
0x159: {  	v14 =	vshll.u32 v14, v1  }
0x15a: {  	v14 =	vadd.s32 v14, v8;
	v10 =	vmul.f32 v10, v11;
	v12 =	vmul.f32 v12, v11  }
0x15b: {  	v14 =	vbroadcast v14, $0x0;
	v15 =	vmul.f32 v15, v11  }
0x15c: {  	[tilespmem:s6+$0x60] =	vst v10;
	v10 =	vmul.f32 v13, v11  }
0x15d: {  	[tilespmem:s6+$0x50] =	vst v12;
	v11 =	vld [tilespmem:s6+$0xB0]  }
0x15e: {  	[tilespmem:s6+$0x40] =	vst v15  }
0x15f: {  	s21 =	sadd.s32 $0xFFFFFFF9, s9  }
0x160: {  	v12 =	vmov s21;
	[tilespmem:s6+$0x70] =	vst v10;
	v10 =	vld [tilespmem:s6+$0x90]  }
0x161: {  	v12 =	vshrl.u32 v12, $0x3;
	v13 =	vld.idx.msk [tilespmem:v14+s19+$0x0], $0xffff  }
0x162: {  	v12 =	vshll.u32 v12, v1;
	v14 =	vld [tilespmem:s6+$0xA0]  }
0x163: {  	v12 =	vadd.s32 v2, v12;
	v15 =	vld [tilespmem:s6+$0x80]  }
0x164: {  	v16 =	vmov s8;
	s8 =	smov.u32 s9;
	v12 =	vbroadcast v12, $0x0  }
0x165: {  	v16 =	vshrl.u32 v16, $0x3  }
0x166: {  	v16 =	vshll.u32 v16, v1  }
0x167: {  	v16 =	vadd.s32 v16, v6;
	v11 =	vmul.f32 v11, v13;
	v14 =	vmul.f32 v14, v13  }
0x168: {  	v16 =	vbroadcast v16, $0x0;
	v15 =	vmul.f32 v15, v13;
	v17 =	vld [tilespmem:s6+$0xD0]  }
0x169: {  	v10 =	vmul.f32 v10, v13;
	v18 =	vld [tilespmem:s4+$0xFFFFFF30];
	[tilespmem:s6+$0xA0] =	vst v14  }
0x16a: {  	[tilespmem:s6+$0x80] =	vst v15  }
0x16b: {  	s9 =	sadd.s32 $0xFFFFFFFA, s8;
	[tilespmem:s6+$0x90] =	vst v10;
	v10 =	vld [tilespmem:s6+$0xC0]  }
0x16c: {  	v13 =	vmov s9;
	[tilespmem:s6+$0xB0] =	vst v11  }
0x16d: {  	v11 =	vshrl.u32 v13, $0x3;
	v13 =	vld [tilespmem:s6+$0xF0]  }
0x16e: {  	v11 =	vshll.u32 v11, v1;
	v14 =	vld.idx.msk [tilespmem:v16+s19+$0x0], $0xffff  }
0x16f: {  	v11 =	vadd.s32 v11, v3  }
0x170: {  	v11 =	vbroadcast v11, $0x0;
	v15 =	vld [tilespmem:s6+$0xE0];
	_ =	sdelay $0x3  }
0x171: {  	v10 =	vmul.f32 v10, v14;
	v16 =	vmul.f32 v17, v14  }
0x172: {  	v13 =	vmul.f32 v13, v14;
	v15 =	vmul.f32 v15, v14  }
0x173: {  	v14 =	vld [tilespmem:s4+$0xFFFFFF20];
	[tilespmem:s6+$0xC0] =	vst v10  }
0x174: {  	[tilespmem:s6+$0xE0] =	vst v15  }
0x175: {  	[tilespmem:s6+$0xF0] =	vst v13  }
0x176: {  	[tilespmem:s6+$0xD0] =	vst v16;
	s6 =	smov.u32 s4  }
0x177: {  	v10 =	vld.idx.msk [tilespmem:v12+s19+$0x0], $0xffff  }
0x178: {  	v12 =	vld [tilespmem:s4+$0xFFFFFF10]  }
0x179: {  	v13 =	vld [tilespmem:s4+$0xFFFFFF00];
	_ =	sdelay $0x1  }
0x17a: {  	v15 =	vld [tilespmem:s4+$0xFFFFFF50];
	_ =	sdelay $0x1  }
0x17b: {  	s9 =	sadd.s32 $0xFFFFFFFB, s8;
	v14 =	vmul.f32 v14, v10;
	v12 =	vmul.f32 v12, v10  }
0x17c: {  	v16 =	vmov s9;
	v13 =	vmul.f32 v13, v10;
	v10 =	vmul.f32 v18, v10  }
0x17d: {  	v16 =	vshrl.u32 v16, $0x3;
	[tilespmem:s4+$0xFFFFFF10] =	vst v12;
	v12 =	vld [tilespmem:s4+$0xFFFFFF70]  }
0x17e: {  	[tilespmem:s4+$0xFFFFFF30] =	vst v10;
	v10 =	vshll.u32 v16, v1  }
0x17f: {  	[tilespmem:s4+$0xFFFFFF00] =	vst v13;
	v10 =	vadd.s32 v10, v4  }
0x180: {  	[tilespmem:s4+$0xFFFFFF20] =	vst v14  }
0x181: {  	v10 =	vbroadcast v10, $0x0;
	v11 =	vld.idx.msk [tilespmem:v11+s19+$0x0], $0xffff  }
0x182: {  	v13 =	vld [tilespmem:s4+$0xFFFFFF40]  }
0x183: {  	v14 =	vld [tilespmem:s4+$0xFFFFFF60];
	_ =	sdelay $0x2  }
0x184: {  	v16 =	vld [tilespmem:s4+$0xFFFFFF90]  }
0x185: {  	v15 =	vmul.f32 v15, v11;
	v13 =	vmul.f32 v13, v11  }
0x186: {  	s9 =	sadd.s32 $0xFFFFFFFC, s8;
	v14 =	vmul.f32 v14, v11;
	v11 =	vmul.f32 v12, v11;
	v12 =	vld [tilespmem:s4+$0xFFFFFF80]  }
0x187: {  	[tilespmem:s4+$0xFFFFFF50] =	vst v15;
	v15 =	vmov s9  }
0x188: {  	[tilespmem:s4+$0xFFFFFF70] =	vst v11;
	v11 =	vshrl.u32 v15, $0x3  }
0x189: {  	[tilespmem:s4+$0xFFFFFF60] =	vst v14;
	v11 =	vshll.u32 v11, v1  }
0x18a: {  	[tilespmem:s4+$0xFFFFFF40] =	vst v13;
	v13 =	vld [tilespmem:s4+$0xFFFFFFA0];
	v11 =	vadd.s32 v11, v5  }
0x18b: {  	v10 =	vld.idx.msk [tilespmem:v10+s19+$0x0], $0xffff  }
0x18c: {  	v14 =	vld [tilespmem:s4+$0xFFFFFFB0]  }
0x18d: {  	v11 =	vbroadcast v11, $0x0;
	_ =	sdelay $0x3  }
0x18e: {  	v12 =	vmul.f32 v12, v10;
	v14 =	vmul.f32 v14, v10  }
0x18f: {  	v15 =	vmul.f32 v16, v10;
	v10 =	vmul.f32 v13, v10  }
0x190: {  	[tilespmem:s4+$0xFFFFFF80] =	vst v12;
	v12 =	vld [tilespmem:s4+$0xFFFFFFF0]  }
0x191: {  	[tilespmem:s4+$0xFFFFFFB0] =	vst v14;
	v13 =	vld [tilespmem:s4+$0xFFFFFFD0]  }
0x192: {  	[tilespmem:s4+$0xFFFFFF90] =	vst v15  }
0x193: {  	[tilespmem:s4+$0xFFFFFFA0] =	vst v10;
	v10 =	vld [tilespmem:s4+$0xFFFFFFC0]  }
0x194: {  	s9 =	sadd.s32 $0xFFFFFFFD, s8;
	v14 =	vld [tilespmem:s4+$0xFFFFFFE0]  }
0x195: {  	v15 =	vmov s9;
	v11 =	vld.idx.msk [tilespmem:v11+s19+$0x0], $0xffff  }
0x196: {  	v15 =	vshrl.u32 v15, $0x3  }
0x197: {  	v15 =	vshll.u32 v15, v1  }
0x198: {  	v15 =	vadd.s32 v15, v7  }
0x199: {  	v15 =	vbroadcast v15, $0x0;
	_ =	sdelay $0x1  }
0x19a: {  	v16 =	vmul.f32 v10, v11;
	v10 =	vmul.f32 v12, v11  }
0x19b: {  	v12 =	vmul.f32 v13, v11;
	v11 =	vmul.f32 v14, v11  }
0x19c: {  	[tilespmem:s4+$0xFFFFFFF0] =	vst v10;
	v10 =	vld [tilespmem:s4+$0x30]  }
0x19d: {  	[tilespmem:s4+$0xFFFFFFE0] =	vst v11;
	v11 =	vld [tilespmem:s4+$0x0]  }
0x19e: {  	[tilespmem:s4+$0xFFFFFFD0] =	vst v12  }
0x19f: {  	s9 =	sadd.s32 $0xFFFFFFFE, s8;
	[tilespmem:s4+$0xFFFFFFC0] =	vst v16  }
0x1a0: {  	v12 =	vmov s9;
	v14 =	vld [tilespmem:s4+$0x20]  }
.Ltmp2:
0x1a1: {  	v12 =	vshrl.u32 v12, $0x3;
	v13 =	vld.idx.msk [tilespmem:v15+s19+$0x0], $0xffff;
	(pc) =	sbr.rel @p0 .LBB2_7-.Ltmp2, $3  }
0x1a2: {  	v12 =	vshll.u32 v12, v1;
	v15 =	vld [tilespmem:s4+$0x10]  }
0x1a3: {  	v12 =	vadd.s32 v12, v9;
	_ =	sdelay $0x1  }
0x1a4: {  	v12 =	vbroadcast v12, $0x0  }
0x1a5: {  	v3 =	vmul.f32 v11, v13  }
0x1a6: {  	v2 =	vmul.f32 v15, v13  }
0x1a7: {  	v4 =	vmul.f32 v14, v13;
	[tilespmem:s6+$0x0] =	vst v3  }
0x1a8: {  	[tilespmem:s6+$0x10] =	vst v2;
	v2 =	vmul.f32 v10, v13  }
0x1a9: {  	[tilespmem:s6+$0x20] =	vst v4  }
0x1aa: {  	[tilespmem:s6+$0x30] =	vst v2;
	v2 =	vld [tilespmem:s6+$0x60]  }
0x1ab: {  	s4 =	sadd.s32 $0xFFFFFFFF, s8;
	v3 =	vld.idx.msk [tilespmem:v12+s19+$0x0], $0xffff  }
0x1ac: {  	v7 =	vmov s4;
	v4 =	vld [tilespmem:s6+$0x50]  }
0x1ad: {  	v5 =	vld [tilespmem:s6+$0x40];
	v7 =	vshrl.u32 v7, $0x3  }
0x1ae: {  	v9 =	vld [tilespmem:s6+$0x70];
	v7 =	vshll.u32 v7, v1  }
0x1af: {  	v7 =	vadd.s32 v7, v8  }
0x1b0: {  	v7 =	vbroadcast v7, $0x0;
	v2 =	vmul.f32 v2, v3  }
0x1b1: {  	v4 =	vmul.f32 v4, v3  }
0x1b2: {  	v5 =	vmul.f32 v5, v3;
	[tilespmem:s6+$0x60] =	vst v2  }
0x1b3: {  	v2 =	vmul.f32 v9, v3;
	[tilespmem:s6+$0x50] =	vst v4  }
0x1b4: {  	[tilespmem:s6+$0x40] =	vst v5  }
0x1b5: {  	v3 =	vld [tilespmem:s6+$0xA0];
	[tilespmem:s6+$0x70] =	vst v2  }
0x1b6: {  	v2 =	vld.idx.msk [tilespmem:v7+s19+$0x0], $0xffff  }
0x1b7: {  	v4 =	vld [tilespmem:s6+$0x80];
	v7 =	vmov s8  }
0x1b8: {  	v5 =	vld [tilespmem:s6+$0x90];
	v7 =	vshrl.u32 v7, $0x3  }
0x1b9: {  	v8 =	vld [tilespmem:s6+$0xB0];
	v7 =	vshll.u32 v7, v1  }
0x1ba: {  	v6 =	vadd.s32 v7, v6  }
0x1bb: {  	v6 =	vbroadcast v6, $0x0;
	v3 =	vmul.f32 v3, v2  }
0x1bc: {  	v4 =	vmul.f32 v4, v2  }
0x1bd: {  	v5 =	vmul.f32 v5, v2;
	[tilespmem:s6+$0xA0] =	vst v3  }
0x1be: {  	v2 =	vmul.f32 v8, v2;
	[tilespmem:s6+$0x80] =	vst v4  }
0x1bf: {  	[tilespmem:s6+$0x90] =	vst v5  }
0x1c0: {  	v3 =	vld [tilespmem:s6+$0xC0];
	[tilespmem:s6+$0xB0] =	vst v2  }
0x1c1: {  	v2 =	vld.idx.msk [tilespmem:v6+s19+$0x0], $0xffff  }
0x1c2: {  	v4 =	vld [tilespmem:s6+$0xE0]  }
0x1c3: {  	v5 =	vld [tilespmem:s6+$0xF0]  }
0x1c4: {  	v7 =	vld [tilespmem:s6+$0xD0];
	_ =	sdelay $0x1  }
0x1c5: {  	v3 =	vmul.f32 v3, v2  }
0x1c6: {  	v4 =	vmul.f32 v4, v2  }
0x1c7: {  	v5 =	vmul.f32 v5, v2;
	[tilespmem:s6+$0xC0] =	vst v3  }
0x1c8: {  	s21 =	smul.u32 $0x140, s17;
	v2 =	vmul.f32 v7, v2;
	[tilespmem:s6+$0xE0] =	vst v4  }
0x1c9: {  	s17 =	sadd.s32 $0x2, s15;
	s7 =	simm.s32 $0x0;
	[tilespmem:s6+$0xF0] =	vst v5  }
0x1ca: {  	s4 =	sshra.s32 s21, $0x2;
	[tilespmem:s6+$0xD0] =	vst v2;
	v2 =	vmov s17;
	v3 =	vmov s7  }
0x1cb: {  	[spmem:s3] =	stream.indirect.scatter.add.f32 [tilespmem:s28], [sflag:$0x7], $0x40, s4, s25, $0xb8;
	v2 =	vmul.u32 $0x50, v2;
	v3 =	vshrl.u32 v3, $0x3;
	[tilespmem:$0x1EE60] =	vst v63  }
0x1cc: {  	p0 =	seq.s32 s10, $0x31;
	_ =	swait.ge [sflag:s26], $0x1400;
	v3 =	vshll.u32 v3, v1  }
0x1cd: {  	s15 =	sshra.s32 @!p0 s16, $0x2;
	s6 =	simm.s32 @!p0 $0x50;
	[sflag:s26] =	ssyncset.done $0x0;
	v3 =	vadd.s32 v2, v3  }
0x1ce: {  	s7 =	simm.s32 @!p0 $0xEA60;
	s4 =	sadd.s32 @!p0 $0x4FB0, s15;
	[sflag:s26] =	ssyncadd.s32 $0xFFFFEC00;
	v3 =	vbroadcast v3, $0x0  }
0x1cf: {  	[tilespmem:s7], [sflag:$0x1] =	stream.indirect.gather @!p0 [hbm4b:s1+s6], $0x40, s4, s6, $0xb8;
	[tilespmem:$0x1EE60] =	vst v63  }
0x1d0: {  	_ =	swait.ge [sflag:s24], $0x1400  }
0x1d1: {  	[sflag:s24] =	ssyncset.done $0x0  }
0x1d2: {  	s4 =	simm.s32 $0x11360;
	[sflag:s24] =	ssyncadd.s32 $0xFFFFEC00  }
0x1d3: {  	v5 =	vld [tilespmem:s4+$0xFFFFFF10]  }
0x1d4: {  	s7 =	simm.s32 $0x1;
	v4 =	vld.idx.msk [tilespmem:v3+s19+$0x0], $0xffff  }
0x1d5: {  	v6 =	vld [tilespmem:s4+$0xFFFFFF30];
	v3 =	vmov s7  }
0x1d6: {  	v8 =	vld [tilespmem:s4+$0xFFFFFF00];
	v7 =	vshrl.u32 v3, $0x3  }
0x1d7: {  	v9 =	vld [tilespmem:s4+$0xFFFFFF20];
	v3 =	vor.u32 $0x1, v2;
	v7 =	vshll.u32 v7, v1  }
0x1d8: {  	v7 =	vadd.s32 v7, v3  }
0x1d9: {  	v7 =	vbroadcast v7, $0x0;
	v5 =	vmul.f32 v5, v4  }
0x1da: {  	v6 =	vmul.f32 v6, v4  }
0x1db: {  	v8 =	vmul.f32 v8, v4;
	[tilespmem:s4+$0xFFFFFF10] =	vst v5  }
0x1dc: {  	v4 =	vmul.f32 v9, v4;
	[tilespmem:s4+$0xFFFFFF30] =	vst v6  }
0x1dd: {  	[tilespmem:s4+$0xFFFFFF00] =	vst v8  }
0x1de: {  	v10 =	vld [tilespmem:s4+$0xFFFFFF50];
	[tilespmem:s4+$0xFFFFFF20] =	vst v4  }
0x1df: {  	s8 =	simm.s32 $0x2;
	v5 =	vld.idx.msk [tilespmem:v7+s19+$0x0], $0xffff  }
0x1e0: {  	v4 =	vmov s8;
	v6 =	vld [tilespmem:s4+$0xFFFFFF70]  }
0x1e1: {  	v8 =	vld [tilespmem:s4+$0xFFFFFF60];
	v7 =	vshrl.u32 v4, $0x3  }
0x1e2: {  	v9 =	vld [tilespmem:s4+$0xFFFFFF40];
	v4 =	vor.u32 $0x2, v2;
	v7 =	vshll.u32 v7, v1  }
0x1e3: {  	v7 =	vadd.s32 v7, v4  }
0x1e4: {  	v7 =	vbroadcast v7, $0x0;
	v10 =	vmul.f32 v10, v5  }
0x1e5: {  	v6 =	vmul.f32 v6, v5  }
0x1e6: {  	v8 =	vmul.f32 v8, v5;
	[tilespmem:s4+$0xFFFFFF50] =	vst v10  }
0x1e7: {  	v5 =	vmul.f32 v9, v5;
	[tilespmem:s4+$0xFFFFFF70] =	vst v6  }
0x1e8: {  	[tilespmem:s4+$0xFFFFFF60] =	vst v8  }
0x1e9: {  	v11 =	vld [tilespmem:s4+$0xFFFFFF80];
	[tilespmem:s4+$0xFFFFFF40] =	vst v5  }
0x1ea: {  	s9 =	simm.s32 $0x3;
	v6 =	vld.idx.msk [tilespmem:v7+s19+$0x0], $0xffff  }
0x1eb: {  	v5 =	vmov s9;
	v7 =	vld [tilespmem:s4+$0xFFFFFFB0]  }
0x1ec: {  	v12 =	vld [tilespmem:s4+$0xFFFFFF90];
	v8 =	vshrl.u32 v5, $0x3  }
0x1ed: {  	v9 =	vld [tilespmem:s4+$0xFFFFFFA0];
	v5 =	vor.u32 $0x3, v2;
	v8 =	vshll.u32 v8, v1  }
0x1ee: {  	v8 =	vadd.s32 v8, v5  }
0x1ef: {  	v8 =	vbroadcast v8, $0x0;
	v10 =	vmul.f32 v11, v6  }
0x1f0: {  	v7 =	vmul.f32 v7, v6  }
0x1f1: {  	v11 =	vmul.f32 v12, v6;
	[tilespmem:s4+$0xFFFFFF80] =	vst v10  }
0x1f2: {  	v6 =	vmul.f32 v9, v6;
	[tilespmem:s4+$0xFFFFFFB0] =	vst v7  }
0x1f3: {  	[tilespmem:s4+$0xFFFFFF90] =	vst v11  }
0x1f4: {  	v10 =	vld [tilespmem:s4+$0xFFFFFFF0];
	[tilespmem:s4+$0xFFFFFFA0] =	vst v6  }
0x1f5: {  	s16 =	simm.s32 $0x4;
	v6 =	vld.idx.msk [tilespmem:v8+s19+$0x0], $0xffff  }
0x1f6: {  	v7 =	vmov s16;
	v8 =	vld [tilespmem:s4+$0xFFFFFFE0]  }
0x1f7: {  	v9 =	vld [tilespmem:s4+$0xFFFFFFD0];
	v11 =	vshrl.u32 v7, $0x3  }
0x1f8: {  	v12 =	vld [tilespmem:s4+$0xFFFFFFC0];
	v7 =	vor.u32 $0x4, v2;
	v11 =	vshll.u32 v11, v1  }
0x1f9: {  	v11 =	vadd.s32 v11, v7  }
0x1fa: {  	v13 =	vbroadcast v11, $0x0;
	v10 =	vmul.f32 v10, v6  }
0x1fb: {  	v8 =	vmul.f32 v8, v6  }
0x1fc: {  	v9 =	vmul.f32 v9, v6;
	[tilespmem:s4+$0xFFFFFFF0] =	vst v10  }
0x1fd: {  	s21 =	simm.s32 $0x5;
	v14 =	vld [tilespmem:s4+$0x20];
	v6 =	vmul.f32 v12, v6;
	[tilespmem:s4+$0xFFFFFFE0] =	vst v8  }
0x1fe: {  	v15 =	vld [tilespmem:s4+$0x10];
	v8 =	vmov s21;
	[tilespmem:s4+$0xFFFFFFD0] =	vst v9  }
0x1ff: {  	v11 =	vld [tilespmem:s4+$0x0];
	[tilespmem:s4+$0xFFFFFFC0] =	vst v6;
	v8 =	vshrl.u32 v8, $0x3  }
0x200: {  	v9 =	vor.u32 $0x5, v2;
	v6 =	vshll.u32 v8, v1;
	v13 =	vld.idx.msk [tilespmem:v13+s19+$0x0], $0xffff  }
0x201: {  	v10 =	vld [tilespmem:s4+$0x30];
	v12 =	vadd.s32 v6, v9  }
0x202: {  	s6 =	simm.s32 $0x11360;
	s7 =	simm.s32 $0xF;
	s8 =	simm.s32 $0x7;
	v8 =	vor.u32 $0x6, v2;
	v6 =	vor.u32 $0x7, v2;
	v12 =	vbroadcast v12, $0x0  }
.LBB2_9:
0x203: {  	p1 =	sne.s32 s7, $0x4F  }
0x204: {  	s4 =	sadd.s32 $0x200, s4;
	s9 =	smov.u32 s7;
	s7 =	sadd.s32 $0x8, s7  }
0x205: {  	v14 =	vmul.f32 v14, v13;
	v15 =	vmul.f32 v15, v13  }
0x206: {  	v11 =	vmul.f32 v11, v13;
	v10 =	vmul.f32 v10, v13;
	v13 =	vld [tilespmem:s6+$0x70]  }
0x207: {  	[tilespmem:s6+$0x10] =	vst v15;
	v15 =	vld [tilespmem:s6+$0x40]  }
0x208: {  	[tilespmem:s6+$0x0] =	vst v11  }
0x209: {  	[tilespmem:s6+$0x20] =	vst v14  }
0x20a: {  	[tilespmem:s6+$0x30] =	vst v10;
	v10 =	vld [tilespmem:s6+$0x60]  }
0x20b: {  	v11 =	vld.idx.msk [tilespmem:v12+s19+$0x0], $0xffff  }
0x20c: {  	v12 =	vld [tilespmem:s6+$0x50]  }
0x20d: {  	s16 =	sadd.s32 $0xFFFFFFFF, s8  }
0x20e: {  	v14 =	vmov s16  }
0x20f: {  	v14 =	vshrl.u32 v14, $0x3  }
0x210: {  	v14 =	vshll.u32 v14, v1  }
0x211: {  	v14 =	vadd.s32 v14, v8;
	v10 =	vmul.f32 v10, v11;
	v12 =	vmul.f32 v12, v11  }
0x212: {  	v14 =	vbroadcast v14, $0x0;
	v15 =	vmul.f32 v15, v11  }
0x213: {  	[tilespmem:s6+$0x60] =	vst v10;
	v10 =	vmul.f32 v13, v11  }
0x214: {  	[tilespmem:s6+$0x50] =	vst v12;
	v11 =	vld [tilespmem:s6+$0xB0]  }
0x215: {  	[tilespmem:s6+$0x40] =	vst v15  }
0x216: {  	s16 =	sadd.s32 $0xFFFFFFF9, s9  }
0x217: {  	v12 =	vmov s16;
	[tilespmem:s6+$0x70] =	vst v10;
	v10 =	vld [tilespmem:s6+$0x90]  }
0x218: {  	v12 =	vshrl.u32 v12, $0x3;
	v13 =	vld.idx.msk [tilespmem:v14+s19+$0x0], $0xffff  }
0x219: {  	v12 =	vshll.u32 v12, v1;
	v14 =	vld [tilespmem:s6+$0xA0]  }
0x21a: {  	v12 =	vadd.s32 v2, v12;
	v15 =	vld [tilespmem:s6+$0x80]  }
0x21b: {  	v16 =	vmov s8;
	s8 =	smov.u32 s9;
	v12 =	vbroadcast v12, $0x0  }
0x21c: {  	v16 =	vshrl.u32 v16, $0x3  }
0x21d: {  	v16 =	vshll.u32 v16, v1  }
0x21e: {  	v16 =	vadd.s32 v16, v6;
	v11 =	vmul.f32 v11, v13;
	v14 =	vmul.f32 v14, v13  }
0x21f: {  	v16 =	vbroadcast v16, $0x0;
	v15 =	vmul.f32 v15, v13;
	v17 =	vld [tilespmem:s6+$0xD0]  }
0x220: {  	v10 =	vmul.f32 v10, v13;
	v18 =	vld [tilespmem:s4+$0xFFFFFF30];
	[tilespmem:s6+$0xA0] =	vst v14  }
0x221: {  	[tilespmem:s6+$0x80] =	vst v15  }
0x222: {  	s9 =	sadd.s32 $0xFFFFFFFA, s8;
	[tilespmem:s6+$0x90] =	vst v10;
	v10 =	vld [tilespmem:s6+$0xC0]  }
0x223: {  	v13 =	vmov s9;
	[tilespmem:s6+$0xB0] =	vst v11  }
0x224: {  	v11 =	vshrl.u32 v13, $0x3;
	v13 =	vld [tilespmem:s6+$0xF0]  }
0x225: {  	v11 =	vshll.u32 v11, v1;
	v14 =	vld.idx.msk [tilespmem:v16+s19+$0x0], $0xffff  }
0x226: {  	v11 =	vadd.s32 v11, v3  }
0x227: {  	v11 =	vbroadcast v11, $0x0;
	v15 =	vld [tilespmem:s6+$0xE0];
	_ =	sdelay $0x3  }
0x228: {  	v10 =	vmul.f32 v10, v14;
	v16 =	vmul.f32 v17, v14  }
0x229: {  	v13 =	vmul.f32 v13, v14;
	v15 =	vmul.f32 v15, v14  }
0x22a: {  	v14 =	vld [tilespmem:s4+$0xFFFFFF20];
	[tilespmem:s6+$0xC0] =	vst v10  }
0x22b: {  	[tilespmem:s6+$0xE0] =	vst v15  }
0x22c: {  	[tilespmem:s6+$0xF0] =	vst v13  }
0x22d: {  	[tilespmem:s6+$0xD0] =	vst v16;
	s6 =	smov.u32 s4  }
0x22e: {  	v10 =	vld.idx.msk [tilespmem:v12+s19+$0x0], $0xffff  }
0x22f: {  	v12 =	vld [tilespmem:s4+$0xFFFFFF10]  }
0x230: {  	v13 =	vld [tilespmem:s4+$0xFFFFFF00];
	_ =	sdelay $0x1  }
0x231: {  	v15 =	vld [tilespmem:s4+$0xFFFFFF50];
	_ =	sdelay $0x1  }
0x232: {  	s9 =	sadd.s32 $0xFFFFFFFB, s8;
	v14 =	vmul.f32 v14, v10;
	v12 =	vmul.f32 v12, v10  }
0x233: {  	v16 =	vmov s9;
	v13 =	vmul.f32 v13, v10;
	v10 =	vmul.f32 v18, v10  }
0x234: {  	v16 =	vshrl.u32 v16, $0x3;
	[tilespmem:s4+$0xFFFFFF10] =	vst v12;
	v12 =	vld [tilespmem:s4+$0xFFFFFF70]  }
0x235: {  	[tilespmem:s4+$0xFFFFFF30] =	vst v10;
	v10 =	vshll.u32 v16, v1  }
0x236: {  	[tilespmem:s4+$0xFFFFFF00] =	vst v13;
	v10 =	vadd.s32 v10, v4  }
0x237: {  	[tilespmem:s4+$0xFFFFFF20] =	vst v14  }
0x238: {  	v10 =	vbroadcast v10, $0x0;
	v11 =	vld.idx.msk [tilespmem:v11+s19+$0x0], $0xffff  }
0x239: {  	v13 =	vld [tilespmem:s4+$0xFFFFFF40]  }
0x23a: {  	v14 =	vld [tilespmem:s4+$0xFFFFFF60];
	_ =	sdelay $0x2  }
0x23b: {  	v16 =	vld [tilespmem:s4+$0xFFFFFF90]  }
0x23c: {  	v15 =	vmul.f32 v15, v11;
	v13 =	vmul.f32 v13, v11  }
0x23d: {  	s9 =	sadd.s32 $0xFFFFFFFC, s8;
	v14 =	vmul.f32 v14, v11;
	v11 =	vmul.f32 v12, v11;
	v12 =	vld [tilespmem:s4+$0xFFFFFF80]  }
0x23e: {  	[tilespmem:s4+$0xFFFFFF50] =	vst v15;
	v15 =	vmov s9  }
0x23f: {  	[tilespmem:s4+$0xFFFFFF70] =	vst v11;
	v11 =	vshrl.u32 v15, $0x3  }
0x240: {  	[tilespmem:s4+$0xFFFFFF60] =	vst v14;
	v11 =	vshll.u32 v11, v1  }
0x241: {  	[tilespmem:s4+$0xFFFFFF40] =	vst v13;
	v13 =	vld [tilespmem:s4+$0xFFFFFFA0];
	v11 =	vadd.s32 v11, v5  }
0x242: {  	v10 =	vld.idx.msk [tilespmem:v10+s19+$0x0], $0xffff  }
0x243: {  	v14 =	vld [tilespmem:s4+$0xFFFFFFB0]  }
0x244: {  	v11 =	vbroadcast v11, $0x0;
	_ =	sdelay $0x3  }
0x245: {  	v12 =	vmul.f32 v12, v10;
	v14 =	vmul.f32 v14, v10  }
0x246: {  	v15 =	vmul.f32 v16, v10;
	v10 =	vmul.f32 v13, v10  }
0x247: {  	[tilespmem:s4+$0xFFFFFF80] =	vst v12;
	v12 =	vld [tilespmem:s4+$0xFFFFFFF0]  }
0x248: {  	[tilespmem:s4+$0xFFFFFFB0] =	vst v14;
	v13 =	vld [tilespmem:s4+$0xFFFFFFD0]  }
0x249: {  	[tilespmem:s4+$0xFFFFFF90] =	vst v15  }
0x24a: {  	[tilespmem:s4+$0xFFFFFFA0] =	vst v10;
	v10 =	vld [tilespmem:s4+$0xFFFFFFC0]  }
0x24b: {  	s9 =	sadd.s32 $0xFFFFFFFD, s8;
	v14 =	vld [tilespmem:s4+$0xFFFFFFE0]  }
0x24c: {  	v15 =	vmov s9;
	v11 =	vld.idx.msk [tilespmem:v11+s19+$0x0], $0xffff  }
0x24d: {  	v15 =	vshrl.u32 v15, $0x3  }
0x24e: {  	v15 =	vshll.u32 v15, v1  }
0x24f: {  	v15 =	vadd.s32 v15, v7  }
0x250: {  	v15 =	vbroadcast v15, $0x0;
	_ =	sdelay $0x1  }
0x251: {  	v16 =	vmul.f32 v10, v11;
	v10 =	vmul.f32 v12, v11  }
0x252: {  	v12 =	vmul.f32 v13, v11;
	v11 =	vmul.f32 v14, v11  }
0x253: {  	[tilespmem:s4+$0xFFFFFFF0] =	vst v10;
	v10 =	vld [tilespmem:s4+$0x30]  }
0x254: {  	[tilespmem:s4+$0xFFFFFFE0] =	vst v11;
	v11 =	vld [tilespmem:s4+$0x0]  }
0x255: {  	[tilespmem:s4+$0xFFFFFFD0] =	vst v12  }
0x256: {  	s9 =	sadd.s32 $0xFFFFFFFE, s8;
	[tilespmem:s4+$0xFFFFFFC0] =	vst v16  }
0x257: {  	v12 =	vmov s9;
	v14 =	vld [tilespmem:s4+$0x20]  }
.Ltmp3:
0x258: {  	v12 =	vshrl.u32 v12, $0x3;
	v13 =	vld.idx.msk [tilespmem:v15+s19+$0x0], $0xffff;
	(pc) =	sbr.rel @p1 .LBB2_9-.Ltmp3, $3  }
0x259: {  	v12 =	vshll.u32 v12, v1;
	v15 =	vld [tilespmem:s4+$0x10]  }
0x25a: {  	v12 =	vadd.s32 v12, v9;
	_ =	sdelay $0x1  }
0x25b: {  	v12 =	vbroadcast v12, $0x0  }
0x25c: {  	v3 =	vmul.f32 v11, v13  }
0x25d: {  	v2 =	vmul.f32 v15, v13  }
0x25e: {  	v4 =	vmul.f32 v14, v13;
	[tilespmem:s6+$0x0] =	vst v3  }
0x25f: {  	[tilespmem:s6+$0x10] =	vst v2;
	v2 =	vmul.f32 v10, v13  }
0x260: {  	[tilespmem:s6+$0x20] =	vst v4  }
0x261: {  	[tilespmem:s6+$0x30] =	vst v2;
	v2 =	vld [tilespmem:s6+$0x60]  }
0x262: {  	s4 =	sadd.s32 $0xFFFFFFFF, s8;
	v3 =	vld.idx.msk [tilespmem:v12+s19+$0x0], $0xffff  }
0x263: {  	v7 =	vmov s4;
	v4 =	vld [tilespmem:s6+$0x50]  }
0x264: {  	v5 =	vld [tilespmem:s6+$0x40];
	v7 =	vshrl.u32 v7, $0x3  }
0x265: {  	v9 =	vld [tilespmem:s6+$0x70];
	v7 =	vshll.u32 v7, v1  }
0x266: {  	v7 =	vadd.s32 v7, v8  }
0x267: {  	v7 =	vbroadcast v7, $0x0;
	v2 =	vmul.f32 v2, v3  }
0x268: {  	v4 =	vmul.f32 v4, v3  }
0x269: {  	v5 =	vmul.f32 v5, v3;
	[tilespmem:s6+$0x60] =	vst v2  }
0x26a: {  	v2 =	vmul.f32 v9, v3;
	[tilespmem:s6+$0x50] =	vst v4  }
0x26b: {  	[tilespmem:s6+$0x40] =	vst v5  }
0x26c: {  	v3 =	vld [tilespmem:s6+$0xA0];
	[tilespmem:s6+$0x70] =	vst v2  }
0x26d: {  	v2 =	vld.idx.msk [tilespmem:v7+s19+$0x0], $0xffff  }
0x26e: {  	v4 =	vld [tilespmem:s6+$0x80];
	v7 =	vmov s8  }
0x26f: {  	v5 =	vld [tilespmem:s6+$0x90];
	v7 =	vshrl.u32 v7, $0x3  }
0x270: {  	v8 =	vld [tilespmem:s6+$0xB0];
	v7 =	vshll.u32 v7, v1  }
0x271: {  	v6 =	vadd.s32 v7, v6  }
0x272: {  	v6 =	vbroadcast v6, $0x0;
	v3 =	vmul.f32 v3, v2  }
0x273: {  	v4 =	vmul.f32 v4, v2  }
0x274: {  	v5 =	vmul.f32 v5, v2;
	[tilespmem:s6+$0xA0] =	vst v3  }
0x275: {  	v2 =	vmul.f32 v8, v2;
	[tilespmem:s6+$0x80] =	vst v4  }
0x276: {  	[tilespmem:s6+$0x90] =	vst v5  }
0x277: {  	v3 =	vld [tilespmem:s6+$0xC0];
	[tilespmem:s6+$0xB0] =	vst v2  }
0x278: {  	v2 =	vld.idx.msk [tilespmem:v6+s19+$0x0], $0xffff  }
0x279: {  	v4 =	vld [tilespmem:s6+$0xE0]  }
0x27a: {  	v5 =	vld [tilespmem:s6+$0xF0]  }
0x27b: {  	v7 =	vld [tilespmem:s6+$0xD0];
	_ =	sdelay $0x1  }
0x27c: {  	v3 =	vmul.f32 v3, v2  }
0x27d: {  	v4 =	vmul.f32 v4, v2  }
0x27e: {  	v5 =	vmul.f32 v5, v2;
	[tilespmem:s6+$0xC0] =	vst v3  }
0x27f: {  	s8 =	smul.u32 $0x140, s17;
	v2 =	vmul.f32 v7, v2;
	[tilespmem:s6+$0xE0] =	vst v4  }
0x280: {  	s7 =	simm.s32 $0x0;
	[tilespmem:s6+$0xF0] =	vst v5  }
0x281: {  	s4 =	sshra.s32 s8, $0x2;
	[tilespmem:s6+$0xD0] =	vst v2;
	v2 =	vmov s13;
	v3 =	vmov s7  }
0x282: {  	[spmem:s3] =	stream.indirect.scatter.add.f32 [tilespmem:s30], [sflag:$0x8], $0x40, s4, s25, $0xb8;
	v2 =	vmul.u32 $0x50, v2;
	v3 =	vshrl.u32 v3, $0x3;
	[tilespmem:$0x1EE60] =	vst v63  }
0x283: {  	_ =	swait.ge [sflag:s29], $0x1400;
	v3 =	vshll.u32 v3, v1  }
0x284: {  	s6 =	simm.s32 @!p0 $0x50;
	[sflag:s29] =	ssyncset.done $0x0;
	v3 =	vadd.s32 v2, v3  }
0x285: {  	s7 =	simm.s32 @!p0 $0xFE60;
	s4 =	sadd.s32 @!p0 $0x5000, s15;
	[sflag:s29] =	ssyncadd.s32 $0xFFFFEC00;
	v3 =	vbroadcast v3, $0x0  }
0x286: {  	[tilespmem:s7], [sflag:$0x2] =	stream.indirect.gather @!p0 [hbm4b:s1+s6], $0x40, s4, s6, $0xb8;
	[tilespmem:$0x1EE60] =	vst v63  }
0x287: {  	_ =	swait.ge [sflag:s2], $0x1400  }
0x288: {  	[sflag:s2] =	ssyncset.done $0x0  }
0x289: {  	s4 =	simm.s32 $0x12760;
	[sflag:s2] =	ssyncadd.s32 $0xFFFFEC00  }
0x28a: {  	v5 =	vld [tilespmem:s4+$0xFFFFFF10]  }
0x28b: {  	s9 =	simm.s32 $0x1;
	v4 =	vld.idx.msk [tilespmem:v3+s19+$0x0], $0xffff  }
0x28c: {  	v6 =	vld [tilespmem:s4+$0xFFFFFF30];
	v3 =	vmov s9  }
0x28d: {  	v8 =	vld [tilespmem:s4+$0xFFFFFF00];
	v7 =	vshrl.u32 v3, $0x3  }
0x28e: {  	v9 =	vld [tilespmem:s4+$0xFFFFFF20];
	v3 =	vor.u32 $0x1, v2;
	v7 =	vshll.u32 v7, v1  }
0x28f: {  	v7 =	vadd.s32 v7, v3  }
0x290: {  	v7 =	vbroadcast v7, $0x0;
	v5 =	vmul.f32 v5, v4  }
0x291: {  	v6 =	vmul.f32 v6, v4  }
0x292: {  	v8 =	vmul.f32 v8, v4;
	[tilespmem:s4+$0xFFFFFF10] =	vst v5  }
0x293: {  	v4 =	vmul.f32 v9, v4;
	[tilespmem:s4+$0xFFFFFF30] =	vst v6  }
0x294: {  	[tilespmem:s4+$0xFFFFFF00] =	vst v8  }
0x295: {  	v10 =	vld [tilespmem:s4+$0xFFFFFF50];
	[tilespmem:s4+$0xFFFFFF20] =	vst v4  }
0x296: {  	s13 =	simm.s32 $0x2;
	v5 =	vld.idx.msk [tilespmem:v7+s19+$0x0], $0xffff  }
0x297: {  	v4 =	vmov s13;
	v6 =	vld [tilespmem:s4+$0xFFFFFF70]  }
0x298: {  	v8 =	vld [tilespmem:s4+$0xFFFFFF60];
	v7 =	vshrl.u32 v4, $0x3  }
0x299: {  	v9 =	vld [tilespmem:s4+$0xFFFFFF40];
	v4 =	vor.u32 $0x2, v2;
	v7 =	vshll.u32 v7, v1  }
0x29a: {  	v7 =	vadd.s32 v7, v4  }
0x29b: {  	v7 =	vbroadcast v7, $0x0;
	v10 =	vmul.f32 v10, v5  }
0x29c: {  	v6 =	vmul.f32 v6, v5  }
0x29d: {  	v8 =	vmul.f32 v8, v5;
	[tilespmem:s4+$0xFFFFFF50] =	vst v10  }
0x29e: {  	v5 =	vmul.f32 v9, v5;
	[tilespmem:s4+$0xFFFFFF70] =	vst v6  }
0x29f: {  	[tilespmem:s4+$0xFFFFFF60] =	vst v8  }
0x2a0: {  	v11 =	vld [tilespmem:s4+$0xFFFFFF80];
	[tilespmem:s4+$0xFFFFFF40] =	vst v5  }
0x2a1: {  	s16 =	simm.s32 $0x3;
	v6 =	vld.idx.msk [tilespmem:v7+s19+$0x0], $0xffff  }
0x2a2: {  	v5 =	vmov s16;
	v7 =	vld [tilespmem:s4+$0xFFFFFFB0]  }
0x2a3: {  	v12 =	vld [tilespmem:s4+$0xFFFFFF90];
	v8 =	vshrl.u32 v5, $0x3  }
0x2a4: {  	v9 =	vld [tilespmem:s4+$0xFFFFFFA0];
	v5 =	vor.u32 $0x3, v2;
	v8 =	vshll.u32 v8, v1  }
0x2a5: {  	v8 =	vadd.s32 v8, v5  }
0x2a6: {  	v8 =	vbroadcast v8, $0x0;
	v10 =	vmul.f32 v11, v6  }
0x2a7: {  	v7 =	vmul.f32 v7, v6  }
0x2a8: {  	v11 =	vmul.f32 v12, v6;
	[tilespmem:s4+$0xFFFFFF80] =	vst v10  }
0x2a9: {  	v6 =	vmul.f32 v9, v6;
	[tilespmem:s4+$0xFFFFFFB0] =	vst v7  }
0x2aa: {  	[tilespmem:s4+$0xFFFFFF90] =	vst v11  }
0x2ab: {  	v10 =	vld [tilespmem:s4+$0xFFFFFFF0];
	[tilespmem:s4+$0xFFFFFFA0] =	vst v6  }
0x2ac: {  	s17 =	simm.s32 $0x4;
	v6 =	vld.idx.msk [tilespmem:v8+s19+$0x0], $0xffff  }
0x2ad: {  	v7 =	vmov s17;
	v8 =	vld [tilespmem:s4+$0xFFFFFFE0]  }
0x2ae: {  	v9 =	vld [tilespmem:s4+$0xFFFFFFD0];
	v11 =	vshrl.u32 v7, $0x3  }
0x2af: {  	v12 =	vld [tilespmem:s4+$0xFFFFFFC0];
	v7 =	vor.u32 $0x4, v2;
	v11 =	vshll.u32 v11, v1  }
0x2b0: {  	v11 =	vadd.s32 v11, v7  }
0x2b1: {  	v13 =	vbroadcast v11, $0x0;
	v10 =	vmul.f32 v10, v6  }
0x2b2: {  	v8 =	vmul.f32 v8, v6  }
0x2b3: {  	v9 =	vmul.f32 v9, v6;
	[tilespmem:s4+$0xFFFFFFF0] =	vst v10  }
0x2b4: {  	s21 =	simm.s32 $0x5;
	v14 =	vld [tilespmem:s4+$0x20];
	v6 =	vmul.f32 v12, v6;
	[tilespmem:s4+$0xFFFFFFE0] =	vst v8  }
0x2b5: {  	v15 =	vld [tilespmem:s4+$0x10];
	v8 =	vmov s21;
	[tilespmem:s4+$0xFFFFFFD0] =	vst v9  }
0x2b6: {  	v11 =	vld [tilespmem:s4+$0x0];
	[tilespmem:s4+$0xFFFFFFC0] =	vst v6;
	v8 =	vshrl.u32 v8, $0x3  }
0x2b7: {  	v9 =	vor.u32 $0x5, v2;
	v6 =	vshll.u32 v8, v1;
	v13 =	vld.idx.msk [tilespmem:v13+s19+$0x0], $0xffff  }
0x2b8: {  	v10 =	vld [tilespmem:s4+$0x30];
	v12 =	vadd.s32 v6, v9  }
0x2b9: {  	s8 =	simm.s32 $0x7;
	s7 =	simm.s32 $0xF;
	s6 =	simm.s32 $0x12760;
	v8 =	vor.u32 $0x6, v2;
	v6 =	vor.u32 $0x7, v2;
	v12 =	vbroadcast v12, $0x0  }
.LBB2_11:
0x2ba: {  	p1 =	sne.s32 s7, $0x4F  }
0x2bb: {  	s4 =	sadd.s32 $0x200, s4;
	s9 =	smov.u32 s7;
	s7 =	sadd.s32 $0x8, s7  }
0x2bc: {  	v14 =	vmul.f32 v14, v13;
	v15 =	vmul.f32 v15, v13  }
0x2bd: {  	v11 =	vmul.f32 v11, v13;
	v10 =	vmul.f32 v10, v13;
	v13 =	vld [tilespmem:s6+$0x70]  }
0x2be: {  	[tilespmem:s6+$0x10] =	vst v15;
	v15 =	vld [tilespmem:s6+$0x40]  }
0x2bf: {  	[tilespmem:s6+$0x0] =	vst v11  }
0x2c0: {  	[tilespmem:s6+$0x20] =	vst v14  }
0x2c1: {  	[tilespmem:s6+$0x30] =	vst v10;
	v10 =	vld [tilespmem:s6+$0x60]  }
0x2c2: {  	v11 =	vld.idx.msk [tilespmem:v12+s19+$0x0], $0xffff  }
0x2c3: {  	v12 =	vld [tilespmem:s6+$0x50]  }
0x2c4: {  	s13 =	sadd.s32 $0xFFFFFFFF, s8  }
0x2c5: {  	v14 =	vmov s13  }
0x2c6: {  	v14 =	vshrl.u32 v14, $0x3  }
0x2c7: {  	v14 =	vshll.u32 v14, v1  }
0x2c8: {  	v14 =	vadd.s32 v14, v8;
	v10 =	vmul.f32 v10, v11;
	v12 =	vmul.f32 v12, v11  }
0x2c9: {  	v14 =	vbroadcast v14, $0x0;
	v15 =	vmul.f32 v15, v11  }
0x2ca: {  	[tilespmem:s6+$0x60] =	vst v10;
	v10 =	vmul.f32 v13, v11  }
0x2cb: {  	[tilespmem:s6+$0x50] =	vst v12;
	v11 =	vld [tilespmem:s6+$0xB0]  }
0x2cc: {  	[tilespmem:s6+$0x40] =	vst v15  }
0x2cd: {  	s13 =	sadd.s32 $0xFFFFFFF9, s9  }
0x2ce: {  	v12 =	vmov s13;
	[tilespmem:s6+$0x70] =	vst v10;
	v10 =	vld [tilespmem:s6+$0x90]  }
0x2cf: {  	v12 =	vshrl.u32 v12, $0x3;
	v13 =	vld.idx.msk [tilespmem:v14+s19+$0x0], $0xffff  }
0x2d0: {  	v12 =	vshll.u32 v12, v1;
	v14 =	vld [tilespmem:s6+$0xA0]  }
0x2d1: {  	v12 =	vadd.s32 v2, v12;
	v15 =	vld [tilespmem:s6+$0x80]  }
0x2d2: {  	v16 =	vmov s8;
	s8 =	smov.u32 s9;
	v12 =	vbroadcast v12, $0x0  }
0x2d3: {  	v16 =	vshrl.u32 v16, $0x3  }
0x2d4: {  	v16 =	vshll.u32 v16, v1  }
0x2d5: {  	v16 =	vadd.s32 v16, v6;
	v11 =	vmul.f32 v11, v13;
	v14 =	vmul.f32 v14, v13  }
0x2d6: {  	v16 =	vbroadcast v16, $0x0;
	v15 =	vmul.f32 v15, v13;
	v17 =	vld [tilespmem:s6+$0xD0]  }
0x2d7: {  	v10 =	vmul.f32 v10, v13;
	v18 =	vld [tilespmem:s4+$0xFFFFFF30];
	[tilespmem:s6+$0xA0] =	vst v14  }
0x2d8: {  	[tilespmem:s6+$0x80] =	vst v15  }
0x2d9: {  	s9 =	sadd.s32 $0xFFFFFFFA, s8;
	[tilespmem:s6+$0x90] =	vst v10;
	v10 =	vld [tilespmem:s6+$0xC0]  }
0x2da: {  	v13 =	vmov s9;
	[tilespmem:s6+$0xB0] =	vst v11  }
0x2db: {  	v11 =	vshrl.u32 v13, $0x3;
	v13 =	vld [tilespmem:s6+$0xF0]  }
0x2dc: {  	v11 =	vshll.u32 v11, v1;
	v14 =	vld.idx.msk [tilespmem:v16+s19+$0x0], $0xffff  }
0x2dd: {  	v11 =	vadd.s32 v11, v3  }
0x2de: {  	v11 =	vbroadcast v11, $0x0;
	v15 =	vld [tilespmem:s6+$0xE0];
	_ =	sdelay $0x3  }
0x2df: {  	v10 =	vmul.f32 v10, v14;
	v16 =	vmul.f32 v17, v14  }
0x2e0: {  	v13 =	vmul.f32 v13, v14;
	v15 =	vmul.f32 v15, v14  }
0x2e1: {  	v14 =	vld [tilespmem:s4+$0xFFFFFF20];
	[tilespmem:s6+$0xC0] =	vst v10  }
0x2e2: {  	[tilespmem:s6+$0xE0] =	vst v15  }
0x2e3: {  	[tilespmem:s6+$0xF0] =	vst v13  }
0x2e4: {  	[tilespmem:s6+$0xD0] =	vst v16;
	s6 =	smov.u32 s4  }
0x2e5: {  	v10 =	vld.idx.msk [tilespmem:v12+s19+$0x0], $0xffff  }
0x2e6: {  	v12 =	vld [tilespmem:s4+$0xFFFFFF10]  }
0x2e7: {  	v13 =	vld [tilespmem:s4+$0xFFFFFF00];
	_ =	sdelay $0x1  }
0x2e8: {  	v15 =	vld [tilespmem:s4+$0xFFFFFF50];
	_ =	sdelay $0x1  }
0x2e9: {  	s9 =	sadd.s32 $0xFFFFFFFB, s8;
	v14 =	vmul.f32 v14, v10;
	v12 =	vmul.f32 v12, v10  }
0x2ea: {  	v16 =	vmov s9;
	v13 =	vmul.f32 v13, v10;
	v10 =	vmul.f32 v18, v10  }
0x2eb: {  	v16 =	vshrl.u32 v16, $0x3;
	[tilespmem:s4+$0xFFFFFF10] =	vst v12;
	v12 =	vld [tilespmem:s4+$0xFFFFFF70]  }
0x2ec: {  	[tilespmem:s4+$0xFFFFFF30] =	vst v10;
	v10 =	vshll.u32 v16, v1  }
0x2ed: {  	[tilespmem:s4+$0xFFFFFF00] =	vst v13;
	v10 =	vadd.s32 v10, v4  }
0x2ee: {  	[tilespmem:s4+$0xFFFFFF20] =	vst v14  }
0x2ef: {  	v10 =	vbroadcast v10, $0x0;
	v11 =	vld.idx.msk [tilespmem:v11+s19+$0x0], $0xffff  }
0x2f0: {  	v13 =	vld [tilespmem:s4+$0xFFFFFF40]  }
0x2f1: {  	v14 =	vld [tilespmem:s4+$0xFFFFFF60];
	_ =	sdelay $0x2  }
0x2f2: {  	v16 =	vld [tilespmem:s4+$0xFFFFFF90]  }
0x2f3: {  	v15 =	vmul.f32 v15, v11;
	v13 =	vmul.f32 v13, v11  }
0x2f4: {  	s9 =	sadd.s32 $0xFFFFFFFC, s8;
	v14 =	vmul.f32 v14, v11;
	v11 =	vmul.f32 v12, v11;
	v12 =	vld [tilespmem:s4+$0xFFFFFF80]  }
0x2f5: {  	[tilespmem:s4+$0xFFFFFF50] =	vst v15;
	v15 =	vmov s9  }
0x2f6: {  	[tilespmem:s4+$0xFFFFFF70] =	vst v11;
	v11 =	vshrl.u32 v15, $0x3  }
0x2f7: {  	[tilespmem:s4+$0xFFFFFF60] =	vst v14;
	v11 =	vshll.u32 v11, v1  }
0x2f8: {  	[tilespmem:s4+$0xFFFFFF40] =	vst v13;
	v13 =	vld [tilespmem:s4+$0xFFFFFFA0];
	v11 =	vadd.s32 v11, v5  }
0x2f9: {  	v10 =	vld.idx.msk [tilespmem:v10+s19+$0x0], $0xffff  }
0x2fa: {  	v14 =	vld [tilespmem:s4+$0xFFFFFFB0]  }
0x2fb: {  	v11 =	vbroadcast v11, $0x0;
	_ =	sdelay $0x3  }
0x2fc: {  	v12 =	vmul.f32 v12, v10;
	v14 =	vmul.f32 v14, v10  }
0x2fd: {  	v15 =	vmul.f32 v16, v10;
	v10 =	vmul.f32 v13, v10  }
0x2fe: {  	[tilespmem:s4+$0xFFFFFF80] =	vst v12;
	v12 =	vld [tilespmem:s4+$0xFFFFFFF0]  }
0x2ff: {  	[tilespmem:s4+$0xFFFFFFB0] =	vst v14;
	v13 =	vld [tilespmem:s4+$0xFFFFFFD0]  }
0x300: {  	[tilespmem:s4+$0xFFFFFF90] =	vst v15  }
0x301: {  	[tilespmem:s4+$0xFFFFFFA0] =	vst v10;
	v10 =	vld [tilespmem:s4+$0xFFFFFFC0]  }
0x302: {  	s9 =	sadd.s32 $0xFFFFFFFD, s8;
	v14 =	vld [tilespmem:s4+$0xFFFFFFE0]  }
0x303: {  	v15 =	vmov s9;
	v11 =	vld.idx.msk [tilespmem:v11+s19+$0x0], $0xffff  }
0x304: {  	v15 =	vshrl.u32 v15, $0x3  }
0x305: {  	v15 =	vshll.u32 v15, v1  }
0x306: {  	v15 =	vadd.s32 v15, v7  }
0x307: {  	v15 =	vbroadcast v15, $0x0;
	_ =	sdelay $0x1  }
0x308: {  	v16 =	vmul.f32 v10, v11;
	v10 =	vmul.f32 v12, v11  }
0x309: {  	v12 =	vmul.f32 v13, v11;
	v11 =	vmul.f32 v14, v11  }
0x30a: {  	[tilespmem:s4+$0xFFFFFFF0] =	vst v10;
	v10 =	vld [tilespmem:s4+$0x30]  }
0x30b: {  	[tilespmem:s4+$0xFFFFFFE0] =	vst v11;
	v11 =	vld [tilespmem:s4+$0x0]  }
0x30c: {  	[tilespmem:s4+$0xFFFFFFD0] =	vst v12  }
0x30d: {  	s9 =	sadd.s32 $0xFFFFFFFE, s8;
	[tilespmem:s4+$0xFFFFFFC0] =	vst v16  }
0x30e: {  	v12 =	vmov s9;
	v14 =	vld [tilespmem:s4+$0x20]  }
.Ltmp4:
0x30f: {  	v12 =	vshrl.u32 v12, $0x3;
	v13 =	vld.idx.msk [tilespmem:v15+s19+$0x0], $0xffff;
	(pc) =	sbr.rel @p1 .LBB2_11-.Ltmp4, $3  }
0x310: {  	v12 =	vshll.u32 v12, v1;
	v15 =	vld [tilespmem:s4+$0x10]  }
0x311: {  	v12 =	vadd.s32 v12, v9;
	_ =	sdelay $0x1  }
0x312: {  	v12 =	vbroadcast v12, $0x0  }
0x313: {  	v3 =	vmul.f32 v11, v13  }
0x314: {  	v2 =	vmul.f32 v15, v13  }
0x315: {  	v4 =	vmul.f32 v14, v13;
	[tilespmem:s6+$0x0] =	vst v3  }
0x316: {  	[tilespmem:s6+$0x10] =	vst v2;
	v2 =	vmul.f32 v10, v13  }
0x317: {  	[tilespmem:s6+$0x20] =	vst v4  }
0x318: {  	[tilespmem:s6+$0x30] =	vst v2;
	v2 =	vld [tilespmem:s6+$0x60]  }
0x319: {  	s4 =	sadd.s32 $0xFFFFFFFF, s8;
	v3 =	vld.idx.msk [tilespmem:v12+s19+$0x0], $0xffff  }
0x31a: {  	v7 =	vmov s4;
	v4 =	vld [tilespmem:s6+$0x50]  }
0x31b: {  	v5 =	vld [tilespmem:s6+$0x40];
	v7 =	vshrl.u32 v7, $0x3  }
0x31c: {  	v9 =	vld [tilespmem:s6+$0x70];
	v7 =	vshll.u32 v7, v1  }
0x31d: {  	v7 =	vadd.s32 v7, v8  }
0x31e: {  	v7 =	vbroadcast v7, $0x0;
	v2 =	vmul.f32 v2, v3  }
0x31f: {  	v4 =	vmul.f32 v4, v3  }
0x320: {  	v5 =	vmul.f32 v5, v3;
	[tilespmem:s6+$0x60] =	vst v2  }
0x321: {  	v2 =	vmul.f32 v9, v3;
	[tilespmem:s6+$0x50] =	vst v4  }
0x322: {  	[tilespmem:s6+$0x40] =	vst v5  }
0x323: {  	v3 =	vld [tilespmem:s6+$0xA0];
	[tilespmem:s6+$0x70] =	vst v2  }
0x324: {  	v2 =	vld.idx.msk [tilespmem:v7+s19+$0x0], $0xffff  }
0x325: {  	v4 =	vld [tilespmem:s6+$0x80];
	v7 =	vmov s8  }
0x326: {  	v5 =	vld [tilespmem:s6+$0x90];
	v7 =	vshrl.u32 v7, $0x3  }
0x327: {  	v8 =	vld [tilespmem:s6+$0xB0];
	v7 =	vshll.u32 v7, v1  }
0x328: {  	v6 =	vadd.s32 v7, v6  }
0x329: {  	v6 =	vbroadcast v6, $0x0;
	v3 =	vmul.f32 v3, v2  }
0x32a: {  	v4 =	vmul.f32 v4, v2  }
0x32b: {  	v5 =	vmul.f32 v5, v2;
	[tilespmem:s6+$0xA0] =	vst v3  }
0x32c: {  	v2 =	vmul.f32 v8, v2;
	[tilespmem:s6+$0x80] =	vst v4  }
0x32d: {  	[tilespmem:s6+$0x90] =	vst v5  }
0x32e: {  	v3 =	vld [tilespmem:s6+$0xC0];
	[tilespmem:s6+$0xB0] =	vst v2  }
0x32f: {  	v2 =	vld.idx.msk [tilespmem:v6+s19+$0x0], $0xffff  }
0x330: {  	v4 =	vld [tilespmem:s6+$0xE0]  }
0x331: {  	v5 =	vld [tilespmem:s6+$0xF0]  }
0x332: {  	v7 =	vld [tilespmem:s6+$0xD0];
	_ =	sdelay $0x1  }
0x333: {  	v3 =	vmul.f32 v3, v2  }
0x334: {  	v4 =	vmul.f32 v4, v2  }
0x335: {  	v5 =	vmul.f32 v5, v2;
	[tilespmem:s6+$0xC0] =	vst v3  }
0x336: {  	v2 =	vmul.f32 v7, v2;
	[tilespmem:s6+$0xE0] =	vst v4  }
0x337: {  	s13 =	simm.s32 $0x0;
	[tilespmem:s6+$0xF0] =	vst v5  }
0x338: {  	[tilespmem:s6+$0xD0] =	vst v2;
	v2 =	vmov s14;
	v3 =	vmov s13  }
0x339: {  	[spmem:s3] =	stream.indirect.scatter.add.f32 [tilespmem:s31], [sflag:$0x9], $0x40, s11, s25, $0xb8;
	v2 =	vmul.u32 $0x50, v2;
	v3 =	vshrl.u32 v3, $0x3;
	[tilespmem:$0x1EE60] =	vst v63  }
0x33a: {  	_ =	swait.ge [sflag:s18], $0x1400;
	v3 =	vshll.u32 v3, v1  }
0x33b: {  	s7 =	simm.s32 @!p0 $0x11260;
	[sflag:s18] =	ssyncset.done $0x0;
	v3 =	vadd.s32 v2, v3  }
0x33c: {  	s4 =	sadd.s32 @!p0 $0x5050, s15;
	s6 =	simm.s32 @!p0 $0x50;
	[sflag:s18] =	ssyncadd.s32 $0xFFFFEC00;
	v3 =	vbroadcast v3, $0x0  }
0x33d: {  	[tilespmem:s7], [sflag:$0x3] =	stream.indirect.gather @!p0 [hbm4b:s1+s6], $0x40, s4, s6, $0xb8;
	[tilespmem:$0x1EE60] =	vst v63  }
0x33e: {  	_ =	swait.ge [sflag:s5], $0x1400  }
0x33f: {  	[sflag:s5] =	ssyncset.done $0x0  }
0x340: {  	s4 =	simm.s32 $0x13B60;
	[sflag:s5] =	ssyncadd.s32 $0xFFFFEC00  }
0x341: {  	v5 =	vld [tilespmem:s4+$0xFFFFFF10]  }
0x342: {  	s14 =	simm.s32 $0x1;
	v4 =	vld.idx.msk [tilespmem:v3+s19+$0x0], $0xffff  }
0x343: {  	v6 =	vld [tilespmem:s4+$0xFFFFFF30];
	v3 =	vmov s14  }
0x344: {  	v8 =	vld [tilespmem:s4+$0xFFFFFF00];
	v7 =	vshrl.u32 v3, $0x3  }
0x345: {  	v9 =	vld [tilespmem:s4+$0xFFFFFF20];
	v3 =	vor.u32 $0x1, v2;
	v7 =	vshll.u32 v7, v1  }
0x346: {  	v7 =	vadd.s32 v7, v3  }
0x347: {  	v7 =	vbroadcast v7, $0x0;
	v5 =	vmul.f32 v5, v4  }
0x348: {  	v6 =	vmul.f32 v6, v4  }
0x349: {  	v8 =	vmul.f32 v8, v4;
	[tilespmem:s4+$0xFFFFFF10] =	vst v5  }
0x34a: {  	v4 =	vmul.f32 v9, v4;
	[tilespmem:s4+$0xFFFFFF30] =	vst v6  }
0x34b: {  	[tilespmem:s4+$0xFFFFFF00] =	vst v8  }
0x34c: {  	v10 =	vld [tilespmem:s4+$0xFFFFFF50];
	[tilespmem:s4+$0xFFFFFF20] =	vst v4  }
0x34d: {  	s15 =	simm.s32 $0x2;
	v5 =	vld.idx.msk [tilespmem:v7+s19+$0x0], $0xffff  }
0x34e: {  	v4 =	vmov s15;
	v6 =	vld [tilespmem:s4+$0xFFFFFF70]  }
0x34f: {  	v8 =	vld [tilespmem:s4+$0xFFFFFF60];
	v7 =	vshrl.u32 v4, $0x3  }
0x350: {  	v9 =	vld [tilespmem:s4+$0xFFFFFF40];
	v4 =	vor.u32 $0x2, v2;
	v7 =	vshll.u32 v7, v1  }
0x351: {  	v7 =	vadd.s32 v7, v4  }
0x352: {  	v7 =	vbroadcast v7, $0x0;
	v10 =	vmul.f32 v10, v5  }
0x353: {  	v6 =	vmul.f32 v6, v5  }
0x354: {  	v8 =	vmul.f32 v8, v5;
	[tilespmem:s4+$0xFFFFFF50] =	vst v10  }
0x355: {  	v5 =	vmul.f32 v9, v5;
	[tilespmem:s4+$0xFFFFFF70] =	vst v6  }
0x356: {  	[tilespmem:s4+$0xFFFFFF60] =	vst v8  }
0x357: {  	v11 =	vld [tilespmem:s4+$0xFFFFFF80];
	[tilespmem:s4+$0xFFFFFF40] =	vst v5  }
0x358: {  	s16 =	simm.s32 $0x3;
	v6 =	vld.idx.msk [tilespmem:v7+s19+$0x0], $0xffff  }
0x359: {  	v5 =	vmov s16;
	v7 =	vld [tilespmem:s4+$0xFFFFFFB0]  }
0x35a: {  	v12 =	vld [tilespmem:s4+$0xFFFFFF90];
	v8 =	vshrl.u32 v5, $0x3  }
0x35b: {  	v9 =	vld [tilespmem:s4+$0xFFFFFFA0];
	v5 =	vor.u32 $0x3, v2;
	v8 =	vshll.u32 v8, v1  }
0x35c: {  	v8 =	vadd.s32 v8, v5  }
0x35d: {  	v8 =	vbroadcast v8, $0x0;
	v10 =	vmul.f32 v11, v6  }
0x35e: {  	v7 =	vmul.f32 v7, v6  }
0x35f: {  	v11 =	vmul.f32 v12, v6;
	[tilespmem:s4+$0xFFFFFF80] =	vst v10  }
0x360: {  	v6 =	vmul.f32 v9, v6;
	[tilespmem:s4+$0xFFFFFFB0] =	vst v7  }
0x361: {  	[tilespmem:s4+$0xFFFFFF90] =	vst v11  }
0x362: {  	v10 =	vld [tilespmem:s4+$0xFFFFFFF0];
	[tilespmem:s4+$0xFFFFFFA0] =	vst v6  }
0x363: {  	s17 =	simm.s32 $0x4;
	v6 =	vld.idx.msk [tilespmem:v8+s19+$0x0], $0xffff  }
0x364: {  	v7 =	vmov s17;
	v8 =	vld [tilespmem:s4+$0xFFFFFFE0]  }
0x365: {  	v9 =	vld [tilespmem:s4+$0xFFFFFFD0];
	v11 =	vshrl.u32 v7, $0x3  }
0x366: {  	v12 =	vld [tilespmem:s4+$0xFFFFFFC0];
	v7 =	vor.u32 $0x4, v2;
	v11 =	vshll.u32 v11, v1  }
0x367: {  	v11 =	vadd.s32 v11, v7  }
0x368: {  	v13 =	vbroadcast v11, $0x0;
	v10 =	vmul.f32 v10, v6  }
0x369: {  	v8 =	vmul.f32 v8, v6  }
0x36a: {  	v9 =	vmul.f32 v9, v6;
	[tilespmem:s4+$0xFFFFFFF0] =	vst v10  }
0x36b: {  	s21 =	simm.s32 $0x5;
	v14 =	vld [tilespmem:s4+$0x20];
	v6 =	vmul.f32 v12, v6;
	[tilespmem:s4+$0xFFFFFFE0] =	vst v8  }
0x36c: {  	v15 =	vld [tilespmem:s4+$0x10];
	v8 =	vmov s21;
	[tilespmem:s4+$0xFFFFFFD0] =	vst v9  }
0x36d: {  	v11 =	vld [tilespmem:s4+$0x0];
	[tilespmem:s4+$0xFFFFFFC0] =	vst v6;
	v8 =	vshrl.u32 v8, $0x3  }
0x36e: {  	v9 =	vor.u32 $0x5, v2;
	v6 =	vshll.u32 v8, v1;
	v13 =	vld.idx.msk [tilespmem:v13+s19+$0x0], $0xffff  }
0x36f: {  	v10 =	vld [tilespmem:s4+$0x30];
	v12 =	vadd.s32 v6, v9  }
0x370: {  	s8 =	simm.s32 $0x7;
	s7 =	simm.s32 $0xF;
	s6 =	simm.s32 $0x13B60;
	v8 =	vor.u32 $0x6, v2;
	v6 =	vor.u32 $0x7, v2;
	v12 =	vbroadcast v12, $0x0  }
.LBB2_13:
0x371: {  	p0 =	sne.s32 s7, $0x4F  }
0x372: {  	s4 =	sadd.s32 $0x200, s4;
	s9 =	smov.u32 s7;
	s7 =	sadd.s32 $0x8, s7  }
0x373: {  	v14 =	vmul.f32 v14, v13;
	v15 =	vmul.f32 v15, v13  }
0x374: {  	v11 =	vmul.f32 v11, v13;
	v10 =	vmul.f32 v10, v13;
	v13 =	vld [tilespmem:s6+$0x70]  }
0x375: {  	[tilespmem:s6+$0x10] =	vst v15;
	v15 =	vld [tilespmem:s6+$0x40]  }
0x376: {  	[tilespmem:s6+$0x0] =	vst v11  }
0x377: {  	[tilespmem:s6+$0x20] =	vst v14  }
0x378: {  	[tilespmem:s6+$0x30] =	vst v10;
	v10 =	vld [tilespmem:s6+$0x60]  }
0x379: {  	v11 =	vld.idx.msk [tilespmem:v12+s19+$0x0], $0xffff  }
0x37a: {  	v12 =	vld [tilespmem:s6+$0x50]  }
0x37b: {  	s11 =	sadd.s32 $0xFFFFFFFF, s8  }
0x37c: {  	v14 =	vmov s11  }
0x37d: {  	v14 =	vshrl.u32 v14, $0x3  }
0x37e: {  	v14 =	vshll.u32 v14, v1  }
0x37f: {  	v14 =	vadd.s32 v14, v8;
	v10 =	vmul.f32 v10, v11;
	v12 =	vmul.f32 v12, v11  }
0x380: {  	v14 =	vbroadcast v14, $0x0;
	v15 =	vmul.f32 v15, v11  }
0x381: {  	[tilespmem:s6+$0x60] =	vst v10;
	v10 =	vmul.f32 v13, v11  }
0x382: {  	[tilespmem:s6+$0x50] =	vst v12;
	v11 =	vld [tilespmem:s6+$0xB0]  }
0x383: {  	[tilespmem:s6+$0x40] =	vst v15  }
0x384: {  	s11 =	sadd.s32 $0xFFFFFFF9, s9  }
0x385: {  	v12 =	vmov s11;
	[tilespmem:s6+$0x70] =	vst v10;
	v10 =	vld [tilespmem:s6+$0x90]  }
0x386: {  	v12 =	vshrl.u32 v12, $0x3;
	v13 =	vld.idx.msk [tilespmem:v14+s19+$0x0], $0xffff  }
0x387: {  	v12 =	vshll.u32 v12, v1;
	v14 =	vld [tilespmem:s6+$0xA0]  }
0x388: {  	v12 =	vadd.s32 v2, v12;
	v15 =	vld [tilespmem:s6+$0x80]  }
0x389: {  	v16 =	vmov s8;
	s8 =	smov.u32 s9;
	v12 =	vbroadcast v12, $0x0  }
0x38a: {  	v16 =	vshrl.u32 v16, $0x3  }
0x38b: {  	v16 =	vshll.u32 v16, v1  }
0x38c: {  	v16 =	vadd.s32 v16, v6;
	v11 =	vmul.f32 v11, v13;
	v14 =	vmul.f32 v14, v13  }
0x38d: {  	v16 =	vbroadcast v16, $0x0;
	v15 =	vmul.f32 v15, v13;
	v17 =	vld [tilespmem:s6+$0xD0]  }
0x38e: {  	v10 =	vmul.f32 v10, v13;
	v18 =	vld [tilespmem:s4+$0xFFFFFF30];
	[tilespmem:s6+$0xA0] =	vst v14  }
0x38f: {  	[tilespmem:s6+$0x80] =	vst v15  }
0x390: {  	s9 =	sadd.s32 $0xFFFFFFFA, s8;
	[tilespmem:s6+$0x90] =	vst v10;
	v10 =	vld [tilespmem:s6+$0xC0]  }
0x391: {  	v13 =	vmov s9;
	[tilespmem:s6+$0xB0] =	vst v11  }
0x392: {  	v11 =	vshrl.u32 v13, $0x3;
	v13 =	vld [tilespmem:s6+$0xF0]  }
0x393: {  	v11 =	vshll.u32 v11, v1;
	v14 =	vld.idx.msk [tilespmem:v16+s19+$0x0], $0xffff  }
0x394: {  	v11 =	vadd.s32 v11, v3  }
0x395: {  	v11 =	vbroadcast v11, $0x0;
	v15 =	vld [tilespmem:s6+$0xE0];
	_ =	sdelay $0x3  }
0x396: {  	v10 =	vmul.f32 v10, v14;
	v16 =	vmul.f32 v17, v14  }
0x397: {  	v13 =	vmul.f32 v13, v14;
	v15 =	vmul.f32 v15, v14  }
0x398: {  	v14 =	vld [tilespmem:s4+$0xFFFFFF20];
	[tilespmem:s6+$0xC0] =	vst v10  }
0x399: {  	[tilespmem:s6+$0xE0] =	vst v15  }
0x39a: {  	[tilespmem:s6+$0xF0] =	vst v13  }
0x39b: {  	[tilespmem:s6+$0xD0] =	vst v16;
	s6 =	smov.u32 s4  }
0x39c: {  	v10 =	vld.idx.msk [tilespmem:v12+s19+$0x0], $0xffff  }
0x39d: {  	v12 =	vld [tilespmem:s4+$0xFFFFFF10]  }
0x39e: {  	v13 =	vld [tilespmem:s4+$0xFFFFFF00];
	_ =	sdelay $0x1  }
0x39f: {  	v15 =	vld [tilespmem:s4+$0xFFFFFF50];
	_ =	sdelay $0x1  }
0x3a0: {  	s9 =	sadd.s32 $0xFFFFFFFB, s8;
	v14 =	vmul.f32 v14, v10;
	v12 =	vmul.f32 v12, v10  }
0x3a1: {  	v16 =	vmov s9;
	v13 =	vmul.f32 v13, v10;
	v10 =	vmul.f32 v18, v10  }
0x3a2: {  	v16 =	vshrl.u32 v16, $0x3;
	[tilespmem:s4+$0xFFFFFF10] =	vst v12;
	v12 =	vld [tilespmem:s4+$0xFFFFFF70]  }
0x3a3: {  	[tilespmem:s4+$0xFFFFFF30] =	vst v10;
	v10 =	vshll.u32 v16, v1  }
0x3a4: {  	[tilespmem:s4+$0xFFFFFF00] =	vst v13;
	v10 =	vadd.s32 v10, v4  }
0x3a5: {  	[tilespmem:s4+$0xFFFFFF20] =	vst v14  }
0x3a6: {  	v10 =	vbroadcast v10, $0x0;
	v11 =	vld.idx.msk [tilespmem:v11+s19+$0x0], $0xffff  }
0x3a7: {  	v13 =	vld [tilespmem:s4+$0xFFFFFF40]  }
0x3a8: {  	v14 =	vld [tilespmem:s4+$0xFFFFFF60];
	_ =	sdelay $0x2  }
0x3a9: {  	v16 =	vld [tilespmem:s4+$0xFFFFFF90]  }
0x3aa: {  	v15 =	vmul.f32 v15, v11;
	v13 =	vmul.f32 v13, v11  }
0x3ab: {  	s9 =	sadd.s32 $0xFFFFFFFC, s8;
	v14 =	vmul.f32 v14, v11;
	v11 =	vmul.f32 v12, v11;
	v12 =	vld [tilespmem:s4+$0xFFFFFF80]  }
0x3ac: {  	[tilespmem:s4+$0xFFFFFF50] =	vst v15;
	v15 =	vmov s9  }
0x3ad: {  	[tilespmem:s4+$0xFFFFFF70] =	vst v11;
	v11 =	vshrl.u32 v15, $0x3  }
0x3ae: {  	[tilespmem:s4+$0xFFFFFF60] =	vst v14;
	v11 =	vshll.u32 v11, v1  }
0x3af: {  	[tilespmem:s4+$0xFFFFFF40] =	vst v13;
	v13 =	vld [tilespmem:s4+$0xFFFFFFA0];
	v11 =	vadd.s32 v11, v5  }
0x3b0: {  	v10 =	vld.idx.msk [tilespmem:v10+s19+$0x0], $0xffff  }
0x3b1: {  	v14 =	vld [tilespmem:s4+$0xFFFFFFB0]  }
0x3b2: {  	v11 =	vbroadcast v11, $0x0;
	_ =	sdelay $0x3  }
0x3b3: {  	v12 =	vmul.f32 v12, v10;
	v14 =	vmul.f32 v14, v10  }
0x3b4: {  	v15 =	vmul.f32 v16, v10;
	v10 =	vmul.f32 v13, v10  }
0x3b5: {  	[tilespmem:s4+$0xFFFFFF80] =	vst v12;
	v12 =	vld [tilespmem:s4+$0xFFFFFFF0]  }
0x3b6: {  	[tilespmem:s4+$0xFFFFFFB0] =	vst v14;
	v13 =	vld [tilespmem:s4+$0xFFFFFFD0]  }
0x3b7: {  	[tilespmem:s4+$0xFFFFFF90] =	vst v15  }
0x3b8: {  	[tilespmem:s4+$0xFFFFFFA0] =	vst v10;
	v10 =	vld [tilespmem:s4+$0xFFFFFFC0]  }
0x3b9: {  	s9 =	sadd.s32 $0xFFFFFFFD, s8;
	v14 =	vld [tilespmem:s4+$0xFFFFFFE0]  }
0x3ba: {  	v15 =	vmov s9;
	v11 =	vld.idx.msk [tilespmem:v11+s19+$0x0], $0xffff  }
0x3bb: {  	v15 =	vshrl.u32 v15, $0x3  }
0x3bc: {  	v15 =	vshll.u32 v15, v1  }
0x3bd: {  	v15 =	vadd.s32 v15, v7  }
0x3be: {  	v15 =	vbroadcast v15, $0x0;
	_ =	sdelay $0x1  }
0x3bf: {  	v16 =	vmul.f32 v10, v11;
	v10 =	vmul.f32 v12, v11  }
0x3c0: {  	v12 =	vmul.f32 v13, v11;
	v11 =	vmul.f32 v14, v11  }
0x3c1: {  	[tilespmem:s4+$0xFFFFFFF0] =	vst v10;
	v10 =	vld [tilespmem:s4+$0x30]  }
0x3c2: {  	[tilespmem:s4+$0xFFFFFFE0] =	vst v11;
	v11 =	vld [tilespmem:s4+$0x0]  }
0x3c3: {  	[tilespmem:s4+$0xFFFFFFD0] =	vst v12  }
0x3c4: {  	s9 =	sadd.s32 $0xFFFFFFFE, s8;
	[tilespmem:s4+$0xFFFFFFC0] =	vst v16  }
0x3c5: {  	v12 =	vmov s9;
	v14 =	vld [tilespmem:s4+$0x20]  }
.Ltmp5:
0x3c6: {  	v12 =	vshrl.u32 v12, $0x3;
	v13 =	vld.idx.msk [tilespmem:v15+s19+$0x0], $0xffff;
	(pc) =	sbr.rel @p0 .LBB2_13-.Ltmp5, $3  }
0x3c7: {  	v12 =	vshll.u32 v12, v1;
	v15 =	vld [tilespmem:s4+$0x10]  }
0x3c8: {  	v12 =	vadd.s32 v12, v9;
	_ =	sdelay $0x1  }
0x3c9: {  	v12 =	vbroadcast v12, $0x0  }
0x3ca: {  	v3 =	vmul.f32 v11, v13  }
0x3cb: {  	v2 =	vmul.f32 v15, v13  }
0x3cc: {  	v4 =	vmul.f32 v14, v13;
	[tilespmem:s6+$0x0] =	vst v3  }
0x3cd: {  	[tilespmem:s6+$0x10] =	vst v2;
	v2 =	vmul.f32 v10, v13  }
0x3ce: {  	[tilespmem:s6+$0x20] =	vst v4  }
0x3cf: {  	[tilespmem:s6+$0x30] =	vst v2;
	v2 =	vld [tilespmem:s6+$0x60]  }
0x3d0: {  	s4 =	sadd.s32 $0xFFFFFFFF, s8;
	v3 =	vld.idx.msk [tilespmem:v12+s19+$0x0], $0xffff  }
0x3d1: {  	v56 =	vld [tilespmem:s6+$0x50];
	v7 =	vmov s4  }
0x3d2: {  	v5 =	vld [tilespmem:s6+$0x40];
	v7 =	vshrl.u32 v7, $0x3  }
0x3d3: {  	v9 =	vld [tilespmem:s6+$0x70];
	v7 =	vshll.u32 v7, v1  }
0x3d4: {  	v7 =	vadd.s32 v7, v8  }
0x3d5: {  	v7 =	vbroadcast v7, $0x0;
	v2 =	vmul.f32 v2, v3  }
0x3d6: {  	v4 =	vmul.f32 v56, v3  }
0x3d7: {  	v5 =	vmul.f32 v5, v3;
	[tilespmem:s6+$0x60] =	vst v2  }
0x3d8: {  	v2 =	vmul.f32 v9, v3;
	[tilespmem:s6+$0x50] =	vst v4  }
0x3d9: {  	[tilespmem:s6+$0x40] =	vst v5  }
0x3da: {  	v3 =	vld [tilespmem:s6+$0xA0];
	[tilespmem:s6+$0x70] =	vst v2  }
0x3db: {  	v2 =	vld.idx.msk [tilespmem:v7+s19+$0x0], $0xffff  }
0x3dc: {  	v57 =	vld [tilespmem:s6+$0x80];
	v59 =	vmov s8  }
0x3dd: {  	v58 =	vld [tilespmem:s6+$0x90];
	v7 =	vshrl.u32 v59, $0x3  }
0x3de: {  	v60 =	vld [tilespmem:s6+$0xB0];
	v7 =	vshll.u32 v7, v1  }
0x3df: {  	v6 =	vadd.s32 v7, v6  }
0x3e0: {  	v6 =	vbroadcast v6, $0x0;
	v3 =	vmul.f32 v3, v2  }
0x3e1: {  	v4 =	vmul.f32 v57, v2  }
0x3e2: {  	v5 =	vmul.f32 v58, v2;
	[tilespmem:s6+$0xA0] =	vst v3  }
0x3e3: {  	v2 =	vmul.f32 v60, v2;
	[tilespmem:s6+$0x80] =	vst v4  }
0x3e4: {  	[tilespmem:s6+$0x90] =	vst v5  }
0x3e5: {  	v3 =	vld [tilespmem:s6+$0xC0];
	[tilespmem:s6+$0xB0] =	vst v2  }
0x3e6: {  	v2 =	vld.idx.msk [tilespmem:v6+s19+$0x0], $0xffff  }
0x3e7: {  	v62 =	vld [tilespmem:s6+$0xE0]  }
0x3e8: {  	v63 =	vld [tilespmem:s6+$0xF0]  }
0x3e9: {  	v61 =	vld [tilespmem:s6+$0xD0];
	_ =	sdelay $0x1  }
0x3ea: {  	s10 =	sadd.s32 $0x1, s10;
	v3 =	vmul.f32 v3, v2  }
0x3eb: {  	p0 =	sne.s32 s10, $0x32;
	v4 =	vmul.f32 v62, v2  }
.Ltmp6:
0x3ec: {  	v5 =	vmul.f32 v63, v2;
	[tilespmem:s6+$0xC0] =	vst v3;
	(pc) =	sbr.rel @p0 .LBB2_4-.Ltmp6, $4  }
0x3ed: {  	v2 =	vmul.f32 v61, v2;
	[tilespmem:s6+$0xE0] =	vst v4  }
0x3ee: {  	[tilespmem:s6+$0xF0] =	vst v5  }
0x3ef: {  	[tilespmem:s6+$0xD0] =	vst v2  }
0x3f0: {  	[spmem:s3] =	stream.indirect.scatter.add.f32 [tilespmem:s0], [sflag:$0xA], $0x40, s12, s25, $0xb8;
	[tilespmem:$0x1EE60] =	vst v63  }
0x3f1: {  	s4 =	simm.s32 $0x9  }
0x3f2: {  	_ =	swait.ge [sflag:s4], $0x1400  }
0x3f3: {  	[sflag:s4] =	ssyncset.done $0x0  }
0x3f4: {  	s15 =	simm.s32 $0xA;
	[sflag:s4] =	ssyncadd.s32 $0xFFFFEC00  }
0x3f5: {  	_ =	swait.ge [sflag:s15], $0x1400  }
0x3f6: {  	[sflag:s15] =	ssyncset.done $0x0  }
0x3f7: {  	[sflag:s15] =	ssyncadd.s32 $0xFFFFEC00  }
0x3f8: {  	s16 =	stileid.u32;
	[bflag:$0x0] =	sbarrier.arrive $0xFFFF  }
0x3f9: {  	s10 =	simm.s32 $0xB;
	s4 =	sshll.u32 s16, $0x6;
	s8 =	rddreg [dreg:$0x7]  }
0x3fa: {  	s4 =	sor.u32 $0x1C0B, s4;
	s7 =	rddreg [dreg:$0xf];
	s6 =	sshrl.u32 s8, $0x3  }
0x3fb: {  	[hbm:s7], [sflag:s4] =	dma.local [spmem:s6], $0x1400  }
0x3fc: {  	_ =	swait.ge [sflag:s10], $0x1400  }
0x3fd: {  	s17 =	rddreg [dreg:$0x12]  }
0x3fe: {  	s21 =	rddreg [dreg:$0x10];
	s6 =	sadd.s32 $0x1, s17  }
0x3ff: {  	p0 =	sne.s32 s6, s21  }
.Ltmp7:
0x400: {  	_ = 	snop;
	(pc) =	sbr.rel @p0 .LBB2_1-.Ltmp7, $3  }
0x401: {  	_ =	sdelay $0x1  }
0x402: {  	[sflag:s10] =	ssyncset.done $0x0  }
0x403: {  	s9 =	simm.s32 $0x4E20;
	[sflag:s10] =	ssyncadd.s32 $0xFFFFEC00  }
0x404: {  	_ =	sfence.sel $0x180000  }
0x405: {  	[bflag:$0x0] =	sbarrier.arrive $0xFFFF  }
0x406: {  	_ =	strace $0x90000047  }
0x407: {  	s0 =	stileid.u32;
	[bflag:$0x2] =	sbarrier.arrive $0xFFFF  }
0x408: {  	p0 =	sne.s32 s0, $0x0;
	s0 =	rddreg [dreg:$0x4]  }
0x409: {  	s0 =	sadd.s32 @!p0 $0x100000, s0  }
0x40a: {  	[sflag:s0] =	ssyncadd.tile.s32 @!p0 $0x1;
	_ =	shalt  }
.Lfunc_end2:
_tile_overlayer_lowered:
.L_overlay_start_2:
0x40b: {  	(tag) =	ssettag $0x2  }
0x40c: {  	s0 =	rddreg [dreg:$0x0];
	s2 =	stileid.u32  }
0x40d: {  	s1 =	rddreg [dreg:$0x1];
	p0 =	sne.s32 s2, $0x0  }
0x40e: {  	s3 =	rddreg [dreg:$0x2];
	[bflag:$0x3] =	sbarrier.arrive $0xFFFF;
	s2 =	simm.s32 @!p0 $0x1C0B  }
0x40f: {  	[timem:s3], [sflag:s2] =	dma.local @!p0 [hbm:s0], s1  }
0x410: {  	s0 =	simm.s32 @!p0 $0xB  }
0x411: {  	_ =	swait.ge @!p0 [sflag:s0], s1  }
0x412: {  	s1 =	ssub.s32 @!p0 $0x0, s1;
	[sflag:s0] =	ssyncset.done @!p0 $0x0  }
0x413: {  	[sflag:s0] =	ssyncadd.s32 @!p0 s1  }
0x414: {  	[bflag:$0x3] =	sbarrier.arrive $0xFFFF  }
0x415: {  	_ =	shalt  }

</sc_bundles>
